<compile_context>
chip_gen: v7x
topology: tpu7x:2x2x1
jax: 0.10.2.dev20260603
libtpu: 0.0.44.dev20260713+nightly
codegen_flags: <defaults>
</compile_context>

<pallas_src>
import functools

import jax
import jax.numpy as jnp
from jax import lax
from jax.experimental import pallas as pl
from jax.experimental.pallas import tpu as pltpu
from jax.experimental.pallas import tpu_sc as plsc

N = 10000
E = 320000
NC = 2
NS = 16
EPS = E // NS
CE = 80
NCH = EPS // CE
NPAD = 10240
NPS = NPAD // NS
TW = 128

_MESH = plsc.VectorSubcoreMesh(core_axis_name="c", subcore_axis_name="s")
_SC_PARAMS = pltpu.CompilerParams(needs_layout_passes=False)




def _deg_body(row_hbm, col_hbm, ew_hbm, deg_o_hbm, deg_i_hbm,
              idx_v, ew_v, hist_v, tmp_v, acc_v, shared):
    cid = lax.axis_index("c")
    sid = lax.axis_index("s")

    def zero_hist(i, _):
        hist_v[pl.ds(i * 16, 16)] = jnp.zeros((16,), jnp.float32)
        return 0
    lax.fori_loop(0, NPAD // 16, zero_hist, 0)

    def accumulate(src_hbm):
        base = sid * EPS
        def chunk(k, _):
            off = base + k * 2000
            pltpu.sync_copy(src_hbm.at[pl.ds(off, 2000)], idx_v)
            pltpu.sync_copy(ew_hbm.at[pl.ds(off, 2000)], ew_v)
            def grp(g, _):
                ii = idx_v[pl.ds(g * 16, 16)]
                ww = ew_v[pl.ds(g * 16, 16)]
                plsc.addupdate_scatter(hist_v, [ii], ww)
                return 0
            lax.fori_loop(0, 125, grp, 0)
            return 0
        lax.fori_loop(0, 10, chunk, 0)

    @pl.when(cid == 0)
    def _():
        accumulate(row_hbm)

    @pl.when(cid == 1)
    def _():
        accumulate(col_hbm)

    pltpu.sync_copy(hist_v, shared.at[sid])
    plsc.subcore_barrier()

    def zero_acc(r, _):
        acc_v[pl.ds(r * 16, 16)] = jnp.zeros((16,), jnp.float32)
        return 0
    lax.fori_loop(0, NPS // 16, zero_acc, 0)

    def reduce_one(p, _):
        pltpu.sync_copy(shared.at[p, pl.ds(sid * NPS, NPS)], tmp_v)
        def add16(r, _):
            sl = pl.ds(r * 16, 16)
            acc_v[sl] = acc_v[sl] + tmp_v[sl]
            return 0
        lax.fori_loop(0, NPS // 16, add16, 0)
        return 0
    lax.fori_loop(0, 16, reduce_one, 0)

    @pl.when(cid == 0)
    def _():
        pltpu.sync_copy(acc_v, deg_o_hbm.at[pl.ds(sid * NPS, NPS)])

    @pl.when(cid == 1)
    def _():
        pltpu.sync_copy(acc_v, deg_i_hbm.at[pl.ds(sid * NPS, NPS)])


_deg_call = pl.kernel(
    _deg_body,
    out_type=(jax.ShapeDtypeStruct((NPAD,), jnp.float32),
              jax.ShapeDtypeStruct((NPAD,), jnp.float32)),
    mesh=_MESH,
    scratch_types=[
        pltpu.VMEM((2000,), jnp.int32),
        pltpu.VMEM((2000,), jnp.float32),
        pltpu.VMEM((NPAD,), jnp.float32),
        pltpu.VMEM((NPS,), jnp.float32),
        pltpu.VMEM((NPS,), jnp.float32),
        pltpu.VMEM_SHARED((NS, NPAD), jnp.float32),
    ],
    compiler_params=_SC_PARAMS,
)




def _edge_body(ng0, off0, ng1, off1, row_hbm, col_hbm, ew_hbm,
               tbl_b_hbm, tbl_c_hbm, s_o_hbm, s_i_hbm,
               src_v, dst_v, ew_v, rows_v, zb_v, wb_v, acc_sh, sem):
    cid = lax.axis_index("c")
    sid = lax.axis_index("s")
    nfz = TW // 16

    def zero_zb(t, _):
        zb_v[t // nfz, pl.ds((t % nfz) * 16, 16)] = jnp.zeros((16,), jnp.float32)
        return 0
    lax.fori_loop(0, 128 * nfz, zero_zb, 0)

    def zero_acc(j, _):
        pltpu.sync_copy(zb_v, acc_sh.at[pl.ds(sid * NPS + j * 128, 128)])
        return 0
    lax.fori_loop(0, NPS // 128, zero_acc, 0)
    plsc.subcore_barrier()

    def run_dir(src_hbm, dst_hbm, tbl_hbm, ngroups, coff):
        base = sid * EPS
        def chunk(k, _):
            off = base + k * CE
            pltpu.sync_copy(src_hbm.at[pl.ds(off, CE)], src_v)
            pltpu.sync_copy(dst_hbm.at[pl.ds(off, CE)], dst_v)
            pltpu.sync_copy(ew_hbm.at[pl.ds(off, CE)], ew_v)
            pltpu.async_copy(tbl_hbm.at[src_v], rows_v, sem).wait()
            def scale(e, _):
                bidx = jnp.full((16,), e, jnp.int32)
                wv = plsc.load_gather(ew_v, [bidx])
                for f in range(ngroups):
                    sl = pl.ds(coff + f * 16, 16)
                    rows_v[e, sl] = rows_v[e, sl] * wv
                return 0
            lax.fori_loop(0, CE, scale, 0)
            pltpu.sync_copy(rows_v, acc_sh.at[dst_v], add=True)
            return 0
        lax.fori_loop(0, NCH, chunk, 0)

    @pl.when(cid == 0)
    def _():
        run_dir(row_hbm, col_hbm, tbl_b_hbm, ng0, off0)

    @pl.when(cid == 1)
    def _():
        run_dir(col_hbm, row_hbm, tbl_c_hbm, ng1, off1)

    plsc.subcore_barrier()

    def writeback(j, _):
        sl = pl.ds(sid * NPS + j * 128, 128)
        pltpu.sync_copy(acc_sh.at[sl], wb_v)

        @pl.when(cid == 0)
        def _():
            pltpu.sync_copy(wb_v, s_o_hbm.at[sl])

        @pl.when(cid == 1)
        def _():
            pltpu.sync_copy(wb_v, s_i_hbm.at[sl])
        return 0
    lax.fori_loop(0, NPS // 128, writeback, 0)


def _make_edge_call(ng0, off0, ng1, off1):
    return pl.kernel(
        functools.partial(_edge_body, ng0, off0, ng1, off1),
        out_type=(jax.ShapeDtypeStruct((NPAD, TW), jnp.float32),
                  jax.ShapeDtypeStruct((NPAD, TW), jnp.float32)),
        mesh=_MESH,
        scratch_types=[
            pltpu.VMEM((CE,), jnp.int32),
            pltpu.VMEM((CE,), jnp.int32),
            pltpu.VMEM((CE,), jnp.float32),
            pltpu.VMEM((CE, TW), jnp.float32),
            pltpu.VMEM((128, TW), jnp.float32),
            pltpu.VMEM((128, TW), jnp.float32),
            pltpu.VMEM_SHARED((NPAD, TW), jnp.float32),
            pltpu.SemaphoreType.DMA,
        ],
        compiler_params=_SC_PARAMS,
    )


_edge_call_1 = _make_edge_call(7, 0, 7, 0)
_edge_call_2 = _make_edge_call(3, 0, 3, 64)



_BLK = 1000
_GRID = N // _BLK


def _tc1_body(x_ref, wa_ref, wb_ref, wc_ref, deg_o_ref, deg_i_ref,
              xa_ref, tb_ref, tc_ref):
    x = x_ref[...]
    r_o = 1.0 / jnp.where(deg_o_ref[...] == 0.0, 1.0, deg_o_ref[...])
    r_i = 1.0 / jnp.where(deg_i_ref[...] == 0.0, 1.0, deg_i_ref[...])
    xa_ref[...] = jnp.dot(x, wa_ref[...], preferred_element_type=jnp.float32)
    tb_ref[...] = jnp.dot(x, wb_ref[...], preferred_element_type=jnp.float32) * r_o
    tc_ref[...] = jnp.dot(x, wc_ref[...], preferred_element_type=jnp.float32) * r_i


def _tc2_body(xa_ref, so_ref, si_ref, bz_ref, bh_ref, wa2_ref, wbc_ref,
              deg_o_ref, deg_i_ref, xa2_ref, tbl2_ref):
    s = xa_ref[...] + so_ref[...] + si_ref[...]
    z = jax.nn.sigmoid(s[:, :50] + bz_ref[...])
    t = jnp.tanh(s[:, 50:100] + bh_ref[...])
    h1 = jax.nn.relu((1.0 - z) * t)
    r_o = 1.0 / jnp.where(deg_o_ref[...] == 0.0, 1.0, deg_o_ref[...])
    r_i = 1.0 / jnp.where(deg_i_ref[...] == 0.0, 1.0, deg_i_ref[...])
    y = jnp.dot(h1, wbc_ref[...], preferred_element_type=jnp.float32)
    scale = jnp.concatenate([jnp.broadcast_to(r_o, (_BLK, 64)),
                             jnp.broadcast_to(r_i, (_BLK, 64))], axis=1)
    tbl2_ref[...] = y * scale
    xa2_ref[...] = jnp.dot(h1, wa2_ref[...], preferred_element_type=jnp.float32)


def _tc3_body(xa2_ref, so2_ref, si2_ref, bz_ref, bh_ref, lw_ref, lb_ref,
              out_ref):
    s_z = xa2_ref[:, :20] + so2_ref[:, :20] + si2_ref[:, 64:84] + bz_ref[...]
    s_h = xa2_ref[:, 20:40] + so2_ref[:, 20:40] + si2_ref[:, 84:104] + bh_ref[...]
    z = jax.nn.sigmoid(s_z)
    t = jnp.tanh(s_h)
    h2 = jax.nn.relu((1.0 - z) * t)
    out_ref[...] = (jnp.dot(h2, lw_ref[...], preferred_element_type=jnp.float32)
                    + lb_ref[...])


def _row_spec(w):
    return pl.BlockSpec((_BLK, w), lambda i: (i, 0))


def _full_spec(r, w):
    return pl.BlockSpec((r, w), lambda i: (0, 0))


_tc1_call = pl.pallas_call(
    _tc1_body,
    grid=(_GRID,),
    in_specs=[_row_spec(128), _full_spec(128, TW), _full_spec(128, TW),
              _full_spec(128, TW), _row_spec(1), _row_spec(1)],
    out_specs=[_row_spec(TW), _row_spec(TW), _row_spec(TW)],
    out_shape=[jax.ShapeDtypeStruct((N, TW), jnp.float32)] * 3,
)

_tc2_call = pl.pallas_call(
    _tc2_body,
    grid=(_GRID,),
    in_specs=[_row_spec(TW), _row_spec(TW), _row_spec(TW),
              _full_spec(1, 50), _full_spec(1, 50),
              _full_spec(50, 48), _full_spec(50, TW),
              _row_spec(1), _row_spec(1)],
    out_specs=[_row_spec(48), _row_spec(TW)],
    out_shape=[jax.ShapeDtypeStruct((N, 48), jnp.float32),
               jax.ShapeDtypeStruct((N, TW), jnp.float32)],
)

_tc3_call = pl.pallas_call(
    _tc3_body,
    grid=(_GRID,),
    in_specs=[_row_spec(48), _row_spec(TW), _row_spec(TW),
              _full_spec(1, 20), _full_spec(1, 20),
              _full_spec(20, 1), _full_spec(1, 1)],
    out_specs=_row_spec(1),
    out_shape=jax.ShapeDtypeStruct((N, 1), jnp.float32),
)


def _pad_cols(w, width):
    return jnp.pad(w, ((0, 0), (0, width - w.shape[1])))


def kernel(x, edge_index, edge_weight, W1z, b1z, W1r, b1r, W1h, b1h,
           W2z, b2z, W2r, b2r, W2h, b2h, lin_W, lin_b):
    row = edge_index[0]
    col = edge_index[1]

    d1, d2 = 128, 50
    a1 = _pad_cols(jnp.concatenate(
        [W1z[0, 0, :d1] + W1z[1, 0, :d1], W1h[0, 0, :d1] + W1h[1, 0, :d1]], 1), TW)
    b1 = _pad_cols(jnp.concatenate([W1z[0, 1, :d1], W1h[0, 1, :d1]], 1), TW)
    c1 = _pad_cols(jnp.concatenate([W1z[1, 1, :d1], W1h[1, 1, :d1]], 1), TW)
    a2 = _pad_cols(jnp.concatenate(
        [W2z[0, 0, :d2] + W2z[1, 0, :d2], W2h[0, 0, :d2] + W2h[1, 0, :d2]], 1), 48)
    w2bc = jnp.concatenate(
        [_pad_cols(jnp.concatenate([W2z[0, 1, :d2], W2h[0, 1, :d2]], 1), 64),
         _pad_cols(jnp.concatenate([W2z[1, 1, :d2], W2h[1, 1, :d2]], 1), 64)], 1)

    deg_o_p, deg_i_p = _deg_call(row, col, edge_weight)
    deg_o = deg_o_p[:N].reshape(N, 1)
    deg_i = deg_i_p[:N].reshape(N, 1)

    xa, tbl_b, tbl_c = _tc1_call(x, a1, b1, c1, deg_o, deg_i)
    s_o, s_i = _edge_call_1(row, col, edge_weight, tbl_b, tbl_c)
    xa2, tbl2 = _tc2_call(xa, s_o[:N], s_i[:N], b1z.reshape(1, 50),
                          b1h.reshape(1, 50), a2, w2bc, deg_o, deg_i)
    s_o2, s_i2 = _edge_call_2(row, col, edge_weight, tbl2, tbl2)
    return _tc3_call(xa2, s_o2[:N], s_i2[:N], b2z.reshape(1, 20),
                     b2h.reshape(1, 20), lin_W, lin_b.reshape(1, 1))

# --- scband reference (transcript-rebuilt; emitter-appended) ---
"""Pipeline reference for scband-dcrnn-model-8581344657589 (READ-ONLY COPY).

The authoritative reference and input builder live on the scoring server;
editing this copy changes nothing except your own understanding.
"""

import jax, jax.numpy as jnp
import numpy as np

N_NODES = 10000
N_EDGES = 320000
D_FEAT = 128
H1 = 50
H2 = 20
K = 2


def _dconv(X, row, col, ew, W, b):
    # Diffusion convolution (DConv from torch_geometric_temporal):
    # forward diffusion D_out^{-1} A and backward diffusion D_in^{-1} A^T,
    # Chebyshev-style recurrence over K hops. W: [2, K, C_in, C_out].
    n = X.shape[0]
    deg_out = jax.ops.segment_sum(ew, row, num_segments=n)
    deg_in = jax.ops.segment_sum(ew, col, num_segments=n)
    norm_out = ew / jnp.where(deg_out[row] == 0, 1.0, deg_out[row])
    norm_in = ew / jnp.where(deg_in[col] == 0, 1.0, deg_in[col])
    H = X @ W[0, 0] + X @ W[1, 0]
    prev_o = X
    prev_i = X
    cur_o = jax.ops.segment_sum(norm_out[:, None] * X[row], col, num_segments=n)
    cur_i = jax.ops.segment_sum(norm_in[:, None] * X[col], row, num_segments=n)
    H = H + cur_o @ W[0, 1] + cur_i @ W[1, 1]
    for k in range(2, W.shape[1]):
        nxt_o = 2.0 * jax.ops.segment_sum(norm_out[:, None] * cur_o[row], col, num_segments=n) - prev_o
        nxt_i = 2.0 * jax.ops.segment_sum(norm_in[:, None] * cur_i[col], row, num_segments=n) - prev_i
        H = H + nxt_o @ W[0, k] + nxt_i @ W[1, k]
        prev_o, cur_o = cur_o, nxt_o
        prev_i, cur_i = cur_i, nxt_i
    return H + b


def _dcrnn_cell(X, row, col, ew, Wz, bz, Wr, br, Wh, bh):
    # GRU cell with diffusion convolutions; initial hidden state H=0 (H=None in torch).
    H = jnp.zeros((X.shape[0], Wz.shape[-1]), X.dtype)
    XH = jnp.concatenate([X, H], axis=1)
    Z = jax.nn.sigmoid(_dconv(XH, row, col, ew, Wz, bz))
    R = jax.nn.sigmoid(_dconv(XH, row, col, ew, Wr, br))
    XRH = jnp.concatenate([X, R * H], axis=1)
    Ht = jnp.tanh(_dconv(XRH, row, col, ew, Wh, bh))
    return Z * H + (1.0 - Z) * Ht


def setup_inputs(seed: int = 0):
    key = jax.random.key(seed)
    ks = jax.random.split(key, 16)

    def g(k, shape, scale=0.1):
        return jax.random.normal(k, shape, dtype=jnp.float32) * scale

    inp = {}
    inp["x"] = jax.random.normal(ks[0], (N_NODES, D_FEAT), dtype=jnp.float32)
    inp["edge_index"] = jax.random.randint(ks[1], (2, N_EDGES), 0, N_NODES, dtype=jnp.int32)
    inp["edge_weight"] = jax.random.uniform(ks[2], (N_EDGES,), dtype=jnp.float32, minval=0.01, maxval=1.0)
    inp["W1z"] = g(ks[3], (2, K, D_FEAT + H1, H1)); inp["b1z"] = jnp.zeros((H1,), jnp.float32)
    inp["W1r"] = g(ks[4], (2, K, D_FEAT + H1, H1)); inp["b1r"] = jnp.zeros((H1,), jnp.float32)
    inp["W1h"] = g(ks[5], (2, K, D_FEAT + H1, H1)); inp["b1h"] = jnp.zeros((H1,), jnp.float32)
    inp["W2z"] = g(ks[6], (2, K, H1 + H2, H2)); inp["b2z"] = jnp.zeros((H2,), jnp.float32)
    inp["W2r"] = g(ks[7], (2, K, H1 + H2, H2)); inp["b2r"] = jnp.zeros((H2,), jnp.float32)
    inp["W2h"] = g(ks[8], (2, K, H1 + H2, H2)); inp["b2h"] = jnp.zeros((H2,), jnp.float32)
    inp["lin_W"] = g(ks[9], (H2, 1)); inp["lin_b"] = jnp.zeros((1,), jnp.float32)
    return inp


def reference(x, edge_index, edge_weight, W1z, b1z, W1r, b1r, W1h, b1h, W2z, b2z, W2r, b2r, W2h, b2h, lin_W, lin_b):
    row = edge_index[0]
    col = edge_index[1]
    h = _dcrnn_cell(x, row, col, edge_weight, W1z, b1z, W1r, b1r, W1h, b1h)
    h = jax.nn.relu(h)
    # F.dropout in eval mode is identity (deterministic reference)
    h = _dcrnn_cell(h, row, col, edge_weight, W2z, b2z, W2r, b2r, W2h, b2h)
    h = jax.nn.relu(h)
    return h @ lin_W + lin_b

if __name__ == "__main__":
    import jax
    _d = setup_inputs()
    print(jax.jit(kernel)(*tuple(_d.values())))

</pallas_src>

<mosaic_0001>
#map = affine_map<(d0, d1) -> (0)>
module attributes {stable_mosaic.version = 14 : i64} {
  func.func @_deg_body(%arg0: i32, %arg1: i32, %arg2: memref<320000xi32, #tpu.memory_space<hbm>>, %arg3: memref<320000xi32, #tpu.memory_space<hbm>>, %arg4: memref<320000xf32, #tpu.memory_space<hbm>>, %arg5: memref<10240xf32, #tpu.memory_space<hbm>>, %arg6: memref<10240xf32, #tpu.memory_space<hbm>>, %arg7: memref<2000xi32, #tpu.memory_space<vmem>>, %arg8: memref<2000xf32, #tpu.memory_space<vmem>>, %arg9: memref<10240xf32, #tpu.memory_space<vmem>>, %arg10: memref<640xf32, #tpu.memory_space<vmem>>, %arg11: memref<640xf32, #tpu.memory_space<vmem>>, %arg12: memref<16x10240xf32, #tpu.memory_space<vmem_shared>>) attributes {dimension_semantics = [#tpu.dimension_semantics<core_parallel>, #tpu.dimension_semantics<subcore_parallel>], iteration_bounds = array<i64: 2, 16>, scalar_prefetch = 0 : i64, scratch_operands = 6 : i64, tpu.core_type = #tpu.core_type<sc_vector_subcore>, window_params = [{transform_indices = #map}, {transform_indices = #map}, {transform_indices = #map}, {transform_indices = #map}, {transform_indices = #map}]} {
    %scan3A = arith.constant 0 : i32
    %scan3A_0 = arith.constant 0 : i32
    %scan3A_1 = arith.constant 640 : i32
    %scan3A_2 = arith.addi %scan3A_0, %scan3A_1 : i32
    %scan3A_3 = arith.constant 1 : i32
    %scan3A_4 = scf.for %scan3A_37 = %scan3A_0 to %scan3A_2 step %scan3A_3 iter_args(%scan3A_38 = %scan3A) -> (i32)  : i32 {
      %broadcast_in_dim3A = arith.constant 0.000000e+00 : f32
      %broadcast_in_dim3A_39 = vector.broadcast %broadcast_in_dim3A : f32 to vector<16xf32>
      %mul3A = arith.constant 16 : i32
      %mul3A_40 = arith.muli %scan3A_37, %mul3A : i32
      %swap3A = arith.index_cast %mul3A_40 : i32 to index
      %swap3A_41 = tpu.vector_load %arg9[%swap3A] {strides = array<i32>} : memref<10240xf32, #tpu.memory_space<vmem>>, vector<16xf32>,
      tpu.vector_store %arg9[%swap3A], %broadcast_in_dim3A_39 {strides = array<i32>} : memref<10240xf32, #tpu.memory_space<vmem>>, vector<16xf32>,
      %scan3A_42 = arith.constant 0 : i32
      scf.yield %scan3A_42 : i32
    }
    %scan3A_5 = arith.constant 640 : i32
    %eq3A = arith.constant 0 : i32
    %eq3A_6 = arith.cmpi eq, %arg0, %eq3A : i32
    %convert_element_type3A = arith.extui %eq3A_6 : i1 to i32
    %cond3A = arith.constant 0 : i32
    %cond3A_7 = arith.cmpi ne, %convert_element_type3A, %cond3A : i32
    scf.if %cond3A_7 {
      %mul3A = arith.constant 20000 : i32
      %mul3A_37 = arith.muli %arg1, %mul3A : i32
      %scan3A_38 = arith.constant 0 : i32
      %scan3A_39 = arith.constant 0 : i32
      %scan3A_40 = arith.constant 10 : i32
      %scan3A_41 = arith.addi %scan3A_39, %scan3A_40 : i32
      %scan3A_42 = arith.constant 1 : i32
      %scan3A_43 = scf.for %scan3A_45 = %scan3A_39 to %scan3A_41 step %scan3A_42 iter_args(%scan3A_46 = %scan3A_38) -> (i32)  : i32 {
        %mul3A_47 = arith.constant 2000 : i32
        %mul3A_48 = arith.muli %scan3A_45, %mul3A_47 : i32
        %add3A = arith.addi %mul3A_37, %mul3A_48 : i32
        "tpu.region"() ({
          %run_scoped3A = tpu.sem_alloc : memref<!tpu.dma_semaphore, #tpu.memory_space<semaphore_mem>>
          %dma_start3A = tpu.memref_slice %arg2[%add3A] : memref<320000xi32, #tpu.memory_space<hbm>> -> memref<2000xi32, #tpu.memory_space<hbm>>
          %dma_start3A_57 = tpu.memref_slice %arg2[%add3A] : memref<320000xi32, #tpu.memory_space<hbm>> -> memref<2000xi32, #tpu.memory_space<hbm>>
          tpu.enqueue_dma source(%dma_start3A_57 : memref<2000xi32, #tpu.memory_space<hbm>>) target(%arg7 : memref<2000xi32, #tpu.memory_space<vmem>>) target_semaphore(%run_scoped3A : memref<!tpu.dma_semaphore, #tpu.memory_space<semaphore_mem>>)
          %dma_wait3A = tpu.memref_slice %arg2[%add3A] : memref<320000xi32, #tpu.memory_space<hbm>> -> memref<2000xi32, #tpu.memory_space<hbm>>
          %dma_wait3A_58 = tpu.memref_slice %arg2[%add3A] : memref<320000xi32, #tpu.memory_space<hbm>> -> memref<2000xi32, #tpu.memory_space<hbm>>
          tpu.wait_dma2 semaphore(%run_scoped3A : memref<!tpu.dma_semaphore, #tpu.memory_space<semaphore_mem>>) src(%dma_wait3A_58 : memref<2000xi32, #tpu.memory_space<hbm>>) dst(%arg7 : memref<2000xi32, #tpu.memory_space<vmem>>)
          tpu.yield
        }) : () -> ()
        "tpu.region"() ({
          %run_scoped3A = tpu.sem_alloc : memref<!tpu.dma_semaphore, #tpu.memory_space<semaphore_mem>>
          %dma_start3A = tpu.memref_slice %arg4[%add3A] : memref<320000xf32, #tpu.memory_space<hbm>> -> memref<2000xf32, #tpu.memory_space<hbm>>
          %dma_start3A_57 = tpu.memref_slice %arg4[%add3A] : memref<320000xf32, #tpu.memory_space<hbm>> -> memref<2000xf32, #tpu.memory_space<hbm>>
          tpu.enqueue_dma source(%dma_start3A_57 : memref<2000xf32, #tpu.memory_space<hbm>>) target(%arg8 : memref<2000xf32, #tpu.memory_space<vmem>>) target_semaphore(%run_scoped3A : memref<!tpu.dma_semaphore, #tpu.memory_space<semaphore_mem>>)
          %dma_wait3A = tpu.memref_slice %arg4[%add3A] : memref<320000xf32, #tpu.memory_space<hbm>> -> memref<2000xf32, #tpu.memory_space<hbm>>
          %dma_wait3A_58 = tpu.memref_slice %arg4[%add3A] : memref<320000xf32, #tpu.memory_space<hbm>> -> memref<2000xf32, #tpu.memory_space<hbm>>
          tpu.wait_dma2 semaphore(%run_scoped3A : memref<!tpu.dma_semaphore, #tpu.memory_space<semaphore_mem>>) src(%dma_wait3A_58 : memref<2000xf32, #tpu.memory_space<hbm>>) dst(%arg8 : memref<2000xf32, #tpu.memory_space<vmem>>)
          tpu.yield
        }) : () -> ()
        %scan3A_49 = arith.constant 0 : i32
        %scan3A_50 = arith.constant 0 : i32
        %scan3A_51 = arith.constant 125 : i32
        %scan3A_52 = arith.addi %scan3A_50, %scan3A_51 : i32
        %scan3A_53 = arith.constant 1 : i32
        %scan3A_54 = scf.for %scan3A_57 = %scan3A_50 to %scan3A_52 step %scan3A_53 iter_args(%scan3A_58 = %scan3A_49) -> (i32)  : i32 {
          %mul3A_59 = arith.constant 16 : i32
          %mul3A_60 = arith.muli %scan3A_57, %mul3A_59 : i32
          %get3A = arith.index_cast %mul3A_60 : i32 to index
          %get3A_61 = tpu.vector_load %arg7[%get3A] {strides = array<i32>} : memref<2000xi32, #tpu.memory_space<vmem>>, vector<16xi32>,
          %mul3A_62 = arith.constant 16 : i32
          %mul3A_63 = arith.muli %scan3A_57, %mul3A_62 : i32
          %get3A_64 = arith.index_cast %mul3A_63 : i32 to index
          %get3A_65 = tpu.vector_load %arg8[%get3A_64] {strides = array<i32>} : memref<2000xf32, #tpu.memory_space<vmem>>, vector<16xf32>,
          tpu.vector_store_idx %arg9[%get3A_61], %get3A_65 {add = true} : memref<10240xf32, #tpu.memory_space<vmem>>[vector<16xi32>], vector<16xf32>,
          %scan3A_66 = arith.constant 0 : i32
          scf.yield %scan3A_66 : i32
        }
        %scan3A_55 = arith.constant 125 : i32
        %scan3A_56 = arith.constant 0 : i32
        scf.yield %scan3A_56 : i32
      }
      %scan3A_44 = arith.constant 10 : i32
    } else {
    }
    %eq3A_8 = arith.constant 1 : i32
    %eq3A_9 = arith.cmpi eq, %arg0, %eq3A_8 : i32
    %convert_element_type3A_10 = arith.extui %eq3A_9 : i1 to i32
    %cond3A_11 = arith.constant 0 : i32
    %cond3A_12 = arith.cmpi ne, %convert_element_type3A_10, %cond3A_11 : i32
    scf.if %cond3A_12 {
      %mul3A = arith.constant 20000 : i32
      %mul3A_37 = arith.muli %arg1, %mul3A : i32
      %scan3A_38 = arith.constant 0 : i32
      %scan3A_39 = arith.constant 0 : i32
      %scan3A_40 = arith.constant 10 : i32
      %scan3A_41 = arith.addi %scan3A_39, %scan3A_40 : i32
      %scan3A_42 = arith.constant 1 : i32
      %scan3A_43 = scf.for %scan3A_45 = %scan3A_39 to %scan3A_41 step %scan3A_42 iter_args(%scan3A_46 = %scan3A_38) -> (i32)  : i32 {
        %mul3A_47 = arith.constant 2000 : i32
        %mul3A_48 = arith.muli %scan3A_45, %mul3A_47 : i32
        %add3A = arith.addi %mul3A_37, %mul3A_48 : i32
        "tpu.region"() ({
          %run_scoped3A = tpu.sem_alloc : memref<!tpu.dma_semaphore, #tpu.memory_space<semaphore_mem>>
          %dma_start3A = tpu.memref_slice %arg3[%add3A] : memref<320000xi32, #tpu.memory_space<hbm>> -> memref<2000xi32, #tpu.memory_space<hbm>>
          %dma_start3A_57 = tpu.memref_slice %arg3[%add3A] : memref<320000xi32, #tpu.memory_space<hbm>> -> memref<2000xi32, #tpu.memory_space<hbm>>
          tpu.enqueue_dma source(%dma_start3A_57 : memref<2000xi32, #tpu.memory_space<hbm>>) target(%arg7 : memref<2000xi32, #tpu.memory_space<vmem>>) target_semaphore(%run_scoped3A : memref<!tpu.dma_semaphore, #tpu.memory_space<semaphore_mem>>)
          %dma_wait3A = tpu.memref_slice %arg3[%add3A] : memref<320000xi32, #tpu.memory_space<hbm>> -> memref<2000xi32, #tpu.memory_space<hbm>>
          %dma_wait3A_58 = tpu.memref_slice %arg3[%add3A] : memref<320000xi32, #tpu.memory_space<hbm>> -> memref<2000xi32, #tpu.memory_space<hbm>>
          tpu.wait_dma2 semaphore(%run_scoped3A : memref<!tpu.dma_semaphore, #tpu.memory_space<semaphore_mem>>) src(%dma_wait3A_58 : memref<2000xi32, #tpu.memory_space<hbm>>) dst(%arg7 : memref<2000xi32, #tpu.memory_space<vmem>>)
          tpu.yield
        }) : () -> ()
        "tpu.region"() ({
          %run_scoped3A = tpu.sem_alloc : memref<!tpu.dma_semaphore, #tpu.memory_space<semaphore_mem>>
          %dma_start3A = tpu.memref_slice %arg4[%add3A] : memref<320000xf32, #tpu.memory_space<hbm>> -> memref<2000xf32, #tpu.memory_space<hbm>>
          %dma_start3A_57 = tpu.memref_slice %arg4[%add3A] : memref<320000xf32, #tpu.memory_space<hbm>> -> memref<2000xf32, #tpu.memory_space<hbm>>
          tpu.enqueue_dma source(%dma_start3A_57 : memref<2000xf32, #tpu.memory_space<hbm>>) target(%arg8 : memref<2000xf32, #tpu.memory_space<vmem>>) target_semaphore(%run_scoped3A : memref<!tpu.dma_semaphore, #tpu.memory_space<semaphore_mem>>)
          %dma_wait3A = tpu.memref_slice %arg4[%add3A] : memref<320000xf32, #tpu.memory_space<hbm>> -> memref<2000xf32, #tpu.memory_space<hbm>>
          %dma_wait3A_58 = tpu.memref_slice %arg4[%add3A] : memref<320000xf32, #tpu.memory_space<hbm>> -> memref<2000xf32, #tpu.memory_space<hbm>>
          tpu.wait_dma2 semaphore(%run_scoped3A : memref<!tpu.dma_semaphore, #tpu.memory_space<semaphore_mem>>) src(%dma_wait3A_58 : memref<2000xf32, #tpu.memory_space<hbm>>) dst(%arg8 : memref<2000xf32, #tpu.memory_space<vmem>>)
          tpu.yield
        }) : () -> ()
        %scan3A_49 = arith.constant 0 : i32
        %scan3A_50 = arith.constant 0 : i32
        %scan3A_51 = arith.constant 125 : i32
        %scan3A_52 = arith.addi %scan3A_50, %scan3A_51 : i32
        %scan3A_53 = arith.constant 1 : i32
        %scan3A_54 = scf.for %scan3A_57 = %scan3A_50 to %scan3A_52 step %scan3A_53 iter_args(%scan3A_58 = %scan3A_49) -> (i32)  : i32 {
          %mul3A_59 = arith.constant 16 : i32
          %mul3A_60 = arith.muli %scan3A_57, %mul3A_59 : i32
          %get3A = arith.index_cast %mul3A_60 : i32 to index
          %get3A_61 = tpu.vector_load %arg7[%get3A] {strides = array<i32>} : memref<2000xi32, #tpu.memory_space<vmem>>, vector<16xi32>,
          %mul3A_62 = arith.constant 16 : i32
          %mul3A_63 = arith.muli %scan3A_57, %mul3A_62 : i32
          %get3A_64 = arith.index_cast %mul3A_63 : i32 to index
          %get3A_65 = tpu.vector_load %arg8[%get3A_64] {strides = array<i32>} : memref<2000xf32, #tpu.memory_space<vmem>>, vector<16xf32>,
          tpu.vector_store_idx %arg9[%get3A_61], %get3A_65 {add = true} : memref<10240xf32, #tpu.memory_space<vmem>>[vector<16xi32>], vector<16xf32>,
          %scan3A_66 = arith.constant 0 : i32
          scf.yield %scan3A_66 : i32
        }
        %scan3A_55 = arith.constant 125 : i32
        %scan3A_56 = arith.constant 0 : i32
        scf.yield %scan3A_56 : i32
      }
      %scan3A_44 = arith.constant 10 : i32
    } else {
    }
    "tpu.region"() ({
      %run_scoped3A = tpu.sem_alloc : memref<!tpu.dma_semaphore, #tpu.memory_space<semaphore_mem>>
      %dma_start3A = arith.constant 0 : i32
      %dma_start3A_37 = tpu.memref_slice %arg12[%arg1, %dma_start3A] : memref<16x10240xf32, #tpu.memory_space<vmem_shared>> -> memref<1x10240xf32, #tpu.memory_space<vmem_shared>>
      %dma_start3A_38 = tpu.memref_squeeze %dma_start3A_37 : memref<1x10240xf32, #tpu.memory_space<vmem_shared>> -> memref<10240xf32, #tpu.memory_space<vmem_shared>>
      %dma_start3A_39 = arith.constant 0 : i32
      %dma_start3A_40 = tpu.memref_slice %arg12[%arg1, %dma_start3A_39] : memref<16x10240xf32, #tpu.memory_space<vmem_shared>> -> memref<1x10240xf32, #tpu.memory_space<vmem_shared>>
      %dma_start3A_41 = tpu.memref_squeeze %dma_start3A_40 : memref<1x10240xf32, #tpu.memory_space<vmem_shared>> -> memref<10240xf32, #tpu.memory_space<vmem_shared>>
      tpu.enqueue_dma source(%arg9 : memref<10240xf32, #tpu.memory_space<vmem>>) target(%dma_start3A_41 : memref<10240xf32, #tpu.memory_space<vmem_shared>>) target_semaphore(%run_scoped3A : memref<!tpu.dma_semaphore, #tpu.memory_space<semaphore_mem>>)
      %dma_wait3A = arith.constant 0 : i32
      %dma_wait3A_42 = tpu.memref_slice %arg12[%arg1, %dma_wait3A] : memref<16x10240xf32, #tpu.memory_space<vmem_shared>> -> memref<1x10240xf32, #tpu.memory_space<vmem_shared>>
      %dma_wait3A_43 = tpu.memref_squeeze %dma_wait3A_42 : memref<1x10240xf32, #tpu.memory_space<vmem_shared>> -> memref<10240xf32, #tpu.memory_space<vmem_shared>>
      %dma_wait3A_44 = arith.constant 0 : i32
      %dma_wait3A_45 = tpu.memref_slice %arg12[%arg1, %dma_wait3A_44] : memref<16x10240xf32, #tpu.memory_space<vmem_shared>> -> memref<1x10240xf32, #tpu.memory_space<vmem_shared>>
      %dma_wait3A_46 = tpu.memref_squeeze %dma_wait3A_45 : memref<1x10240xf32, #tpu.memory_space<vmem_shared>> -> memref<10240xf32, #tpu.memory_space<vmem_shared>>
      tpu.wait_dma2 semaphore(%run_scoped3A : memref<!tpu.dma_semaphore, #tpu.memory_space<semaphore_mem>>) src(%arg9 : memref<10240xf32, #tpu.memory_space<vmem>>) dst(%dma_wait3A_46 : memref<10240xf32, #tpu.memory_space<vmem_shared>>)
      tpu.yield
    }) : () -> ()
    %barrier3A = arith.constant 0 : index
    tpu.barrier barrier_id(%barrier3A)
    %scan3A_13 = arith.constant 0 : i32
    %scan3A_14 = arith.constant 0 : i32
    %scan3A_15 = arith.constant 40 : i32
    %scan3A_16 = arith.addi %scan3A_14, %scan3A_15 : i32
    %scan3A_17 = arith.constant 1 : i32
    %scan3A_18 = scf.for %scan3A_37 = %scan3A_14 to %scan3A_16 step %scan3A_17 iter_args(%scan3A_38 = %scan3A_13) -> (i32)  : i32 {
      %broadcast_in_dim3A = arith.constant 0.000000e+00 : f32
      %broadcast_in_dim3A_39 = vector.broadcast %broadcast_in_dim3A : f32 to vector<16xf32>
      %mul3A = arith.constant 16 : i32
      %mul3A_40 = arith.muli %scan3A_37, %mul3A : i32
      %swap3A = arith.index_cast %mul3A_40 : i32 to index
      %swap3A_41 = tpu.vector_load %arg11[%swap3A] {strides = array<i32>} : memref<640xf32, #tpu.memory_space<vmem>>, vector<16xf32>,
      tpu.vector_store %arg11[%swap3A], %broadcast_in_dim3A_39 {strides = array<i32>} : memref<640xf32, #tpu.memory_space<vmem>>, vector<16xf32>,
      %scan3A_42 = arith.constant 0 : i32
      scf.yield %scan3A_42 : i32
    }
    %scan3A_19 = arith.constant 40 : i32
    %scan3A_20 = arith.constant 0 : i32
    %scan3A_21 = arith.constant 0 : i32
    %scan3A_22 = arith.constant 16 : i32
    %scan3A_23 = arith.addi %scan3A_21, %scan3A_22 : i32
    %scan3A_24 = arith.constant 1 : i32
    %scan3A_25 = scf.for %scan3A_37 = %scan3A_21 to %scan3A_23 step %scan3A_24 iter_args(%scan3A_38 = %scan3A_20) -> (i32)  : i32 {
      %mul3A = arith.constant 640 : i32
      %mul3A_39 = arith.muli %arg1, %mul3A : i32
      "tpu.region"() ({
        %run_scoped3A = tpu.sem_alloc : memref<!tpu.dma_semaphore, #tpu.memory_space<semaphore_mem>>
        %dma_start3A = tpu.memref_slice %arg12[%scan3A_37, %mul3A_39] : memref<16x10240xf32, #tpu.memory_space<vmem_shared>> -> memref<1x640xf32, #tpu.memory_space<vmem_shared>>
        %dma_start3A_48 = tpu.memref_squeeze %dma_start3A : memref<1x640xf32, #tpu.memory_space<vmem_shared>> -> memref<640xf32, #tpu.memory_space<vmem_shared>>
        %dma_start3A_49 = tpu.memref_slice %arg12[%scan3A_37, %mul3A_39] : memref<16x10240xf32, #tpu.memory_space<vmem_shared>> -> memref<1x640xf32, #tpu.memory_space<vmem_shared>>
        %dma_start3A_50 = tpu.memref_squeeze %dma_start3A_49 : memref<1x640xf32, #tpu.memory_space<vmem_shared>> -> memref<640xf32, #tpu.memory_space<vmem_shared>>
        tpu.enqueue_dma source(%dma_start3A_50 : memref<640xf32, #tpu.memory_space<vmem_shared>>) target(%arg10 : memref<640xf32, #tpu.memory_space<vmem>>) target_semaphore(%run_scoped3A : memref<!tpu.dma_semaphore, #tpu.memory_space<semaphore_mem>>)
        %dma_wait3A = tpu.memref_slice %arg12[%scan3A_37, %mul3A_39] : memref<16x10240xf32, #tpu.memory_space<vmem_shared>> -> memref<1x640xf32, #tpu.memory_space<vmem_shared>>
        %dma_wait3A_51 = tpu.memref_squeeze %dma_wait3A : memref<1x640xf32, #tpu.memory_space<vmem_shared>> -> memref<640xf32, #tpu.memory_space<vmem_shared>>
        %dma_wait3A_52 = tpu.memref_slice %arg12[%scan3A_37, %mul3A_39] : memref<16x10240xf32, #tpu.memory_space<vmem_shared>> -> memref<1x640xf32, #tpu.memory_space<vmem_shared>>
        %dma_wait3A_53 = tpu.memref_squeeze %dma_wait3A_52 : memref<1x640xf32, #tpu.memory_space<vmem_shared>> -> memref<640xf32, #tpu.memory_space<vmem_shared>>
        tpu.wait_dma2 semaphore(%run_scoped3A : memref<!tpu.dma_semaphore, #tpu.memory_space<semaphore_mem>>) src(%dma_wait3A_53 : memref<640xf32, #tpu.memory_space<vmem_shared>>) dst(%arg10 : memref<640xf32, #tpu.memory_space<vmem>>)
        tpu.yield
      }) : () -> ()
      %scan3A_40 = arith.constant 0 : i32
      %scan3A_41 = arith.constant 0 : i32
      %scan3A_42 = arith.constant 40 : i32
      %scan3A_43 = arith.addi %scan3A_41, %scan3A_42 : i32
      %scan3A_44 = arith.constant 1 : i32
      %scan3A_45 = scf.for %scan3A_48 = %scan3A_41 to %scan3A_43 step %scan3A_44 iter_args(%scan3A_49 = %scan3A_40) -> (i32)  : i32 {
        %mul3A_50 = arith.constant 16 : i32
        %mul3A_51 = arith.muli %scan3A_48, %mul3A_50 : i32
        %get3A = arith.index_cast %mul3A_51 : i32 to index
        %get3A_52 = tpu.vector_load %arg11[%get3A] {strides = array<i32>} : memref<640xf32, #tpu.memory_space<vmem>>, vector<16xf32>,
        %get3A_53 = arith.index_cast %mul3A_51 : i32 to index
        %get3A_54 = tpu.vector_load %arg10[%get3A_53] {strides = array<i32>} : memref<640xf32, #tpu.memory_space<vmem>>, vector<16xf32>,
        %add3A = arith.addf %get3A_52, %get3A_54 : vector<16xf32>
        %swap3A = arith.index_cast %mul3A_51 : i32 to index
        %swap3A_55 = tpu.vector_load %arg11[%swap3A] {strides = array<i32>} : memref<640xf32, #tpu.memory_space<vmem>>, vector<16xf32>,
        tpu.vector_store %arg11[%swap3A], %add3A {strides = array<i32>} : memref<640xf32, #tpu.memory_space<vmem>>, vector<16xf32>,
        %scan3A_56 = arith.constant 0 : i32
        scf.yield %scan3A_56 : i32
      }
      %scan3A_46 = arith.constant 40 : i32
      %scan3A_47 = arith.constant 0 : i32
      scf.yield %scan3A_47 : i32
    }
    %scan3A_26 = arith.constant 16 : i32
    %eq3A_27 = arith.constant 0 : i32
    %eq3A_28 = arith.cmpi eq, %arg0, %eq3A_27 : i32
    %convert_element_type3A_29 = arith.extui %eq3A_28 : i1 to i32
    %cond3A_30 = arith.constant 0 : i32
    %cond3A_31 = arith.cmpi ne, %convert_element_type3A_29, %cond3A_30 : i32
    scf.if %cond3A_31 {
      %mul3A = arith.constant 640 : i32
      %mul3A_37 = arith.muli %arg1, %mul3A : i32
      "tpu.region"() ({
        %run_scoped3A = tpu.sem_alloc : memref<!tpu.dma_semaphore, #tpu.memory_space<semaphore_mem>>
        %dma_start3A = tpu.memref_slice %arg5[%mul3A_37] : memref<10240xf32, #tpu.memory_space<hbm>> -> memref<640xf32, #tpu.memory_space<hbm>>
        %dma_start3A_38 = tpu.memref_slice %arg5[%mul3A_37] : memref<10240xf32, #tpu.memory_space<hbm>> -> memref<640xf32, #tpu.memory_space<hbm>>
        tpu.enqueue_dma source(%arg11 : memref<640xf32, #tpu.memory_space<vmem>>) target(%dma_start3A_38 : memref<640xf32, #tpu.memory_space<hbm>>) target_semaphore(%run_scoped3A : memref<!tpu.dma_semaphore, #tpu.memory_space<semaphore_mem>>)
        %dma_wait3A = tpu.memref_slice %arg5[%mul3A_37] : memref<10240xf32, #tpu.memory_space<hbm>> -> memref<640xf32, #tpu.memory_space<hbm>>
        %dma_wait3A_39 = tpu.memref_slice %arg5[%mul3A_37] : memref<10240xf32, #tpu.memory_space<hbm>> -> memref<640xf32, #tpu.memory_space<hbm>>
        tpu.wait_dma2 semaphore(%run_scoped3A : memref<!tpu.dma_semaphore, #tpu.memory_space<semaphore_mem>>) src(%arg11 : memref<640xf32, #tpu.memory_space<vmem>>) dst(%dma_wait3A_39 : memref<640xf32, #tpu.memory_space<hbm>>)
        tpu.yield
      }) : () -> ()
    } else {
    }
    %eq3A_32 = arith.constant 1 : i32
    %eq3A_33 = arith.cmpi eq, %arg0, %eq3A_32 : i32
    %convert_element_type3A_34 = arith.extui %eq3A_33 : i1 to i32
    %cond3A_35 = arith.constant 0 : i32
    %cond3A_36 = arith.cmpi ne, %convert_element_type3A_34, %cond3A_35 : i32
    scf.if %cond3A_36 {
      %mul3A = arith.constant 640 : i32
      %mul3A_37 = arith.muli %arg1, %mul3A : i32
      "tpu.region"() ({
        %run_scoped3A = tpu.sem_alloc : memref<!tpu.dma_semaphore, #tpu.memory_space<semaphore_mem>>
        %dma_start3A = tpu.memref_slice %arg6[%mul3A_37] : memref<10240xf32, #tpu.memory_space<hbm>> -> memref<640xf32, #tpu.memory_space<hbm>>
        %dma_start3A_38 = tpu.memref_slice %arg6[%mul3A_37] : memref<10240xf32, #tpu.memory_space<hbm>> -> memref<640xf32, #tpu.memory_space<hbm>>
        tpu.enqueue_dma source(%arg11 : memref<640xf32, #tpu.memory_space<vmem>>) target(%dma_start3A_38 : memref<640xf32, #tpu.memory_space<hbm>>) target_semaphore(%run_scoped3A : memref<!tpu.dma_semaphore, #tpu.memory_space<semaphore_mem>>)
        %dma_wait3A = tpu.memref_slice %arg6[%mul3A_37] : memref<10240xf32, #tpu.memory_space<hbm>> -> memref<640xf32, #tpu.memory_space<hbm>>
        %dma_wait3A_39 = tpu.memref_slice %arg6[%mul3A_37] : memref<10240xf32, #tpu.memory_space<hbm>> -> memref<640xf32, #tpu.memory_space<hbm>>
        tpu.wait_dma2 semaphore(%run_scoped3A : memref<!tpu.dma_semaphore, #tpu.memory_space<semaphore_mem>>) src(%arg11 : memref<640xf32, #tpu.memory_space<vmem>>) dst(%dma_wait3A_39 : memref<640xf32, #tpu.memory_space<hbm>>)
        tpu.yield
      }) : () -> ()
    } else {
    }
    return
  }
}

#map = affine_map<(d0, d1) -> (0)>
#map1 = affine_map<(d0, d1) -> (0, 0)>
module attributes {stable_mosaic.version = 14 : i64} {
  func.func @_edge_body(%arg0: i32, %arg1: i32, %arg2: memref<320000xi32, #tpu.memory_space<hbm>>, %arg3: memref<320000xi32, #tpu.memory_space<hbm>>, %arg4: memref<320000xf32, #tpu.memory_space<hbm>>, %arg5: memref<10000x128xf32, #tpu.memory_space<hbm>>, %arg6: memref<10000x128xf32, #tpu.memory_space<hbm>>, %arg7: memref<10240x128xf32, #tpu.memory_space<hbm>>, %arg8: memref<10240x128xf32, #tpu.memory_space<hbm>>, %arg9: memref<80xi32, #tpu.memory_space<vmem>>, %arg10: memref<80xi32, #tpu.memory_space<vmem>>, %arg11: memref<80xf32, #tpu.memory_space<vmem>>, %arg12: memref<80x128xf32, #tpu.memory_space<vmem>>, %arg13: memref<128x128xf32, #tpu.memory_space<vmem>>, %arg14: memref<128x128xf32, #tpu.memory_space<vmem>>, %arg15: memref<10240x128xf32, #tpu.memory_space<vmem_shared>>, %arg16: memref<!tpu.dma_semaphore, #tpu.memory_space<semaphore_mem>>) attributes {dimension_semantics = [#tpu.dimension_semantics<core_parallel>, #tpu.dimension_semantics<subcore_parallel>], iteration_bounds = array<i64: 2, 16>, scalar_prefetch = 0 : i64, scratch_operands = 8 : i64, tpu.core_type = #tpu.core_type<sc_vector_subcore>, window_params = [{transform_indices = #map}, {transform_indices = #map}, {transform_indices = #map}, {transform_indices = #map1}, {transform_indices = #map1}, {transform_indices = #map1}, {transform_indices = #map1}]} {
    %scan3A = arith.constant 0 : i32
    %scan3A_0 = arith.constant 0 : i32
    %scan3A_1 = arith.constant 1024 : i32
    %scan3A_2 = arith.addi %scan3A_0, %scan3A_1 : i32
    %scan3A_3 = arith.constant 1 : i32
    %scan3A_4 = scf.for %scan3A_28 = %scan3A_0 to %scan3A_2 step %scan3A_3 iter_args(%scan3A_29 = %scan3A) -> (i32)  : i32 {
      %broadcast_in_dim3A = arith.constant 0.000000e+00 : f32
      %broadcast_in_dim3A_30 = vector.broadcast %broadcast_in_dim3A : f32 to vector<16xf32>
      %jit3A = arith.constant 8 : i32
      %div3A = arith.divsi %scan3A_28, %jit3A : i32
      %sign3A = arith.constant 0 : i32
      %sign3A_31 = arith.cmpi sgt, %scan3A_28, %sign3A : i32
      %sign3A_32 = arith.extui %sign3A_31 : i1 to i32
      %sign3A_33 = arith.constant 0 : i32
      %sign3A_34 = arith.cmpi slt, %scan3A_28, %sign3A_33 : i32
      %sign3A_35 = arith.extui %sign3A_34 : i1 to i32
      %sign3A_36 = arith.subi %sign3A_32, %sign3A_35 : i32
      %sign3A_37 = arith.constant 0 : i32
      %sign3A_38 = arith.cmpi sgt, %jit3A, %sign3A_37 : i32
      %sign3A_39 = arith.extui %sign3A_38 : i1 to i32
      %sign3A_40 = arith.constant 0 : i32
      %sign3A_41 = arith.cmpi slt, %jit3A, %sign3A_40 : i32
      %sign3A_42 = arith.extui %sign3A_41 : i1 to i32
      %sign3A_43 = arith.subi %sign3A_39, %sign3A_42 : i32
      %ne3A = arith.cmpi ne, %sign3A_36, %sign3A_43 : i32
      %rem3A = arith.remsi %scan3A_28, %jit3A : i32
      %ne3A_44 = arith.constant 0 : i32
      %ne3A_45 = arith.cmpi ne, %rem3A, %ne3A_44 : i32
      %and3A = arith.andi %ne3A, %ne3A_45 : i1
      %sub3A = arith.constant 1 : i32
      %sub3A_46 = arith.subi %div3A, %sub3A : i32
      %select_n3A = arith.select %and3A, %sub3A_46, %div3A : i32
      %jit3A_47 = arith.constant 8 : i32
      %eq3A_48 = arith.constant 0 : i32
      %eq3A_49 = arith.cmpi eq, %jit3A_47, %eq3A_48 : i32
      %jit3A_50 = arith.constant 1 : i32
      %select_n3A_51 = arith.select %eq3A_49, %jit3A_50, %jit3A_47 : i32
      %rem3A_52 = arith.remsi %scan3A_28, %select_n3A_51 : i32
      %ne3A_53 = arith.constant 0 : i32
      %ne3A_54 = arith.cmpi ne, %rem3A_52, %ne3A_53 : i32
      %lt3A = arith.constant 0 : i32
      %lt3A_55 = arith.cmpi slt, %rem3A_52, %lt3A : i32
      %lt3A_56 = arith.constant 0 : i32
      %lt3A_57 = arith.cmpi slt, %select_n3A_51, %lt3A_56 : i32
      %ne3A_58 = arith.xori %lt3A_55, %lt3A_57 : i1
      %and3A_59 = arith.andi %ne3A_58, %ne3A_54 : i1
      %add3A = arith.addi %rem3A_52, %select_n3A_51 : i32
      %select_n3A_60 = arith.select %and3A_59, %add3A, %rem3A_52 : i32
      %mul3A = arith.constant 16 : i32
      %mul3A_61 = arith.muli %select_n3A_60, %mul3A : i32
      %swap3A = arith.index_cast %select_n3A : i32 to index
      %swap3A_62 = arith.index_cast %mul3A_61 : i32 to index
      %swap3A_63 = tpu.vector_load %arg13[%swap3A, %swap3A_62] {strides = array<i32>} : memref<128x128xf32, #tpu.memory_space<vmem>>, vector<16xf32>,
      tpu.vector_store %arg13[%swap3A, %swap3A_62], %broadcast_in_dim3A_30 {strides = array<i32>} : memref<128x128xf32, #tpu.memory_space<vmem>>, vector<16xf32>,
      %scan3A_64 = arith.constant 0 : i32
      scf.yield %scan3A_64 : i32
    }
    %scan3A_5 = arith.constant 1024 : i32
    %scan3A_6 = arith.constant 0 : i32
    %scan3A_7 = arith.constant 0 : i32
    %scan3A_8 = arith.constant 5 : i32
    %scan3A_9 = arith.addi %scan3A_7, %scan3A_8 : i32
    %scan3A_10 = arith.constant 1 : i32
    %scan3A_11 = scf.for %scan3A_28 = %scan3A_7 to %scan3A_9 step %scan3A_10 iter_args(%scan3A_29 = %scan3A_6) -> (i32)  : i32 {
      %mul3A = arith.constant 640 : i32
      %mul3A_30 = arith.muli %arg1, %mul3A : i32
      %mul3A_31 = arith.constant 128 : i32
      %mul3A_32 = arith.muli %scan3A_28, %mul3A_31 : i32
      %add3A = arith.addi %mul3A_30, %mul3A_32 : i32
      "tpu.region"() ({
        %run_scoped3A = tpu.sem_alloc : memref<!tpu.dma_semaphore, #tpu.memory_space<semaphore_mem>>
        %dma_start3A = arith.constant 0 : i32
        %dma_start3A_34 = tpu.memref_slice %arg15[%add3A, %dma_start3A] : memref<10240x128xf32, #tpu.memory_space<vmem_shared>> -> memref<128x128xf32, #tpu.memory_space<vmem_shared>>
        %dma_start3A_35 = arith.constant 0 : i32
        %dma_start3A_36 = tpu.memref_slice %arg15[%add3A, %dma_start3A_35] : memref<10240x128xf32, #tpu.memory_space<vmem_shared>> -> memref<128x128xf32, #tpu.memory_space<vmem_shared>>
        tpu.enqueue_dma source(%arg13 : memref<128x128xf32, #tpu.memory_space<vmem>>) target(%dma_start3A_36 : memref<128x128xf32, #tpu.memory_space<vmem_shared>>) target_semaphore(%run_scoped3A : memref<!tpu.dma_semaphore, #tpu.memory_space<semaphore_mem>>)
        %dma_wait3A = arith.constant 0 : i32
        %dma_wait3A_37 = tpu.memref_slice %arg15[%add3A, %dma_wait3A] : memref<10240x128xf32, #tpu.memory_space<vmem_shared>> -> memref<128x128xf32, #tpu.memory_space<vmem_shared>>
        %dma_wait3A_38 = arith.constant 0 : i32
        %dma_wait3A_39 = tpu.memref_slice %arg15[%add3A, %dma_wait3A_38] : memref<10240x128xf32, #tpu.memory_space<vmem_shared>> -> memref<128x128xf32, #tpu.memory_space<vmem_shared>>
        tpu.wait_dma2 semaphore(%run_scoped3A : memref<!tpu.dma_semaphore, #tpu.memory_space<semaphore_mem>>) src(%arg13 : memref<128x128xf32, #tpu.memory_space<vmem>>) dst(%dma_wait3A_39 : memref<128x128xf32, #tpu.memory_space<vmem_shared>>)
        tpu.yield
      }) : () -> ()
      %scan3A_33 = arith.constant 0 : i32
      scf.yield %scan3A_33 : i32
    }
    %scan3A_12 = arith.constant 5 : i32
    %barrier3A = arith.constant 0 : index
    tpu.barrier barrier_id(%barrier3A)
    %eq3A = arith.constant 0 : i32
    %eq3A_13 = arith.cmpi eq, %arg0, %eq3A : i32
    %convert_element_type3A = arith.extui %eq3A_13 : i1 to i32
    %cond3A = arith.constant 0 : i32
    %cond3A_14 = arith.cmpi ne, %convert_element_type3A, %cond3A : i32
    scf.if %cond3A_14 {
      %mul3A = arith.constant 20000 : i32
      %mul3A_28 = arith.muli %arg1, %mul3A : i32
      %scan3A_29 = arith.constant 0 : i32
      %scan3A_30 = arith.constant 0 : i32
      %scan3A_31 = arith.constant 250 : i32
      %scan3A_32 = arith.addi %scan3A_30, %scan3A_31 : i32
      %scan3A_33 = arith.constant 1 : i32
      %scan3A_34 = scf.for %scan3A_36 = %scan3A_30 to %scan3A_32 step %scan3A_33 iter_args(%scan3A_37 = %scan3A_29) -> (i32)  : i32 {
        %mul3A_38 = arith.constant 80 : i32
        %mul3A_39 = arith.muli %scan3A_36, %mul3A_38 : i32
        %add3A = arith.addi %mul3A_28, %mul3A_39 : i32
        "tpu.region"() ({
          %run_scoped3A = tpu.sem_alloc : memref<!tpu.dma_semaphore, #tpu.memory_space<semaphore_mem>>
          %dma_start3A_52 = tpu.memref_slice %arg2[%add3A] : memref<320000xi32, #tpu.memory_space<hbm>> -> memref<80xi32, #tpu.memory_space<hbm>>
          %dma_start3A_53 = tpu.memref_slice %arg2[%add3A] : memref<320000xi32, #tpu.memory_space<hbm>> -> memref<80xi32, #tpu.memory_space<hbm>>
          tpu.enqueue_dma source(%dma_start3A_53 : memref<80xi32, #tpu.memory_space<hbm>>) target(%arg9 : memref<80xi32, #tpu.memory_space<vmem>>) target_semaphore(%run_scoped3A : memref<!tpu.dma_semaphore, #tpu.memory_space<semaphore_mem>>)
          %dma_wait3A_54 = tpu.memref_slice %arg2[%add3A] : memref<320000xi32, #tpu.memory_space<hbm>> -> memref<80xi32, #tpu.memory_space<hbm>>
          %dma_wait3A_55 = tpu.memref_slice %arg2[%add3A] : memref<320000xi32, #tpu.memory_space<hbm>> -> memref<80xi32, #tpu.memory_space<hbm>>
          tpu.wait_dma2 semaphore(%run_scoped3A : memref<!tpu.dma_semaphore, #tpu.memory_space<semaphore_mem>>) src(%dma_wait3A_55 : memref<80xi32, #tpu.memory_space<hbm>>) dst(%arg9 : memref<80xi32, #tpu.memory_space<vmem>>)
          tpu.yield
        }) : () -> ()
        "tpu.region"() ({
          %run_scoped3A = tpu.sem_alloc : memref<!tpu.dma_semaphore, #tpu.memory_space<semaphore_mem>>
          %dma_start3A_52 = tpu.memref_slice %arg3[%add3A] : memref<320000xi32, #tpu.memory_space<hbm>> -> memref<80xi32, #tpu.memory_space<hbm>>
          %dma_start3A_53 = tpu.memref_slice %arg3[%add3A] : memref<320000xi32, #tpu.memory_space<hbm>> -> memref<80xi32, #tpu.memory_space<hbm>>
          tpu.enqueue_dma source(%dma_start3A_53 : memref<80xi32, #tpu.memory_space<hbm>>) target(%arg10 : memref<80xi32, #tpu.memory_space<vmem>>) target_semaphore(%run_scoped3A : memref<!tpu.dma_semaphore, #tpu.memory_space<semaphore_mem>>)
          %dma_wait3A_54 = tpu.memref_slice %arg3[%add3A] : memref<320000xi32, #tpu.memory_space<hbm>> -> memref<80xi32, #tpu.memory_space<hbm>>
          %dma_wait3A_55 = tpu.memref_slice %arg3[%add3A] : memref<320000xi32, #tpu.memory_space<hbm>> -> memref<80xi32, #tpu.memory_space<hbm>>
          tpu.wait_dma2 semaphore(%run_scoped3A : memref<!tpu.dma_semaphore, #tpu.memory_space<semaphore_mem>>) src(%dma_wait3A_55 : memref<80xi32, #tpu.memory_space<hbm>>) dst(%arg10 : memref<80xi32, #tpu.memory_space<vmem>>)
          tpu.yield
        }) : () -> ()
        "tpu.region"() ({
          %run_scoped3A = tpu.sem_alloc : memref<!tpu.dma_semaphore, #tpu.memory_space<semaphore_mem>>
          %dma_start3A_52 = tpu.memref_slice %arg4[%add3A] : memref<320000xf32, #tpu.memory_space<hbm>> -> memref<80xf32, #tpu.memory_space<hbm>>
          %dma_start3A_53 = tpu.memref_slice %arg4[%add3A] : memref<320000xf32, #tpu.memory_space<hbm>> -> memref<80xf32, #tpu.memory_space<hbm>>
          tpu.enqueue_dma source(%dma_start3A_53 : memref<80xf32, #tpu.memory_space<hbm>>) target(%arg11 : memref<80xf32, #tpu.memory_space<vmem>>) target_semaphore(%run_scoped3A : memref<!tpu.dma_semaphore, #tpu.memory_space<semaphore_mem>>)
          %dma_wait3A_54 = tpu.memref_slice %arg4[%add3A] : memref<320000xf32, #tpu.memory_space<hbm>> -> memref<80xf32, #tpu.memory_space<hbm>>
          %dma_wait3A_55 = tpu.memref_slice %arg4[%add3A] : memref<320000xf32, #tpu.memory_space<hbm>> -> memref<80xf32, #tpu.memory_space<hbm>>
          tpu.wait_dma2 semaphore(%run_scoped3A : memref<!tpu.dma_semaphore, #tpu.memory_space<semaphore_mem>>) src(%dma_wait3A_55 : memref<80xf32, #tpu.memory_space<hbm>>) dst(%arg11 : memref<80xf32, #tpu.memory_space<vmem>>)
          tpu.yield
        }) : () -> ()
        %dma_start3A = arith.constant 0 : i32
        %dma_start3A_40 = arith.constant 0 : i32
        %dma_start3A_41 = tpu.memref_slice %arg5[%dma_start3A, %dma_start3A_40] : memref<10000x128xf32, #tpu.memory_space<hbm>> -> memref<10000x128xf32, #tpu.memory_space<hbm>>
        tpu.enqueue_indirect_dma source(%dma_start3A_41 : memref<10000x128xf32, #tpu.memory_space<hbm>>) target(%arg12 : memref<80x128xf32, #tpu.memory_space<vmem>>) offsets(%arg9 : memref<80xi32, #tpu.memory_space<vmem>>) semaphore(%arg16 : memref<!tpu.dma_semaphore, #tpu.memory_space<semaphore_mem>>)
        %dma_wait3A = arith.constant 0 : i32
        %dma_wait3A_42 = arith.constant 0 : i32
        %dma_wait3A_43 = tpu.memref_slice %arg5[%dma_wait3A, %dma_wait3A_42] : memref<10000x128xf32, #tpu.memory_space<hbm>> -> memref<10000x128xf32, #tpu.memory_space<hbm>>
        tpu.wait_indirect_dma semaphore(%arg16 : memref<!tpu.dma_semaphore, #tpu.memory_space<semaphore_mem>>) src(%dma_wait3A_43 : memref<10000x128xf32, #tpu.memory_space<hbm>>) dst(%arg12 : memref<80x128xf32, #tpu.memory_space<vmem>>)
        %scan3A_44 = arith.constant 0 : i32
        %scan3A_45 = arith.constant 0 : i32
        %scan3A_46 = arith.constant 80 : i32
        %scan3A_47 = arith.addi %scan3A_45, %scan3A_46 : i32
        %scan3A_48 = arith.constant 1 : i32
        %scan3A_49 = scf.for %scan3A_52 = %scan3A_45 to %scan3A_47 step %scan3A_48 iter_args(%scan3A_53 = %scan3A_44) -> (i32)  : i32 {
          %broadcast_in_dim3A = vector.broadcast %scan3A_52 : i32 to vector<16xi32>
          %gather3A = tpu.vector_load_idx %arg11[%broadcast_in_dim3A] : memref<80xf32, #tpu.memory_space<vmem>>[vector<16xi32>], vector<16xf32>,
          %get3A = arith.index_cast %scan3A_52 : i32 to index
          %get3A_54 = arith.constant 0 : index
          %get3A_55 = tpu.vector_load %arg12[%get3A, %get3A_54] {strides = array<i32>} : memref<80x128xf32, #tpu.memory_space<vmem>>, vector<16xf32>,
          %mul3A_56 = arith.mulf %get3A_55, %gather3A : vector<16xf32>
          %swap3A = arith.index_cast %scan3A_52 : i32 to index
          %swap3A_57 = arith.constant 0 : index
          %swap3A_58 = tpu.vector_load %arg12[%swap3A, %swap3A_57] {strides = array<i32>} : memref<80x128xf32, #tpu.memory_space<vmem>>, vector<16xf32>,
          tpu.vector_store %arg12[%swap3A, %swap3A_57], %mul3A_56 {strides = array<i32>} : memref<80x128xf32, #tpu.memory_space<vmem>>, vector<16xf32>,
          %get3A_59 = arith.index_cast %scan3A_52 : i32 to index
          %get3A_60 = arith.constant 16 : index
          %get3A_61 = tpu.vector_load %arg12[%get3A_59, %get3A_60] {strides = array<i32>} : memref<80x128xf32, #tpu.memory_space<vmem>>, vector<16xf32>,
          %mul3A_62 = arith.mulf %get3A_61, %gather3A : vector<16xf32>
          %swap3A_63 = arith.index_cast %scan3A_52 : i32 to index
          %swap3A_64 = arith.constant 16 : index
          %swap3A_65 = tpu.vector_load %arg12[%swap3A_63, %swap3A_64] {strides = array<i32>} : memref<80x128xf32, #tpu.memory_space<vmem>>, vector<16xf32>,
          tpu.vector_store %arg12[%swap3A_63, %swap3A_64], %mul3A_62 {strides = array<i32>} : memref<80x128xf32, #tpu.memory_space<vmem>>, vector<16xf32>,
          %get3A_66 = arith.index_cast %scan3A_52 : i32 to index
          %get3A_67 = arith.constant 32 : index
          %get3A_68 = tpu.vector_load %arg12[%get3A_66, %get3A_67] {strides = array<i32>} : memref<80x128xf32, #tpu.memory_space<vmem>>, vector<16xf32>,
          %mul3A_69 = arith.mulf %get3A_68, %gather3A : vector<16xf32>
          %swap3A_70 = arith.index_cast %scan3A_52 : i32 to index
          %swap3A_71 = arith.constant 32 : index
          %swap3A_72 = tpu.vector_load %arg12[%swap3A_70, %swap3A_71] {strides = array<i32>} : memref<80x128xf32, #tpu.memory_space<vmem>>, vector<16xf32>,
          tpu.vector_store %arg12[%swap3A_70, %swap3A_71], %mul3A_69 {strides = array<i32>} : memref<80x128xf32, #tpu.memory_space<vmem>>, vector<16xf32>,
          %get3A_73 = arith.index_cast %scan3A_52 : i32 to index
          %get3A_74 = arith.constant 48 : index
          %get3A_75 = tpu.vector_load %arg12[%get3A_73, %get3A_74] {strides = array<i32>} : memref<80x128xf32, #tpu.memory_space<vmem>>, vector<16xf32>,
          %mul3A_76 = arith.mulf %get3A_75, %gather3A : vector<16xf32>
          %swap3A_77 = arith.index_cast %scan3A_52 : i32 to index
          %swap3A_78 = arith.constant 48 : index
          %swap3A_79 = tpu.vector_load %arg12[%swap3A_77, %swap3A_78] {strides = array<i32>} : memref<80x128xf32, #tpu.memory_space<vmem>>, vector<16xf32>,
          tpu.vector_store %arg12[%swap3A_77, %swap3A_78], %mul3A_76 {strides = array<i32>} : memref<80x128xf32, #tpu.memory_space<vmem>>, vector<16xf32>,
          %get3A_80 = arith.index_cast %scan3A_52 : i32 to index
          %get3A_81 = arith.constant 64 : index
          %get3A_82 = tpu.vector_load %arg12[%get3A_80, %get3A_81] {strides = array<i32>} : memref<80x128xf32, #tpu.memory_space<vmem>>, vector<16xf32>,
          %mul3A_83 = arith.mulf %get3A_82, %gather3A : vector<16xf32>
          %swap3A_84 = arith.index_cast %scan3A_52 : i32 to index
          %swap3A_85 = arith.constant 64 : index
          %swap3A_86 = tpu.vector_load %arg12[%swap3A_84, %swap3A_85] {strides = array<i32>} : memref<80x128xf32, #tpu.memory_space<vmem>>, vector<16xf32>,
          tpu.vector_store %arg12[%swap3A_84, %swap3A_85], %mul3A_83 {strides = array<i32>} : memref<80x128xf32, #tpu.memory_space<vmem>>, vector<16xf32>,
          %get3A_87 = arith.index_cast %scan3A_52 : i32 to index
          %get3A_88 = arith.constant 80 : index
          %get3A_89 = tpu.vector_load %arg12[%get3A_87, %get3A_88] {strides = array<i32>} : memref<80x128xf32, #tpu.memory_space<vmem>>, vector<16xf32>,
          %mul3A_90 = arith.mulf %get3A_89, %gather3A : vector<16xf32>
          %swap3A_91 = arith.index_cast %scan3A_52 : i32 to index
          %swap3A_92 = arith.constant 80 : index
          %swap3A_93 = tpu.vector_load %arg12[%swap3A_91, %swap3A_92] {strides = array<i32>} : memref<80x128xf32, #tpu.memory_space<vmem>>, vector<16xf32>,
          tpu.vector_store %arg12[%swap3A_91, %swap3A_92], %mul3A_90 {strides = array<i32>} : memref<80x128xf32, #tpu.memory_space<vmem>>, vector<16xf32>,
          %get3A_94 = arith.index_cast %scan3A_52 : i32 to index
          %get3A_95 = arith.constant 96 : index
          %get3A_96 = tpu.vector_load %arg12[%get3A_94, %get3A_95] {strides = array<i32>} : memref<80x128xf32, #tpu.memory_space<vmem>>, vector<16xf32>,
          %mul3A_97 = arith.mulf %get3A_96, %gather3A : vector<16xf32>
          %swap3A_98 = arith.index_cast %scan3A_52 : i32 to index
          %swap3A_99 = arith.constant 96 : index
          %swap3A_100 = tpu.vector_load %arg12[%swap3A_98, %swap3A_99] {strides = array<i32>} : memref<80x128xf32, #tpu.memory_space<vmem>>, vector<16xf32>,
          tpu.vector_store %arg12[%swap3A_98, %swap3A_99], %mul3A_97 {strides = array<i32>} : memref<80x128xf32, #tpu.memory_space<vmem>>, vector<16xf32>,
          %scan3A_101 = arith.constant 0 : i32
          scf.yield %scan3A_101 : i32
        }
        %scan3A_50 = arith.constant 80 : i32
        "tpu.region"() ({
          %run_scoped3A = tpu.sem_alloc : memref<!tpu.dma_semaphore, #tpu.memory_space<semaphore_mem>>
          %dma_start3A_52 = arith.constant 0 : i32
          %dma_start3A_53 = arith.constant 0 : i32
          %dma_start3A_54 = tpu.memref_slice %arg15[%dma_start3A_52, %dma_start3A_53] : memref<10240x128xf32, #tpu.memory_space<vmem_shared>> -> memref<10240x128xf32, #tpu.memory_space<vmem_shared>>
          tpu.enqueue_indirect_dma source(%arg12 : memref<80x128xf32, #tpu.memory_space<vmem>>) target(%dma_start3A_54 : memref<10240x128xf32, #tpu.memory_space<vmem_shared>>) offsets(%arg10 : memref<80xi32, #tpu.memory_space<vmem>>) semaphore(%run_scoped3A : memref<!tpu.dma_semaphore, #tpu.memory_space<semaphore_mem>>) {add = true}
          %dma_wait3A_55 = arith.constant 0 : i32
          %dma_wait3A_56 = arith.constant 0 : i32
          %dma_wait3A_57 = tpu.memref_slice %arg15[%dma_wait3A_55, %dma_wait3A_56] : memref<10240x128xf32, #tpu.memory_space<vmem_shared>> -> memref<10240x128xf32, #tpu.memory_space<vmem_shared>>
          tpu.wait_indirect_dma semaphore(%run_scoped3A : memref<!tpu.dma_semaphore, #tpu.memory_space<semaphore_mem>>) src(%arg12 : memref<80x128xf32, #tpu.memory_space<vmem>>) dst(%dma_wait3A_57 : memref<10240x128xf32, #tpu.memory_space<vmem_shared>>)
          tpu.yield
        }) : () -> ()
        %scan3A_51 = arith.constant 0 : i32
        scf.yield %scan3A_51 : i32
      }
      %scan3A_35 = arith.constant 250 : i32
    } else {
    }
    %eq3A_15 = arith.constant 1 : i32
    %eq3A_16 = arith.cmpi eq, %arg0, %eq3A_15 : i32
    %convert_element_type3A_17 = arith.extui %eq3A_16 : i1 to i32
    %cond3A_18 = arith.constant 0 : i32
    %cond3A_19 = arith.cmpi ne, %convert_element_type3A_17, %cond3A_18 : i32
    scf.if %cond3A_19 {
      %mul3A = arith.constant 20000 : i32
      %mul3A_28 = arith.muli %arg1, %mul3A : i32
      %scan3A_29 = arith.constant 0 : i32
      %scan3A_30 = arith.constant 0 : i32
      %scan3A_31 = arith.constant 250 : i32
      %scan3A_32 = arith.addi %scan3A_30, %scan3A_31 : i32
      %scan3A_33 = arith.constant 1 : i32
      %scan3A_34 = scf.for %scan3A_36 = %scan3A_30 to %scan3A_32 step %scan3A_33 iter_args(%scan3A_37 = %scan3A_29) -> (i32)  : i32 {
        %mul3A_38 = arith.constant 80 : i32
        %mul3A_39 = arith.muli %scan3A_36, %mul3A_38 : i32
        %add3A = arith.addi %mul3A_28, %mul3A_39 : i32
        "tpu.region"() ({
          %run_scoped3A = tpu.sem_alloc : memref<!tpu.dma_semaphore, #tpu.memory_space<semaphore_mem>>
          %dma_start3A_52 = tpu.memref_slice %arg3[%add3A] : memref<320000xi32, #tpu.memory_space<hbm>> -> memref<80xi32, #tpu.memory_space<hbm>>
          %dma_start3A_53 = tpu.memref_slice %arg3[%add3A] : memref<320000xi32, #tpu.memory_space<hbm>> -> memref<80xi32, #tpu.memory_space<hbm>>
          tpu.enqueue_dma source(%dma_start3A_53 : memref<80xi32, #tpu.memory_space<hbm>>) target(%arg9 : memref<80xi32, #tpu.memory_space<vmem>>) target_semaphore(%run_scoped3A : memref<!tpu.dma_semaphore, #tpu.memory_space<semaphore_mem>>)
          %dma_wait3A_54 = tpu.memref_slice %arg3[%add3A] : memref<320000xi32, #tpu.memory_space<hbm>> -> memref<80xi32, #tpu.memory_space<hbm>>
          %dma_wait3A_55 = tpu.memref_slice %arg3[%add3A] : memref<320000xi32, #tpu.memory_space<hbm>> -> memref<80xi32, #tpu.memory_space<hbm>>
          tpu.wait_dma2 semaphore(%run_scoped3A : memref<!tpu.dma_semaphore, #tpu.memory_space<semaphore_mem>>) src(%dma_wait3A_55 : memref<80xi32, #tpu.memory_space<hbm>>) dst(%arg9 : memref<80xi32, #tpu.memory_space<vmem>>)
          tpu.yield
        }) : () -> ()
        "tpu.region"() ({
          %run_scoped3A = tpu.sem_alloc : memref<!tpu.dma_semaphore, #tpu.memory_space<semaphore_mem>>
          %dma_start3A_52 = tpu.memref_slice %arg2[%add3A] : memref<320000xi32, #tpu.memory_space<hbm>> -> memref<80xi32, #tpu.memory_space<hbm>>
          %dma_start3A_53 = tpu.memref_slice %arg2[%add3A] : memref<320000xi32, #tpu.memory_space<hbm>> -> memref<80xi32, #tpu.memory_space<hbm>>
          tpu.enqueue_dma source(%dma_start3A_53 : memref<80xi32, #tpu.memory_space<hbm>>) target(%arg10 : memref<80xi32, #tpu.memory_space<vmem>>) target_semaphore(%run_scoped3A : memref<!tpu.dma_semaphore, #tpu.memory_space<semaphore_mem>>)
          %dma_wait3A_54 = tpu.memref_slice %arg2[%add3A] : memref<320000xi32, #tpu.memory_space<hbm>> -> memref<80xi32, #tpu.memory_space<hbm>>
          %dma_wait3A_55 = tpu.memref_slice %arg2[%add3A] : memref<320000xi32, #tpu.memory_space<hbm>> -> memref<80xi32, #tpu.memory_space<hbm>>
          tpu.wait_dma2 semaphore(%run_scoped3A : memref<!tpu.dma_semaphore, #tpu.memory_space<semaphore_mem>>) src(%dma_wait3A_55 : memref<80xi32, #tpu.memory_space<hbm>>) dst(%arg10 : memref<80xi32, #tpu.memory_space<vmem>>)
          tpu.yield
        }) : () -> ()
        "tpu.region"() ({
          %run_scoped3A = tpu.sem_alloc : memref<!tpu.dma_semaphore, #tpu.memory_space<semaphore_mem>>
          %dma_start3A_52 = tpu.memref_slice %arg4[%add3A] : memref<320000xf32, #tpu.memory_space<hbm>> -> memref<80xf32, #tpu.memory_space<hbm>>
          %dma_start3A_53 = tpu.memref_slice %arg4[%add3A] : memref<320000xf32, #tpu.memory_space<hbm>> -> memref<80xf32, #tpu.memory_space<hbm>>
          tpu.enqueue_dma source(%dma_start3A_53 : memref<80xf32, #tpu.memory_space<hbm>>) target(%arg11 : memref<80xf32, #tpu.memory_space<vmem>>) target_semaphore(%run_scoped3A : memref<!tpu.dma_semaphore, #tpu.memory_space<semaphore_mem>>)
          %dma_wait3A_54 = tpu.memref_slice %arg4[%add3A] : memref<320000xf32, #tpu.memory_space<hbm>> -> memref<80xf32, #tpu.memory_space<hbm>>
          %dma_wait3A_55 = tpu.memref_slice %arg4[%add3A] : memref<320000xf32, #tpu.memory_space<hbm>> -> memref<80xf32, #tpu.memory_space<hbm>>
          tpu.wait_dma2 semaphore(%run_scoped3A : memref<!tpu.dma_semaphore, #tpu.memory_space<semaphore_mem>>) src(%dma_wait3A_55 : memref<80xf32, #tpu.memory_space<hbm>>) dst(%arg11 : memref<80xf32, #tpu.memory_space<vmem>>)
          tpu.yield
        }) : () -> ()
        %dma_start3A = arith.constant 0 : i32
        %dma_start3A_40 = arith.constant 0 : i32
        %dma_start3A_41 = tpu.memref_slice %arg6[%dma_start3A, %dma_start3A_40] : memref<10000x128xf32, #tpu.memory_space<hbm>> -> memref<10000x128xf32, #tpu.memory_space<hbm>>
        tpu.enqueue_indirect_dma source(%dma_start3A_41 : memref<10000x128xf32, #tpu.memory_space<hbm>>) target(%arg12 : memref<80x128xf32, #tpu.memory_space<vmem>>) offsets(%arg9 : memref<80xi32, #tpu.memory_space<vmem>>) semaphore(%arg16 : memref<!tpu.dma_semaphore, #tpu.memory_space<semaphore_mem>>)
        %dma_wait3A = arith.constant 0 : i32
        %dma_wait3A_42 = arith.constant 0 : i32
        %dma_wait3A_43 = tpu.memref_slice %arg6[%dma_wait3A, %dma_wait3A_42] : memref<10000x128xf32, #tpu.memory_space<hbm>> -> memref<10000x128xf32, #tpu.memory_space<hbm>>
        tpu.wait_indirect_dma semaphore(%arg16 : memref<!tpu.dma_semaphore, #tpu.memory_space<semaphore_mem>>) src(%dma_wait3A_43 : memref<10000x128xf32, #tpu.memory_space<hbm>>) dst(%arg12 : memref<80x128xf32, #tpu.memory_space<vmem>>)
        %scan3A_44 = arith.constant 0 : i32
        %scan3A_45 = arith.constant 0 : i32
        %scan3A_46 = arith.constant 80 : i32
        %scan3A_47 = arith.addi %scan3A_45, %scan3A_46 : i32
        %scan3A_48 = arith.constant 1 : i32
        %scan3A_49 = scf.for %scan3A_52 = %scan3A_45 to %scan3A_47 step %scan3A_48 iter_args(%scan3A_53 = %scan3A_44) -> (i32)  : i32 {
          %broadcast_in_dim3A = vector.broadcast %scan3A_52 : i32 to vector<16xi32>
          %gather3A = tpu.vector_load_idx %arg11[%broadcast_in_dim3A] : memref<80xf32, #tpu.memory_space<vmem>>[vector<16xi32>], vector<16xf32>,
          %get3A = arith.index_cast %scan3A_52 : i32 to index
          %get3A_54 = arith.constant 0 : index
          %get3A_55 = tpu.vector_load %arg12[%get3A, %get3A_54] {strides = array<i32>} : memref<80x128xf32, #tpu.memory_space<vmem>>, vector<16xf32>,
          %mul3A_56 = arith.mulf %get3A_55, %gather3A : vector<16xf32>
          %swap3A = arith.index_cast %scan3A_52 : i32 to index
          %swap3A_57 = arith.constant 0 : index
          %swap3A_58 = tpu.vector_load %arg12[%swap3A, %swap3A_57] {strides = array<i32>} : memref<80x128xf32, #tpu.memory_space<vmem>>, vector<16xf32>,
          tpu.vector_store %arg12[%swap3A, %swap3A_57], %mul3A_56 {strides = array<i32>} : memref<80x128xf32, #tpu.memory_space<vmem>>, vector<16xf32>,
          %get3A_59 = arith.index_cast %scan3A_52 : i32 to index
          %get3A_60 = arith.constant 16 : index
          %get3A_61 = tpu.vector_load %arg12[%get3A_59, %get3A_60] {strides = array<i32>} : memref<80x128xf32, #tpu.memory_space<vmem>>, vector<16xf32>,
          %mul3A_62 = arith.mulf %get3A_61, %gather3A : vector<16xf32>
          %swap3A_63 = arith.index_cast %scan3A_52 : i32 to index
          %swap3A_64 = arith.constant 16 : index
          %swap3A_65 = tpu.vector_load %arg12[%swap3A_63, %swap3A_64] {strides = array<i32>} : memref<80x128xf32, #tpu.memory_space<vmem>>, vector<16xf32>,
          tpu.vector_store %arg12[%swap3A_63, %swap3A_64], %mul3A_62 {strides = array<i32>} : memref<80x128xf32, #tpu.memory_space<vmem>>, vector<16xf32>,
          %get3A_66 = arith.index_cast %scan3A_52 : i32 to index
          %get3A_67 = arith.constant 32 : index
          %get3A_68 = tpu.vector_load %arg12[%get3A_66, %get3A_67] {strides = array<i32>} : memref<80x128xf32, #tpu.memory_space<vmem>>, vector<16xf32>,
          %mul3A_69 = arith.mulf %get3A_68, %gather3A : vector<16xf32>
          %swap3A_70 = arith.index_cast %scan3A_52 : i32 to index
          %swap3A_71 = arith.constant 32 : index
          %swap3A_72 = tpu.vector_load %arg12[%swap3A_70, %swap3A_71] {strides = array<i32>} : memref<80x128xf32, #tpu.memory_space<vmem>>, vector<16xf32>,
          tpu.vector_store %arg12[%swap3A_70, %swap3A_71], %mul3A_69 {strides = array<i32>} : memref<80x128xf32, #tpu.memory_space<vmem>>, vector<16xf32>,
          %get3A_73 = arith.index_cast %scan3A_52 : i32 to index
          %get3A_74 = arith.constant 48 : index
          %get3A_75 = tpu.vector_load %arg12[%get3A_73, %get3A_74] {strides = array<i32>} : memref<80x128xf32, #tpu.memory_space<vmem>>, vector<16xf32>,
          %mul3A_76 = arith.mulf %get3A_75, %gather3A : vector<16xf32>
          %swap3A_77 = arith.index_cast %scan3A_52 : i32 to index
          %swap3A_78 = arith.constant 48 : index
          %swap3A_79 = tpu.vector_load %arg12[%swap3A_77, %swap3A_78] {strides = array<i32>} : memref<80x128xf32, #tpu.memory_space<vmem>>, vector<16xf32>,
          tpu.vector_store %arg12[%swap3A_77, %swap3A_78], %mul3A_76 {strides = array<i32>} : memref<80x128xf32, #tpu.memory_space<vmem>>, vector<16xf32>,
          %get3A_80 = arith.index_cast %scan3A_52 : i32 to index
          %get3A_81 = arith.constant 64 : index
          %get3A_82 = tpu.vector_load %arg12[%get3A_80, %get3A_81] {strides = array<i32>} : memref<80x128xf32, #tpu.memory_space<vmem>>, vector<16xf32>,
          %mul3A_83 = arith.mulf %get3A_82, %gather3A : vector<16xf32>
          %swap3A_84 = arith.index_cast %scan3A_52 : i32 to index
          %swap3A_85 = arith.constant 64 : index
          %swap3A_86 = tpu.vector_load %arg12[%swap3A_84, %swap3A_85] {strides = array<i32>} : memref<80x128xf32, #tpu.memory_space<vmem>>, vector<16xf32>,
          tpu.vector_store %arg12[%swap3A_84, %swap3A_85], %mul3A_83 {strides = array<i32>} : memref<80x128xf32, #tpu.memory_space<vmem>>, vector<16xf32>,
          %get3A_87 = arith.index_cast %scan3A_52 : i32 to index
          %get3A_88 = arith.constant 80 : index
          %get3A_89 = tpu.vector_load %arg12[%get3A_87, %get3A_88] {strides = array<i32>} : memref<80x128xf32, #tpu.memory_space<vmem>>, vector<16xf32>,
          %mul3A_90 = arith.mulf %get3A_89, %gather3A : vector<16xf32>
          %swap3A_91 = arith.index_cast %scan3A_52 : i32 to index
          %swap3A_92 = arith.constant 80 : index
          %swap3A_93 = tpu.vector_load %arg12[%swap3A_91, %swap3A_92] {strides = array<i32>} : memref<80x128xf32, #tpu.memory_space<vmem>>, vector<16xf32>,
          tpu.vector_store %arg12[%swap3A_91, %swap3A_92], %mul3A_90 {strides = array<i32>} : memref<80x128xf32, #tpu.memory_space<vmem>>, vector<16xf32>,
          %get3A_94 = arith.index_cast %scan3A_52 : i32 to index
          %get3A_95 = arith.constant 96 : index
          %get3A_96 = tpu.vector_load %arg12[%get3A_94, %get3A_95] {strides = array<i32>} : memref<80x128xf32, #tpu.memory_space<vmem>>, vector<16xf32>,
          %mul3A_97 = arith.mulf %get3A_96, %gather3A : vector<16xf32>
          %swap3A_98 = arith.index_cast %scan3A_52 : i32 to index
          %swap3A_99 = arith.constant 96 : index
          %swap3A_100 = tpu.vector_load %arg12[%swap3A_98, %swap3A_99] {strides = array<i32>} : memref<80x128xf32, #tpu.memory_space<vmem>>, vector<16xf32>,
          tpu.vector_store %arg12[%swap3A_98, %swap3A_99], %mul3A_97 {strides = array<i32>} : memref<80x128xf32, #tpu.memory_space<vmem>>, vector<16xf32>,
          %scan3A_101 = arith.constant 0 : i32
          scf.yield %scan3A_101 : i32
        }
        %scan3A_50 = arith.constant 80 : i32
        "tpu.region"() ({
          %run_scoped3A = tpu.sem_alloc : memref<!tpu.dma_semaphore, #tpu.memory_space<semaphore_mem>>
          %dma_start3A_52 = arith.constant 0 : i32
          %dma_start3A_53 = arith.constant 0 : i32
          %dma_start3A_54 = tpu.memref_slice %arg15[%dma_start3A_52, %dma_start3A_53] : memref<10240x128xf32, #tpu.memory_space<vmem_shared>> -> memref<10240x128xf32, #tpu.memory_space<vmem_shared>>
          tpu.enqueue_indirect_dma source(%arg12 : memref<80x128xf32, #tpu.memory_space<vmem>>) target(%dma_start3A_54 : memref<10240x128xf32, #tpu.memory_space<vmem_shared>>) offsets(%arg10 : memref<80xi32, #tpu.memory_space<vmem>>) semaphore(%run_scoped3A : memref<!tpu.dma_semaphore, #tpu.memory_space<semaphore_mem>>) {add = true}
          %dma_wait3A_55 = arith.constant 0 : i32
          %dma_wait3A_56 = arith.constant 0 : i32
          %dma_wait3A_57 = tpu.memref_slice %arg15[%dma_wait3A_55, %dma_wait3A_56] : memref<10240x128xf32, #tpu.memory_space<vmem_shared>> -> memref<10240x128xf32, #tpu.memory_space<vmem_shared>>
          tpu.wait_indirect_dma semaphore(%run_scoped3A : memref<!tpu.dma_semaphore, #tpu.memory_space<semaphore_mem>>) src(%arg12 : memref<80x128xf32, #tpu.memory_space<vmem>>) dst(%dma_wait3A_57 : memref<10240x128xf32, #tpu.memory_space<vmem_shared>>)
          tpu.yield
        }) : () -> ()
        %scan3A_51 = arith.constant 0 : i32
        scf.yield %scan3A_51 : i32
      }
      %scan3A_35 = arith.constant 250 : i32
    } else {
    }
    %barrier3A_20 = arith.constant 0 : index
    tpu.barrier barrier_id(%barrier3A_20)
    %scan3A_21 = arith.constant 0 : i32
    %scan3A_22 = arith.constant 0 : i32
    %scan3A_23 = arith.constant 5 : i32
    %scan3A_24 = arith.addi %scan3A_22, %scan3A_23 : i32
    %scan3A_25 = arith.constant 1 : i32
    %scan3A_26 = scf.for %scan3A_28 = %scan3A_22 to %scan3A_24 step %scan3A_25 iter_args(%scan3A_29 = %scan3A_21) -> (i32)  : i32 {
      %mul3A = arith.constant 640 : i32
      %mul3A_30 = arith.muli %arg1, %mul3A : i32
      %mul3A_31 = arith.constant 128 : i32
      %mul3A_32 = arith.muli %scan3A_28, %mul3A_31 : i32
      %add3A = arith.addi %mul3A_30, %mul3A_32 : i32
      "tpu.region"() ({
        %run_scoped3A = tpu.sem_alloc : memref<!tpu.dma_semaphore, #tpu.memory_space<semaphore_mem>>
        %dma_start3A = arith.constant 0 : i32
        %dma_start3A_44 = tpu.memref_slice %arg15[%add3A, %dma_start3A] : memref<10240x128xf32, #tpu.memory_space<vmem_shared>> -> memref<128x128xf32, #tpu.memory_space<vmem_shared>>
        %dma_start3A_45 = arith.constant 0 : i32
        %dma_start3A_46 = tpu.memref_slice %arg15[%add3A, %dma_start3A_45] : memref<10240x128xf32, #tpu.memory_space<vmem_shared>> -> memref<128x128xf32, #tpu.memory_space<vmem_shared>>
        tpu.enqueue_dma source(%dma_start3A_46 : memref<128x128xf32, #tpu.memory_space<vmem_shared>>) target(%arg14 : memref<128x128xf32, #tpu.memory_space<vmem>>) target_semaphore(%run_scoped3A : memref<!tpu.dma_semaphore, #tpu.memory_space<semaphore_mem>>)
        %dma_wait3A = arith.constant 0 : i32
        %dma_wait3A_47 = tpu.memref_slice %arg15[%add3A, %dma_wait3A] : memref<10240x128xf32, #tpu.memory_space<vmem_shared>> -> memref<128x128xf32, #tpu.memory_space<vmem_shared>>
        %dma_wait3A_48 = arith.constant 0 : i32
        %dma_wait3A_49 = tpu.memref_slice %arg15[%add3A, %dma_wait3A_48] : memref<10240x128xf32, #tpu.memory_space<vmem_shared>> -> memref<128x128xf32, #tpu.memory_space<vmem_shared>>
        tpu.wait_dma2 semaphore(%run_scoped3A : memref<!tpu.dma_semaphore, #tpu.memory_space<semaphore_mem>>) src(%dma_wait3A_49 : memref<128x128xf32, #tpu.memory_space<vmem_shared>>) dst(%arg14 : memref<128x128xf32, #tpu.memory_space<vmem>>)
        tpu.yield
      }) : () -> ()
      %eq3A_33 = arith.constant 0 : i32
      %eq3A_34 = arith.cmpi eq, %arg0, %eq3A_33 : i32
      %convert_element_type3A_35 = arith.extui %eq3A_34 : i1 to i32
      %cond3A_36 = arith.constant 0 : i32
      %cond3A_37 = arith.cmpi ne, %convert_element_type3A_35, %cond3A_36 : i32
      scf.if %cond3A_37 {
        "tpu.region"() ({
          %run_scoped3A = tpu.sem_alloc : memref<!tpu.dma_semaphore, #tpu.memory_space<semaphore_mem>>
          %dma_start3A = arith.constant 0 : i32
          %dma_start3A_44 = tpu.memref_slice %arg7[%add3A, %dma_start3A] : memref<10240x128xf32, #tpu.memory_space<hbm>> -> memref<128x128xf32, #tpu.memory_space<hbm>>
          %dma_start3A_45 = arith.constant 0 : i32
          %dma_start3A_46 = tpu.memref_slice %arg7[%add3A, %dma_start3A_45] : memref<10240x128xf32, #tpu.memory_space<hbm>> -> memref<128x128xf32, #tpu.memory_space<hbm>>
          tpu.enqueue_dma source(%arg14 : memref<128x128xf32, #tpu.memory_space<vmem>>) target(%dma_start3A_46 : memref<128x128xf32, #tpu.memory_space<hbm>>) target_semaphore(%run_scoped3A : memref<!tpu.dma_semaphore, #tpu.memory_space<semaphore_mem>>)
          %dma_wait3A = arith.constant 0 : i32
          %dma_wait3A_47 = tpu.memref_slice %arg7[%add3A, %dma_wait3A] : memref<10240x128xf32, #tpu.memory_space<hbm>> -> memref<128x128xf32, #tpu.memory_space<hbm>>
          %dma_wait3A_48 = arith.constant 0 : i32
          %dma_wait3A_49 = tpu.memref_slice %arg7[%add3A, %dma_wait3A_48] : memref<10240x128xf32, #tpu.memory_space<hbm>> -> memref<128x128xf32, #tpu.memory_space<hbm>>
          tpu.wait_dma2 semaphore(%run_scoped3A : memref<!tpu.dma_semaphore, #tpu.memory_space<semaphore_mem>>) src(%arg14 : memref<128x128xf32, #tpu.memory_space<vmem>>) dst(%dma_wait3A_49 : memref<128x128xf32, #tpu.memory_space<hbm>>)
          tpu.yield
        }) : () -> ()
      } else {
      }
      %eq3A_38 = arith.constant 1 : i32
      %eq3A_39 = arith.cmpi eq, %arg0, %eq3A_38 : i32
      %convert_element_type3A_40 = arith.extui %eq3A_39 : i1 to i32
      %cond3A_41 = arith.constant 0 : i32
      %cond3A_42 = arith.cmpi ne, %convert_element_type3A_40, %cond3A_41 : i32
      scf.if %cond3A_42 {
        "tpu.region"() ({
          %run_scoped3A = tpu.sem_alloc : memref<!tpu.dma_semaphore, #tpu.memory_space<semaphore_mem>>
          %dma_start3A = arith.constant 0 : i32
          %dma_start3A_44 = tpu.memref_slice %arg8[%add3A, %dma_start3A] : memref<10240x128xf32, #tpu.memory_space<hbm>> -> memref<128x128xf32, #tpu.memory_space<hbm>>
          %dma_start3A_45 = arith.constant 0 : i32
          %dma_start3A_46 = tpu.memref_slice %arg8[%add3A, %dma_start3A_45] : memref<10240x128xf32, #tpu.memory_space<hbm>> -> memref<128x128xf32, #tpu.memory_space<hbm>>
          tpu.enqueue_dma source(%arg14 : memref<128x128xf32, #tpu.memory_space<vmem>>) target(%dma_start3A_46 : memref<128x128xf32, #tpu.memory_space<hbm>>) target_semaphore(%run_scoped3A : memref<!tpu.dma_semaphore, #tpu.memory_space<semaphore_mem>>)
          %dma_wait3A = arith.constant 0 : i32
          %dma_wait3A_47 = tpu.memref_slice %arg8[%add3A, %dma_wait3A] : memref<10240x128xf32, #tpu.memory_space<hbm>> -> memref<128x128xf32, #tpu.memory_space<hbm>>
          %dma_wait3A_48 = arith.constant 0 : i32
          %dma_wait3A_49 = tpu.memref_slice %arg8[%add3A, %dma_wait3A_48] : memref<10240x128xf32, #tpu.memory_space<hbm>> -> memref<128x128xf32, #tpu.memory_space<hbm>>
          tpu.wait_dma2 semaphore(%run_scoped3A : memref<!tpu.dma_semaphore, #tpu.memory_space<semaphore_mem>>) src(%arg14 : memref<128x128xf32, #tpu.memory_space<vmem>>) dst(%dma_wait3A_49 : memref<128x128xf32, #tpu.memory_space<hbm>>)
          tpu.yield
        }) : () -> ()
      } else {
      }
      %scan3A_43 = arith.constant 0 : i32
      scf.yield %scan3A_43 : i32
    }
    %scan3A_27 = arith.constant 5 : i32
    return
  }
}

#map = affine_map<(d0, d1) -> (0)>
#map1 = affine_map<(d0, d1) -> (0, 0)>
module attributes {stable_mosaic.version = 14 : i64} {
  func.func @_edge_body(%arg0: i32, %arg1: i32, %arg2: memref<320000xi32, #tpu.memory_space<hbm>>, %arg3: memref<320000xi32, #tpu.memory_space<hbm>>, %arg4: memref<320000xf32, #tpu.memory_space<hbm>>, %arg5: memref<10000x128xf32, #tpu.memory_space<hbm>>, %arg6: memref<10000x128xf32, #tpu.memory_space<hbm>>, %arg7: memref<10240x128xf32, #tpu.memory_space<hbm>>, %arg8: memref<10240x128xf32, #tpu.memory_space<hbm>>, %arg9: memref<80xi32, #tpu.memory_space<vmem>>, %arg10: memref<80xi32, #tpu.memory_space<vmem>>, %arg11: memref<80xf32, #tpu.memory_space<vmem>>, %arg12: memref<80x128xf32, #tpu.memory_space<vmem>>, %arg13: memref<128x128xf32, #tpu.memory_space<vmem>>, %arg14: memref<128x128xf32, #tpu.memory_space<vmem>>, %arg15: memref<10240x128xf32, #tpu.memory_space<vmem_shared>>, %arg16: memref<!tpu.dma_semaphore, #tpu.memory_space<semaphore_mem>>) attributes {dimension_semantics = [#tpu.dimension_semantics<core_parallel>, #tpu.dimension_semantics<subcore_parallel>], iteration_bounds = array<i64: 2, 16>, scalar_prefetch = 0 : i64, scratch_operands = 8 : i64, tpu.core_type = #tpu.core_type<sc_vector_subcore>, window_params = [{transform_indices = #map}, {transform_indices = #map}, {transform_indices = #map}, {transform_indices = #map1}, {transform_indices = #map1}, {transform_indices = #map1}, {transform_indices = #map1}]} {
    %scan3A = arith.constant 0 : i32
    %scan3A_0 = arith.constant 0 : i32
    %scan3A_1 = arith.constant 1024 : i32
    %scan3A_2 = arith.addi %scan3A_0, %scan3A_1 : i32
    %scan3A_3 = arith.constant 1 : i32
    %scan3A_4 = scf.for %scan3A_28 = %scan3A_0 to %scan3A_2 step %scan3A_3 iter_args(%scan3A_29 = %scan3A) -> (i32)  : i32 {
      %broadcast_in_dim3A = arith.constant 0.000000e+00 : f32
      %broadcast_in_dim3A_30 = vector.broadcast %broadcast_in_dim3A : f32 to vector<16xf32>
      %jit3A = arith.constant 8 : i32
      %div3A = arith.divsi %scan3A_28, %jit3A : i32
      %sign3A = arith.constant 0 : i32
      %sign3A_31 = arith.cmpi sgt, %scan3A_28, %sign3A : i32
      %sign3A_32 = arith.extui %sign3A_31 : i1 to i32
      %sign3A_33 = arith.constant 0 : i32
      %sign3A_34 = arith.cmpi slt, %scan3A_28, %sign3A_33 : i32
      %sign3A_35 = arith.extui %sign3A_34 : i1 to i32
      %sign3A_36 = arith.subi %sign3A_32, %sign3A_35 : i32
      %sign3A_37 = arith.constant 0 : i32
      %sign3A_38 = arith.cmpi sgt, %jit3A, %sign3A_37 : i32
      %sign3A_39 = arith.extui %sign3A_38 : i1 to i32
      %sign3A_40 = arith.constant 0 : i32
      %sign3A_41 = arith.cmpi slt, %jit3A, %sign3A_40 : i32
      %sign3A_42 = arith.extui %sign3A_41 : i1 to i32
      %sign3A_43 = arith.subi %sign3A_39, %sign3A_42 : i32
      %ne3A = arith.cmpi ne, %sign3A_36, %sign3A_43 : i32
      %rem3A = arith.remsi %scan3A_28, %jit3A : i32
      %ne3A_44 = arith.constant 0 : i32
      %ne3A_45 = arith.cmpi ne, %rem3A, %ne3A_44 : i32
      %and3A = arith.andi %ne3A, %ne3A_45 : i1
      %sub3A = arith.constant 1 : i32
      %sub3A_46 = arith.subi %div3A, %sub3A : i32
      %select_n3A = arith.select %and3A, %sub3A_46, %div3A : i32
      %jit3A_47 = arith.constant 8 : i32
      %eq3A_48 = arith.constant 0 : i32
      %eq3A_49 = arith.cmpi eq, %jit3A_47, %eq3A_48 : i32
      %jit3A_50 = arith.constant 1 : i32
      %select_n3A_51 = arith.select %eq3A_49, %jit3A_50, %jit3A_47 : i32
      %rem3A_52 = arith.remsi %scan3A_28, %select_n3A_51 : i32
      %ne3A_53 = arith.constant 0 : i32
      %ne3A_54 = arith.cmpi ne, %rem3A_52, %ne3A_53 : i32
      %lt3A = arith.constant 0 : i32
      %lt3A_55 = arith.cmpi slt, %rem3A_52, %lt3A : i32
      %lt3A_56 = arith.constant 0 : i32
      %lt3A_57 = arith.cmpi slt, %select_n3A_51, %lt3A_56 : i32
      %ne3A_58 = arith.xori %lt3A_55, %lt3A_57 : i1
      %and3A_59 = arith.andi %ne3A_58, %ne3A_54 : i1
      %add3A = arith.addi %rem3A_52, %select_n3A_51 : i32
      %select_n3A_60 = arith.select %and3A_59, %add3A, %rem3A_52 : i32
      %mul3A = arith.constant 16 : i32
      %mul3A_61 = arith.muli %select_n3A_60, %mul3A : i32
      %swap3A = arith.index_cast %select_n3A : i32 to index
      %swap3A_62 = arith.index_cast %mul3A_61 : i32 to index
      %swap3A_63 = tpu.vector_load %arg13[%swap3A, %swap3A_62] {strides = array<i32>} : memref<128x128xf32, #tpu.memory_space<vmem>>, vector<16xf32>,
      tpu.vector_store %arg13[%swap3A, %swap3A_62], %broadcast_in_dim3A_30 {strides = array<i32>} : memref<128x128xf32, #tpu.memory_space<vmem>>, vector<16xf32>,
      %scan3A_64 = arith.constant 0 : i32
      scf.yield %scan3A_64 : i32
    }
    %scan3A_5 = arith.constant 1024 : i32
    %scan3A_6 = arith.constant 0 : i32
    %scan3A_7 = arith.constant 0 : i32
    %scan3A_8 = arith.constant 5 : i32
    %scan3A_9 = arith.addi %scan3A_7, %scan3A_8 : i32
    %scan3A_10 = arith.constant 1 : i32
    %scan3A_11 = scf.for %scan3A_28 = %scan3A_7 to %scan3A_9 step %scan3A_10 iter_args(%scan3A_29 = %scan3A_6) -> (i32)  : i32 {
      %mul3A = arith.constant 640 : i32
      %mul3A_30 = arith.muli %arg1, %mul3A : i32
      %mul3A_31 = arith.constant 128 : i32
      %mul3A_32 = arith.muli %scan3A_28, %mul3A_31 : i32
      %add3A = arith.addi %mul3A_30, %mul3A_32 : i32
      "tpu.region"() ({
        %run_scoped3A = tpu.sem_alloc : memref<!tpu.dma_semaphore, #tpu.memory_space<semaphore_mem>>
        %dma_start3A = arith.constant 0 : i32
        %dma_start3A_34 = tpu.memref_slice %arg15[%add3A, %dma_start3A] : memref<10240x128xf32, #tpu.memory_space<vmem_shared>> -> memref<128x128xf32, #tpu.memory_space<vmem_shared>>
        %dma_start3A_35 = arith.constant 0 : i32
        %dma_start3A_36 = tpu.memref_slice %arg15[%add3A, %dma_start3A_35] : memref<10240x128xf32, #tpu.memory_space<vmem_shared>> -> memref<128x128xf32, #tpu.memory_space<vmem_shared>>
        tpu.enqueue_dma source(%arg13 : memref<128x128xf32, #tpu.memory_space<vmem>>) target(%dma_start3A_36 : memref<128x128xf32, #tpu.memory_space<vmem_shared>>) target_semaphore(%run_scoped3A : memref<!tpu.dma_semaphore, #tpu.memory_space<semaphore_mem>>)
        %dma_wait3A = arith.constant 0 : i32
        %dma_wait3A_37 = tpu.memref_slice %arg15[%add3A, %dma_wait3A] : memref<10240x128xf32, #tpu.memory_space<vmem_shared>> -> memref<128x128xf32, #tpu.memory_space<vmem_shared>>
        %dma_wait3A_38 = arith.constant 0 : i32
        %dma_wait3A_39 = tpu.memref_slice %arg15[%add3A, %dma_wait3A_38] : memref<10240x128xf32, #tpu.memory_space<vmem_shared>> -> memref<128x128xf32, #tpu.memory_space<vmem_shared>>
        tpu.wait_dma2 semaphore(%run_scoped3A : memref<!tpu.dma_semaphore, #tpu.memory_space<semaphore_mem>>) src(%arg13 : memref<128x128xf32, #tpu.memory_space<vmem>>) dst(%dma_wait3A_39 : memref<128x128xf32, #tpu.memory_space<vmem_shared>>)
        tpu.yield
      }) : () -> ()
      %scan3A_33 = arith.constant 0 : i32
      scf.yield %scan3A_33 : i32
    }
    %scan3A_12 = arith.constant 5 : i32
    %barrier3A = arith.constant 0 : index
    tpu.barrier barrier_id(%barrier3A)
    %eq3A = arith.constant 0 : i32
    %eq3A_13 = arith.cmpi eq, %arg0, %eq3A : i32
    %convert_element_type3A = arith.extui %eq3A_13 : i1 to i32
    %cond3A = arith.constant 0 : i32
    %cond3A_14 = arith.cmpi ne, %convert_element_type3A, %cond3A : i32
    scf.if %cond3A_14 {
      %mul3A = arith.constant 20000 : i32
      %mul3A_28 = arith.muli %arg1, %mul3A : i32
      %scan3A_29 = arith.constant 0 : i32
      %scan3A_30 = arith.constant 0 : i32
      %scan3A_31 = arith.constant 250 : i32
      %scan3A_32 = arith.addi %scan3A_30, %scan3A_31 : i32
      %scan3A_33 = arith.constant 1 : i32
      %scan3A_34 = scf.for %scan3A_36 = %scan3A_30 to %scan3A_32 step %scan3A_33 iter_args(%scan3A_37 = %scan3A_29) -> (i32)  : i32 {
        %mul3A_38 = arith.constant 80 : i32
        %mul3A_39 = arith.muli %scan3A_36, %mul3A_38 : i32
        %add3A = arith.addi %mul3A_28, %mul3A_39 : i32
        "tpu.region"() ({
          %run_scoped3A = tpu.sem_alloc : memref<!tpu.dma_semaphore, #tpu.memory_space<semaphore_mem>>
          %dma_start3A_52 = tpu.memref_slice %arg2[%add3A] : memref<320000xi32, #tpu.memory_space<hbm>> -> memref<80xi32, #tpu.memory_space<hbm>>
          %dma_start3A_53 = tpu.memref_slice %arg2[%add3A] : memref<320000xi32, #tpu.memory_space<hbm>> -> memref<80xi32, #tpu.memory_space<hbm>>
          tpu.enqueue_dma source(%dma_start3A_53 : memref<80xi32, #tpu.memory_space<hbm>>) target(%arg9 : memref<80xi32, #tpu.memory_space<vmem>>) target_semaphore(%run_scoped3A : memref<!tpu.dma_semaphore, #tpu.memory_space<semaphore_mem>>)
          %dma_wait3A_54 = tpu.memref_slice %arg2[%add3A] : memref<320000xi32, #tpu.memory_space<hbm>> -> memref<80xi32, #tpu.memory_space<hbm>>
          %dma_wait3A_55 = tpu.memref_slice %arg2[%add3A] : memref<320000xi32, #tpu.memory_space<hbm>> -> memref<80xi32, #tpu.memory_space<hbm>>
          tpu.wait_dma2 semaphore(%run_scoped3A : memref<!tpu.dma_semaphore, #tpu.memory_space<semaphore_mem>>) src(%dma_wait3A_55 : memref<80xi32, #tpu.memory_space<hbm>>) dst(%arg9 : memref<80xi32, #tpu.memory_space<vmem>>)
          tpu.yield
        }) : () -> ()
        "tpu.region"() ({
          %run_scoped3A = tpu.sem_alloc : memref<!tpu.dma_semaphore, #tpu.memory_space<semaphore_mem>>
          %dma_start3A_52 = tpu.memref_slice %arg3[%add3A] : memref<320000xi32, #tpu.memory_space<hbm>> -> memref<80xi32, #tpu.memory_space<hbm>>
          %dma_start3A_53 = tpu.memref_slice %arg3[%add3A] : memref<320000xi32, #tpu.memory_space<hbm>> -> memref<80xi32, #tpu.memory_space<hbm>>
          tpu.enqueue_dma source(%dma_start3A_53 : memref<80xi32, #tpu.memory_space<hbm>>) target(%arg10 : memref<80xi32, #tpu.memory_space<vmem>>) target_semaphore(%run_scoped3A : memref<!tpu.dma_semaphore, #tpu.memory_space<semaphore_mem>>)
          %dma_wait3A_54 = tpu.memref_slice %arg3[%add3A] : memref<320000xi32, #tpu.memory_space<hbm>> -> memref<80xi32, #tpu.memory_space<hbm>>
          %dma_wait3A_55 = tpu.memref_slice %arg3[%add3A] : memref<320000xi32, #tpu.memory_space<hbm>> -> memref<80xi32, #tpu.memory_space<hbm>>
          tpu.wait_dma2 semaphore(%run_scoped3A : memref<!tpu.dma_semaphore, #tpu.memory_space<semaphore_mem>>) src(%dma_wait3A_55 : memref<80xi32, #tpu.memory_space<hbm>>) dst(%arg10 : memref<80xi32, #tpu.memory_space<vmem>>)
          tpu.yield
        }) : () -> ()
        "tpu.region"() ({
          %run_scoped3A = tpu.sem_alloc : memref<!tpu.dma_semaphore, #tpu.memory_space<semaphore_mem>>
          %dma_start3A_52 = tpu.memref_slice %arg4[%add3A] : memref<320000xf32, #tpu.memory_space<hbm>> -> memref<80xf32, #tpu.memory_space<hbm>>
          %dma_start3A_53 = tpu.memref_slice %arg4[%add3A] : memref<320000xf32, #tpu.memory_space<hbm>> -> memref<80xf32, #tpu.memory_space<hbm>>
          tpu.enqueue_dma source(%dma_start3A_53 : memref<80xf32, #tpu.memory_space<hbm>>) target(%arg11 : memref<80xf32, #tpu.memory_space<vmem>>) target_semaphore(%run_scoped3A : memref<!tpu.dma_semaphore, #tpu.memory_space<semaphore_mem>>)
          %dma_wait3A_54 = tpu.memref_slice %arg4[%add3A] : memref<320000xf32, #tpu.memory_space<hbm>> -> memref<80xf32, #tpu.memory_space<hbm>>
          %dma_wait3A_55 = tpu.memref_slice %arg4[%add3A] : memref<320000xf32, #tpu.memory_space<hbm>> -> memref<80xf32, #tpu.memory_space<hbm>>
          tpu.wait_dma2 semaphore(%run_scoped3A : memref<!tpu.dma_semaphore, #tpu.memory_space<semaphore_mem>>) src(%dma_wait3A_55 : memref<80xf32, #tpu.memory_space<hbm>>) dst(%arg11 : memref<80xf32, #tpu.memory_space<vmem>>)
          tpu.yield
        }) : () -> ()
        %dma_start3A = arith.constant 0 : i32
        %dma_start3A_40 = arith.constant 0 : i32
        %dma_start3A_41 = tpu.memref_slice %arg5[%dma_start3A, %dma_start3A_40] : memref<10000x128xf32, #tpu.memory_space<hbm>> -> memref<10000x128xf32, #tpu.memory_space<hbm>>
        tpu.enqueue_indirect_dma source(%dma_start3A_41 : memref<10000x128xf32, #tpu.memory_space<hbm>>) target(%arg12 : memref<80x128xf32, #tpu.memory_space<vmem>>) offsets(%arg9 : memref<80xi32, #tpu.memory_space<vmem>>) semaphore(%arg16 : memref<!tpu.dma_semaphore, #tpu.memory_space<semaphore_mem>>)
        %dma_wait3A = arith.constant 0 : i32
        %dma_wait3A_42 = arith.constant 0 : i32
        %dma_wait3A_43 = tpu.memref_slice %arg5[%dma_wait3A, %dma_wait3A_42] : memref<10000x128xf32, #tpu.memory_space<hbm>> -> memref<10000x128xf32, #tpu.memory_space<hbm>>
        tpu.wait_indirect_dma semaphore(%arg16 : memref<!tpu.dma_semaphore, #tpu.memory_space<semaphore_mem>>) src(%dma_wait3A_43 : memref<10000x128xf32, #tpu.memory_space<hbm>>) dst(%arg12 : memref<80x128xf32, #tpu.memory_space<vmem>>)
        %scan3A_44 = arith.constant 0 : i32
        %scan3A_45 = arith.constant 0 : i32
        %scan3A_46 = arith.constant 80 : i32
        %scan3A_47 = arith.addi %scan3A_45, %scan3A_46 : i32
        %scan3A_48 = arith.constant 1 : i32
        %scan3A_49 = scf.for %scan3A_52 = %scan3A_45 to %scan3A_47 step %scan3A_48 iter_args(%scan3A_53 = %scan3A_44) -> (i32)  : i32 {
          %broadcast_in_dim3A = vector.broadcast %scan3A_52 : i32 to vector<16xi32>
          %gather3A = tpu.vector_load_idx %arg11[%broadcast_in_dim3A] : memref<80xf32, #tpu.memory_space<vmem>>[vector<16xi32>], vector<16xf32>,
          %get3A = arith.index_cast %scan3A_52 : i32 to index
          %get3A_54 = arith.constant 0 : index
          %get3A_55 = tpu.vector_load %arg12[%get3A, %get3A_54] {strides = array<i32>} : memref<80x128xf32, #tpu.memory_space<vmem>>, vector<16xf32>,
          %mul3A_56 = arith.mulf %get3A_55, %gather3A : vector<16xf32>
          %swap3A = arith.index_cast %scan3A_52 : i32 to index
          %swap3A_57 = arith.constant 0 : index
          %swap3A_58 = tpu.vector_load %arg12[%swap3A, %swap3A_57] {strides = array<i32>} : memref<80x128xf32, #tpu.memory_space<vmem>>, vector<16xf32>,
          tpu.vector_store %arg12[%swap3A, %swap3A_57], %mul3A_56 {strides = array<i32>} : memref<80x128xf32, #tpu.memory_space<vmem>>, vector<16xf32>,
          %get3A_59 = arith.index_cast %scan3A_52 : i32 to index
          %get3A_60 = arith.constant 16 : index
          %get3A_61 = tpu.vector_load %arg12[%get3A_59, %get3A_60] {strides = array<i32>} : memref<80x128xf32, #tpu.memory_space<vmem>>, vector<16xf32>,
          %mul3A_62 = arith.mulf %get3A_61, %gather3A : vector<16xf32>
          %swap3A_63 = arith.index_cast %scan3A_52 : i32 to index
          %swap3A_64 = arith.constant 16 : index
          %swap3A_65 = tpu.vector_load %arg12[%swap3A_63, %swap3A_64] {strides = array<i32>} : memref<80x128xf32, #tpu.memory_space<vmem>>, vector<16xf32>,
          tpu.vector_store %arg12[%swap3A_63, %swap3A_64], %mul3A_62 {strides = array<i32>} : memref<80x128xf32, #tpu.memory_space<vmem>>, vector<16xf32>,
          %get3A_66 = arith.index_cast %scan3A_52 : i32 to index
          %get3A_67 = arith.constant 32 : index
          %get3A_68 = tpu.vector_load %arg12[%get3A_66, %get3A_67] {strides = array<i32>} : memref<80x128xf32, #tpu.memory_space<vmem>>, vector<16xf32>,
          %mul3A_69 = arith.mulf %get3A_68, %gather3A : vector<16xf32>
          %swap3A_70 = arith.index_cast %scan3A_52 : i32 to index
          %swap3A_71 = arith.constant 32 : index
          %swap3A_72 = tpu.vector_load %arg12[%swap3A_70, %swap3A_71] {strides = array<i32>} : memref<80x128xf32, #tpu.memory_space<vmem>>, vector<16xf32>,
          tpu.vector_store %arg12[%swap3A_70, %swap3A_71], %mul3A_69 {strides = array<i32>} : memref<80x128xf32, #tpu.memory_space<vmem>>, vector<16xf32>,
          %scan3A_73 = arith.constant 0 : i32
          scf.yield %scan3A_73 : i32
        }
        %scan3A_50 = arith.constant 80 : i32
        "tpu.region"() ({
          %run_scoped3A = tpu.sem_alloc : memref<!tpu.dma_semaphore, #tpu.memory_space<semaphore_mem>>
          %dma_start3A_52 = arith.constant 0 : i32
          %dma_start3A_53 = arith.constant 0 : i32
          %dma_start3A_54 = tpu.memref_slice %arg15[%dma_start3A_52, %dma_start3A_53] : memref<10240x128xf32, #tpu.memory_space<vmem_shared>> -> memref<10240x128xf32, #tpu.memory_space<vmem_shared>>
          tpu.enqueue_indirect_dma source(%arg12 : memref<80x128xf32, #tpu.memory_space<vmem>>) target(%dma_start3A_54 : memref<10240x128xf32, #tpu.memory_space<vmem_shared>>) offsets(%arg10 : memref<80xi32, #tpu.memory_space<vmem>>) semaphore(%run_scoped3A : memref<!tpu.dma_semaphore, #tpu.memory_space<semaphore_mem>>) {add = true}
          %dma_wait3A_55 = arith.constant 0 : i32
          %dma_wait3A_56 = arith.constant 0 : i32
          %dma_wait3A_57 = tpu.memref_slice %arg15[%dma_wait3A_55, %dma_wait3A_56] : memref<10240x128xf32, #tpu.memory_space<vmem_shared>> -> memref<10240x128xf32, #tpu.memory_space<vmem_shared>>
          tpu.wait_indirect_dma semaphore(%run_scoped3A : memref<!tpu.dma_semaphore, #tpu.memory_space<semaphore_mem>>) src(%arg12 : memref<80x128xf32, #tpu.memory_space<vmem>>) dst(%dma_wait3A_57 : memref<10240x128xf32, #tpu.memory_space<vmem_shared>>)
          tpu.yield
        }) : () -> ()
        %scan3A_51 = arith.constant 0 : i32
        scf.yield %scan3A_51 : i32
      }
      %scan3A_35 = arith.constant 250 : i32
    } else {
    }
    %eq3A_15 = arith.constant 1 : i32
    %eq3A_16 = arith.cmpi eq, %arg0, %eq3A_15 : i32
    %convert_element_type3A_17 = arith.extui %eq3A_16 : i1 to i32
    %cond3A_18 = arith.constant 0 : i32
    %cond3A_19 = arith.cmpi ne, %convert_element_type3A_17, %cond3A_18 : i32
    scf.if %cond3A_19 {
      %mul3A = arith.constant 20000 : i32
      %mul3A_28 = arith.muli %arg1, %mul3A : i32
      %scan3A_29 = arith.constant 0 : i32
      %scan3A_30 = arith.constant 0 : i32
      %scan3A_31 = arith.constant 250 : i32
      %scan3A_32 = arith.addi %scan3A_30, %scan3A_31 : i32
      %scan3A_33 = arith.constant 1 : i32
      %scan3A_34 = scf.for %scan3A_36 = %scan3A_30 to %scan3A_32 step %scan3A_33 iter_args(%scan3A_37 = %scan3A_29) -> (i32)  : i32 {
        %mul3A_38 = arith.constant 80 : i32
        %mul3A_39 = arith.muli %scan3A_36, %mul3A_38 : i32
        %add3A = arith.addi %mul3A_28, %mul3A_39 : i32
        "tpu.region"() ({
          %run_scoped3A = tpu.sem_alloc : memref<!tpu.dma_semaphore, #tpu.memory_space<semaphore_mem>>
          %dma_start3A_52 = tpu.memref_slice %arg3[%add3A] : memref<320000xi32, #tpu.memory_space<hbm>> -> memref<80xi32, #tpu.memory_space<hbm>>
          %dma_start3A_53 = tpu.memref_slice %arg3[%add3A] : memref<320000xi32, #tpu.memory_space<hbm>> -> memref<80xi32, #tpu.memory_space<hbm>>
          tpu.enqueue_dma source(%dma_start3A_53 : memref<80xi32, #tpu.memory_space<hbm>>) target(%arg9 : memref<80xi32, #tpu.memory_space<vmem>>) target_semaphore(%run_scoped3A : memref<!tpu.dma_semaphore, #tpu.memory_space<semaphore_mem>>)
          %dma_wait3A_54 = tpu.memref_slice %arg3[%add3A] : memref<320000xi32, #tpu.memory_space<hbm>> -> memref<80xi32, #tpu.memory_space<hbm>>
          %dma_wait3A_55 = tpu.memref_slice %arg3[%add3A] : memref<320000xi32, #tpu.memory_space<hbm>> -> memref<80xi32, #tpu.memory_space<hbm>>
          tpu.wait_dma2 semaphore(%run_scoped3A : memref<!tpu.dma_semaphore, #tpu.memory_space<semaphore_mem>>) src(%dma_wait3A_55 : memref<80xi32, #tpu.memory_space<hbm>>) dst(%arg9 : memref<80xi32, #tpu.memory_space<vmem>>)
          tpu.yield
        }) : () -> ()
        "tpu.region"() ({
          %run_scoped3A = tpu.sem_alloc : memref<!tpu.dma_semaphore, #tpu.memory_space<semaphore_mem>>
          %dma_start3A_52 = tpu.memref_slice %arg2[%add3A] : memref<320000xi32, #tpu.memory_space<hbm>> -> memref<80xi32, #tpu.memory_space<hbm>>
          %dma_start3A_53 = tpu.memref_slice %arg2[%add3A] : memref<320000xi32, #tpu.memory_space<hbm>> -> memref<80xi32, #tpu.memory_space<hbm>>
          tpu.enqueue_dma source(%dma_start3A_53 : memref<80xi32, #tpu.memory_space<hbm>>) target(%arg10 : memref<80xi32, #tpu.memory_space<vmem>>) target_semaphore(%run_scoped3A : memref<!tpu.dma_semaphore, #tpu.memory_space<semaphore_mem>>)
          %dma_wait3A_54 = tpu.memref_slice %arg2[%add3A] : memref<320000xi32, #tpu.memory_space<hbm>> -> memref<80xi32, #tpu.memory_space<hbm>>
          %dma_wait3A_55 = tpu.memref_slice %arg2[%add3A] : memref<320000xi32, #tpu.memory_space<hbm>> -> memref<80xi32, #tpu.memory_space<hbm>>
          tpu.wait_dma2 semaphore(%run_scoped3A : memref<!tpu.dma_semaphore, #tpu.memory_space<semaphore_mem>>) src(%dma_wait3A_55 : memref<80xi32, #tpu.memory_space<hbm>>) dst(%arg10 : memref<80xi32, #tpu.memory_space<vmem>>)
          tpu.yield
        }) : () -> ()
        "tpu.region"() ({
          %run_scoped3A = tpu.sem_alloc : memref<!tpu.dma_semaphore, #tpu.memory_space<semaphore_mem>>
          %dma_start3A_52 = tpu.memref_slice %arg4[%add3A] : memref<320000xf32, #tpu.memory_space<hbm>> -> memref<80xf32, #tpu.memory_space<hbm>>
          %dma_start3A_53 = tpu.memref_slice %arg4[%add3A] : memref<320000xf32, #tpu.memory_space<hbm>> -> memref<80xf32, #tpu.memory_space<hbm>>
          tpu.enqueue_dma source(%dma_start3A_53 : memref<80xf32, #tpu.memory_space<hbm>>) target(%arg11 : memref<80xf32, #tpu.memory_space<vmem>>) target_semaphore(%run_scoped3A : memref<!tpu.dma_semaphore, #tpu.memory_space<semaphore_mem>>)
          %dma_wait3A_54 = tpu.memref_slice %arg4[%add3A] : memref<320000xf32, #tpu.memory_space<hbm>> -> memref<80xf32, #tpu.memory_space<hbm>>
          %dma_wait3A_55 = tpu.memref_slice %arg4[%add3A] : memref<320000xf32, #tpu.memory_space<hbm>> -> memref<80xf32, #tpu.memory_space<hbm>>
          tpu.wait_dma2 semaphore(%run_scoped3A : memref<!tpu.dma_semaphore, #tpu.memory_space<semaphore_mem>>) src(%dma_wait3A_55 : memref<80xf32, #tpu.memory_space<hbm>>) dst(%arg11 : memref<80xf32, #tpu.memory_space<vmem>>)
          tpu.yield
        }) : () -> ()
        %dma_start3A = arith.constant 0 : i32
        %dma_start3A_40 = arith.constant 0 : i32
        %dma_start3A_41 = tpu.memref_slice %arg6[%dma_start3A, %dma_start3A_40] : memref<10000x128xf32, #tpu.memory_space<hbm>> -> memref<10000x128xf32, #tpu.memory_space<hbm>>
        tpu.enqueue_indirect_dma source(%dma_start3A_41 : memref<10000x128xf32, #tpu.memory_space<hbm>>) target(%arg12 : memref<80x128xf32, #tpu.memory_space<vmem>>) offsets(%arg9 : memref<80xi32, #tpu.memory_space<vmem>>) semaphore(%arg16 : memref<!tpu.dma_semaphore, #tpu.memory_space<semaphore_mem>>)
        %dma_wait3A = arith.constant 0 : i32
        %dma_wait3A_42 = arith.constant 0 : i32
        %dma_wait3A_43 = tpu.memref_slice %arg6[%dma_wait3A, %dma_wait3A_42] : memref<10000x128xf32, #tpu.memory_space<hbm>> -> memref<10000x128xf32, #tpu.memory_space<hbm>>
        tpu.wait_indirect_dma semaphore(%arg16 : memref<!tpu.dma_semaphore, #tpu.memory_space<semaphore_mem>>) src(%dma_wait3A_43 : memref<10000x128xf32, #tpu.memory_space<hbm>>) dst(%arg12 : memref<80x128xf32, #tpu.memory_space<vmem>>)
        %scan3A_44 = arith.constant 0 : i32
        %scan3A_45 = arith.constant 0 : i32
        %scan3A_46 = arith.constant 80 : i32
        %scan3A_47 = arith.addi %scan3A_45, %scan3A_46 : i32
        %scan3A_48 = arith.constant 1 : i32
        %scan3A_49 = scf.for %scan3A_52 = %scan3A_45 to %scan3A_47 step %scan3A_48 iter_args(%scan3A_53 = %scan3A_44) -> (i32)  : i32 {
          %broadcast_in_dim3A = vector.broadcast %scan3A_52 : i32 to vector<16xi32>
          %gather3A = tpu.vector_load_idx %arg11[%broadcast_in_dim3A] : memref<80xf32, #tpu.memory_space<vmem>>[vector<16xi32>], vector<16xf32>,
          %get3A = arith.index_cast %scan3A_52 : i32 to index
          %get3A_54 = arith.constant 64 : index
          %get3A_55 = tpu.vector_load %arg12[%get3A, %get3A_54] {strides = array<i32>} : memref<80x128xf32, #tpu.memory_space<vmem>>, vector<16xf32>,
          %mul3A_56 = arith.mulf %get3A_55, %gather3A : vector<16xf32>
          %swap3A = arith.index_cast %scan3A_52 : i32 to index
          %swap3A_57 = arith.constant 64 : index
          %swap3A_58 = tpu.vector_load %arg12[%swap3A, %swap3A_57] {strides = array<i32>} : memref<80x128xf32, #tpu.memory_space<vmem>>, vector<16xf32>,
          tpu.vector_store %arg12[%swap3A, %swap3A_57], %mul3A_56 {strides = array<i32>} : memref<80x128xf32, #tpu.memory_space<vmem>>, vector<16xf32>,
          %get3A_59 = arith.index_cast %scan3A_52 : i32 to index
          %get3A_60 = arith.constant 80 : index
          %get3A_61 = tpu.vector_load %arg12[%get3A_59, %get3A_60] {strides = array<i32>} : memref<80x128xf32, #tpu.memory_space<vmem>>, vector<16xf32>,
          %mul3A_62 = arith.mulf %get3A_61, %gather3A : vector<16xf32>
          %swap3A_63 = arith.index_cast %scan3A_52 : i32 to index
          %swap3A_64 = arith.constant 80 : index
          %swap3A_65 = tpu.vector_load %arg12[%swap3A_63, %swap3A_64] {strides = array<i32>} : memref<80x128xf32, #tpu.memory_space<vmem>>, vector<16xf32>,
          tpu.vector_store %arg12[%swap3A_63, %swap3A_64], %mul3A_62 {strides = array<i32>} : memref<80x128xf32, #tpu.memory_space<vmem>>, vector<16xf32>,
          %get3A_66 = arith.index_cast %scan3A_52 : i32 to index
          %get3A_67 = arith.constant 96 : index
          %get3A_68 = tpu.vector_load %arg12[%get3A_66, %get3A_67] {strides = array<i32>} : memref<80x128xf32, #tpu.memory_space<vmem>>, vector<16xf32>,
          %mul3A_69 = arith.mulf %get3A_68, %gather3A : vector<16xf32>
          %swap3A_70 = arith.index_cast %scan3A_52 : i32 to index
          %swap3A_71 = arith.constant 96 : index
          %swap3A_72 = tpu.vector_load %arg12[%swap3A_70, %swap3A_71] {strides = array<i32>} : memref<80x128xf32, #tpu.memory_space<vmem>>, vector<16xf32>,
          tpu.vector_store %arg12[%swap3A_70, %swap3A_71], %mul3A_69 {strides = array<i32>} : memref<80x128xf32, #tpu.memory_space<vmem>>, vector<16xf32>,
          %scan3A_73 = arith.constant 0 : i32
          scf.yield %scan3A_73 : i32
        }
        %scan3A_50 = arith.constant 80 : i32
        "tpu.region"() ({
          %run_scoped3A = tpu.sem_alloc : memref<!tpu.dma_semaphore, #tpu.memory_space<semaphore_mem>>
          %dma_start3A_52 = arith.constant 0 : i32
          %dma_start3A_53 = arith.constant 0 : i32
          %dma_start3A_54 = tpu.memref_slice %arg15[%dma_start3A_52, %dma_start3A_53] : memref<10240x128xf32, #tpu.memory_space<vmem_shared>> -> memref<10240x128xf32, #tpu.memory_space<vmem_shared>>
          tpu.enqueue_indirect_dma source(%arg12 : memref<80x128xf32, #tpu.memory_space<vmem>>) target(%dma_start3A_54 : memref<10240x128xf32, #tpu.memory_space<vmem_shared>>) offsets(%arg10 : memref<80xi32, #tpu.memory_space<vmem>>) semaphore(%run_scoped3A : memref<!tpu.dma_semaphore, #tpu.memory_space<semaphore_mem>>) {add = true}
          %dma_wait3A_55 = arith.constant 0 : i32
          %dma_wait3A_56 = arith.constant 0 : i32
          %dma_wait3A_57 = tpu.memref_slice %arg15[%dma_wait3A_55, %dma_wait3A_56] : memref<10240x128xf32, #tpu.memory_space<vmem_shared>> -> memref<10240x128xf32, #tpu.memory_space<vmem_shared>>
          tpu.wait_indirect_dma semaphore(%run_scoped3A : memref<!tpu.dma_semaphore, #tpu.memory_space<semaphore_mem>>) src(%arg12 : memref<80x128xf32, #tpu.memory_space<vmem>>) dst(%dma_wait3A_57 : memref<10240x128xf32, #tpu.memory_space<vmem_shared>>)
          tpu.yield
        }) : () -> ()
        %scan3A_51 = arith.constant 0 : i32
        scf.yield %scan3A_51 : i32
      }
      %scan3A_35 = arith.constant 250 : i32
    } else {
    }
    %barrier3A_20 = arith.constant 0 : index
    tpu.barrier barrier_id(%barrier3A_20)
    %scan3A_21 = arith.constant 0 : i32
    %scan3A_22 = arith.constant 0 : i32
    %scan3A_23 = arith.constant 5 : i32
    %scan3A_24 = arith.addi %scan3A_22, %scan3A_23 : i32
    %scan3A_25 = arith.constant 1 : i32
    %scan3A_26 = scf.for %scan3A_28 = %scan3A_22 to %scan3A_24 step %scan3A_25 iter_args(%scan3A_29 = %scan3A_21) -> (i32)  : i32 {
      %mul3A = arith.constant 640 : i32
      %mul3A_30 = arith.muli %arg1, %mul3A : i32
      %mul3A_31 = arith.constant 128 : i32
      %mul3A_32 = arith.muli %scan3A_28, %mul3A_31 : i32
      %add3A = arith.addi %mul3A_30, %mul3A_32 : i32
      "tpu.region"() ({
        %run_scoped3A = tpu.sem_alloc : memref<!tpu.dma_semaphore, #tpu.memory_space<semaphore_mem>>
        %dma_start3A = arith.constant 0 : i32
        %dma_start3A_44 = tpu.memref_slice %arg15[%add3A, %dma_start3A] : memref<10240x128xf32, #tpu.memory_space<vmem_shared>> -> memref<128x128xf32, #tpu.memory_space<vmem_shared>>
        %dma_start3A_45 = arith.constant 0 : i32
        %dma_start3A_46 = tpu.memref_slice %arg15[%add3A, %dma_start3A_45] : memref<10240x128xf32, #tpu.memory_space<vmem_shared>> -> memref<128x128xf32, #tpu.memory_space<vmem_shared>>
        tpu.enqueue_dma source(%dma_start3A_46 : memref<128x128xf32, #tpu.memory_space<vmem_shared>>) target(%arg14 : memref<128x128xf32, #tpu.memory_space<vmem>>) target_semaphore(%run_scoped3A : memref<!tpu.dma_semaphore, #tpu.memory_space<semaphore_mem>>)
        %dma_wait3A = arith.constant 0 : i32
        %dma_wait3A_47 = tpu.memref_slice %arg15[%add3A, %dma_wait3A] : memref<10240x128xf32, #tpu.memory_space<vmem_shared>> -> memref<128x128xf32, #tpu.memory_space<vmem_shared>>
        %dma_wait3A_48 = arith.constant 0 : i32
        %dma_wait3A_49 = tpu.memref_slice %arg15[%add3A, %dma_wait3A_48] : memref<10240x128xf32, #tpu.memory_space<vmem_shared>> -> memref<128x128xf32, #tpu.memory_space<vmem_shared>>
        tpu.wait_dma2 semaphore(%run_scoped3A : memref<!tpu.dma_semaphore, #tpu.memory_space<semaphore_mem>>) src(%dma_wait3A_49 : memref<128x128xf32, #tpu.memory_space<vmem_shared>>) dst(%arg14 : memref<128x128xf32, #tpu.memory_space<vmem>>)
        tpu.yield
      }) : () -> ()
      %eq3A_33 = arith.constant 0 : i32
      %eq3A_34 = arith.cmpi eq, %arg0, %eq3A_33 : i32
      %convert_element_type3A_35 = arith.extui %eq3A_34 : i1 to i32
      %cond3A_36 = arith.constant 0 : i32
      %cond3A_37 = arith.cmpi ne, %convert_element_type3A_35, %cond3A_36 : i32
      scf.if %cond3A_37 {
        "tpu.region"() ({
          %run_scoped3A = tpu.sem_alloc : memref<!tpu.dma_semaphore, #tpu.memory_space<semaphore_mem>>
          %dma_start3A = arith.constant 0 : i32
          %dma_start3A_44 = tpu.memref_slice %arg7[%add3A, %dma_start3A] : memref<10240x128xf32, #tpu.memory_space<hbm>> -> memref<128x128xf32, #tpu.memory_space<hbm>>
          %dma_start3A_45 = arith.constant 0 : i32
          %dma_start3A_46 = tpu.memref_slice %arg7[%add3A, %dma_start3A_45] : memref<10240x128xf32, #tpu.memory_space<hbm>> -> memref<128x128xf32, #tpu.memory_space<hbm>>
          tpu.enqueue_dma source(%arg14 : memref<128x128xf32, #tpu.memory_space<vmem>>) target(%dma_start3A_46 : memref<128x128xf32, #tpu.memory_space<hbm>>) target_semaphore(%run_scoped3A : memref<!tpu.dma_semaphore, #tpu.memory_space<semaphore_mem>>)
          %dma_wait3A = arith.constant 0 : i32
          %dma_wait3A_47 = tpu.memref_slice %arg7[%add3A, %dma_wait3A] : memref<10240x128xf32, #tpu.memory_space<hbm>> -> memref<128x128xf32, #tpu.memory_space<hbm>>
          %dma_wait3A_48 = arith.constant 0 : i32
          %dma_wait3A_49 = tpu.memref_slice %arg7[%add3A, %dma_wait3A_48] : memref<10240x128xf32, #tpu.memory_space<hbm>> -> memref<128x128xf32, #tpu.memory_space<hbm>>
          tpu.wait_dma2 semaphore(%run_scoped3A : memref<!tpu.dma_semaphore, #tpu.memory_space<semaphore_mem>>) src(%arg14 : memref<128x128xf32, #tpu.memory_space<vmem>>) dst(%dma_wait3A_49 : memref<128x128xf32, #tpu.memory_space<hbm>>)
          tpu.yield
        }) : () -> ()
      } else {
      }
      %eq3A_38 = arith.constant 1 : i32
      %eq3A_39 = arith.cmpi eq, %arg0, %eq3A_38 : i32
      %convert_element_type3A_40 = arith.extui %eq3A_39 : i1 to i32
      %cond3A_41 = arith.constant 0 : i32
      %cond3A_42 = arith.cmpi ne, %convert_element_type3A_40, %cond3A_41 : i32
      scf.if %cond3A_42 {
        "tpu.region"() ({
          %run_scoped3A = tpu.sem_alloc : memref<!tpu.dma_semaphore, #tpu.memory_space<semaphore_mem>>
          %dma_start3A = arith.constant 0 : i32
          %dma_start3A_44 = tpu.memref_slice %arg8[%add3A, %dma_start3A] : memref<10240x128xf32, #tpu.memory_space<hbm>> -> memref<128x128xf32, #tpu.memory_space<hbm>>
          %dma_start3A_45 = arith.constant 0 : i32
          %dma_start3A_46 = tpu.memref_slice %arg8[%add3A, %dma_start3A_45] : memref<10240x128xf32, #tpu.memory_space<hbm>> -> memref<128x128xf32, #tpu.memory_space<hbm>>
          tpu.enqueue_dma source(%arg14 : memref<128x128xf32, #tpu.memory_space<vmem>>) target(%dma_start3A_46 : memref<128x128xf32, #tpu.memory_space<hbm>>) target_semaphore(%run_scoped3A : memref<!tpu.dma_semaphore, #tpu.memory_space<semaphore_mem>>)
          %dma_wait3A = arith.constant 0 : i32
          %dma_wait3A_47 = tpu.memref_slice %arg8[%add3A, %dma_wait3A] : memref<10240x128xf32, #tpu.memory_space<hbm>> -> memref<128x128xf32, #tpu.memory_space<hbm>>
          %dma_wait3A_48 = arith.constant 0 : i32
          %dma_wait3A_49 = tpu.memref_slice %arg8[%add3A, %dma_wait3A_48] : memref<10240x128xf32, #tpu.memory_space<hbm>> -> memref<128x128xf32, #tpu.memory_space<hbm>>
          tpu.wait_dma2 semaphore(%run_scoped3A : memref<!tpu.dma_semaphore, #tpu.memory_space<semaphore_mem>>) src(%arg14 : memref<128x128xf32, #tpu.memory_space<vmem>>) dst(%dma_wait3A_49 : memref<128x128xf32, #tpu.memory_space<hbm>>)
          tpu.yield
        }) : () -> ()
      } else {
      }
      %scan3A_43 = arith.constant 0 : i32
      scf.yield %scan3A_43 : i32
    }
    %scan3A_27 = arith.constant 5 : i32
    return
  }
}

module attributes {stable_mosaic.version = 14 : i64} {
  func.func @_tc1_body(%arg0: i32, %arg1: memref<1000x128xf32, #tpu.memory_space<vmem>>, %arg2: memref<128x128xf32, #tpu.memory_space<vmem>>, %arg3: memref<128x128xf32, #tpu.memory_space<vmem>>, %arg4: memref<128x128xf32, #tpu.memory_space<vmem>>, %arg5: memref<1000x1xf32, #tpu.memory_space<vmem>>, %arg6: memref<1000x1xf32, #tpu.memory_space<vmem>>, %arg7: memref<1000x128xf32, #tpu.memory_space<vmem>>, %arg8: memref<1000x128xf32, #tpu.memory_space<vmem>>, %arg9: memref<1000x128xf32, #tpu.memory_space<vmem>>) attributes {dimension_semantics = [#tpu.dimension_semantics<arbitrary>], iteration_bounds = array<i64: 10>, scalar_prefetch = 0 : i64, scratch_operands = 0 : i64, tpu.core_type = #tpu.core_type<tc>, window_params = [{transform_indices = @transform_0, window_bounds = array<i64: 1000, 128>}, {pipeline_mode = #tpu.pipeline_mode<synchronous>, transform_indices = @transform_1, window_bounds = array<i64: 128, 128>}, {pipeline_mode = #tpu.pipeline_mode<synchronous>, transform_indices = @transform_2, window_bounds = array<i64: 128, 128>}, {pipeline_mode = #tpu.pipeline_mode<synchronous>, transform_indices = @transform_3, window_bounds = array<i64: 128, 128>}, {transform_indices = @transform_4, window_bounds = array<i64: 1000, 1>}, {transform_indices = @transform_5, window_bounds = array<i64: 1000, 1>}, {transform_indices = @transform_6, window_bounds = array<i64: 1000, 128>}, {transform_indices = @transform_7, window_bounds = array<i64: 1000, 128>}, {transform_indices = @transform_8, window_bounds = array<i64: 1000, 128>}]} {
    %get3A = arith.constant 0 : index
    %get3A_0 = arith.constant 0 : index
    %get3A_1 = vector.load %arg1[%get3A, %get3A_0] : memref<1000x128xf32, #tpu.memory_space<vmem>>, vector<1000x128xf32>
    %get3A_2 = arith.constant 0 : index
    %get3A_3 = arith.constant 0 : index
    %get3A_4 = vector.load %arg5[%get3A_2, %get3A_3] : memref<1000x1xf32, #tpu.memory_space<vmem>>, vector<1000x1xf32>
    %eq3A = arith.constant 0.000000e+00 : f32
    %eq3A_5 = vector.broadcast %eq3A : f32 to vector<1000x1xf32>
    %eq3A_6 = arith.cmpf oeq, %get3A_4, %eq3A_5 : vector<1000x1xf32>
    %get3A_7 = arith.constant 0 : index
    %get3A_8 = arith.constant 0 : index
    %get3A_9 = vector.load %arg5[%get3A_7, %get3A_8] : memref<1000x1xf32, #tpu.memory_space<vmem>>, vector<1000x1xf32>
    %jit3A = arith.constant 1.000000e+00 : f32
    %broadcast_in_dim3A = vector.broadcast %jit3A : f32 to vector<1000x1xf32>
    %select_n3A = arith.select %eq3A_6, %broadcast_in_dim3A, %get3A_9 : vector<1000x1xi1>, vector<1000x1xf32>
    %div3A = arith.constant 1.000000e+00 : f32
    %div3A_10 = vector.broadcast %div3A : f32 to vector<1000x1xf32>
    %div3A_11 = arith.divf %div3A_10, %select_n3A : vector<1000x1xf32>
    %get3A_12 = arith.constant 0 : index
    %get3A_13 = arith.constant 0 : index
    %get3A_14 = vector.load %arg6[%get3A_12, %get3A_13] : memref<1000x1xf32, #tpu.memory_space<vmem>>, vector<1000x1xf32>
    %eq3A_15 = arith.constant 0.000000e+00 : f32
    %eq3A_16 = vector.broadcast %eq3A_15 : f32 to vector<1000x1xf32>
    %eq3A_17 = arith.cmpf oeq, %get3A_14, %eq3A_16 : vector<1000x1xf32>
    %get3A_18 = arith.constant 0 : index
    %get3A_19 = arith.constant 0 : index
    %get3A_20 = vector.load %arg6[%get3A_18, %get3A_19] : memref<1000x1xf32, #tpu.memory_space<vmem>>, vector<1000x1xf32>
    %jit3A_21 = arith.constant 1.000000e+00 : f32
    %broadcast_in_dim3A_22 = vector.broadcast %jit3A_21 : f32 to vector<1000x1xf32>
    %select_n3A_23 = arith.select %eq3A_17, %broadcast_in_dim3A_22, %get3A_20 : vector<1000x1xi1>, vector<1000x1xf32>
    %div3A_24 = arith.constant 1.000000e+00 : f32
    %div3A_25 = vector.broadcast %div3A_24 : f32 to vector<1000x1xf32>
    %div3A_26 = arith.divf %div3A_25, %select_n3A_23 : vector<1000x1xf32>
    %get3A_27 = arith.constant 0 : index
    %get3A_28 = arith.constant 0 : index
    %get3A_29 = vector.load %arg2[%get3A_27, %get3A_28] : memref<128x128xf32, #tpu.memory_space<vmem>>, vector<128x128xf32>
    %dot_general3A = arith.constant dense<0.000000e+00> : vector<1000x128xf32>
    %dot_general3A_30 = tpu.matmul %get3A_1, %get3A_29, %dot_general3A {dimension_numbers = #tpu.dot_dimension_numbers<[1], [0], [0], [1], [0, 0, 1, 1], [], []>, transpose_lhs_hint = false} : vector<1000x128xf32>, vector<128x128xf32>, vector<1000x128xf32> -> vector<1000x128xf32>
    %swap3A = arith.constant 0 : index
    %swap3A_31 = arith.constant 0 : index
    %swap3A_32 = vector.load %arg7[%swap3A, %swap3A_31] : memref<1000x128xf32, #tpu.memory_space<vmem>>, vector<1000x128xf32>
    tpu.vector_store %arg7[%swap3A, %swap3A_31], %dot_general3A_30 {strides = array<i32>} : memref<1000x128xf32, #tpu.memory_space<vmem>>, vector<1000x128xf32>,
    %get3A_33 = arith.constant 0 : index
    %get3A_34 = arith.constant 0 : index
    %get3A_35 = vector.load %arg3[%get3A_33, %get3A_34] : memref<128x128xf32, #tpu.memory_space<vmem>>, vector<128x128xf32>
    %dot_general3A_36 = arith.constant dense<0.000000e+00> : vector<1000x128xf32>
    %dot_general3A_37 = tpu.matmul %get3A_1, %get3A_35, %dot_general3A_36 {dimension_numbers = #tpu.dot_dimension_numbers<[1], [0], [0], [1], [0, 0, 1, 1], [], []>, transpose_lhs_hint = false} : vector<1000x128xf32>, vector<128x128xf32>, vector<1000x128xf32> -> vector<1000x128xf32>
    %mul3A = vector.broadcast %div3A_11 : vector<1000x1xf32> to vector<1000x128xf32>
    %mul3A_38 = arith.mulf %dot_general3A_37, %mul3A : vector<1000x128xf32>
    %swap3A_39 = arith.constant 0 : index
    %swap3A_40 = arith.constant 0 : index
    %swap3A_41 = vector.load %arg8[%swap3A_39, %swap3A_40] : memref<1000x128xf32, #tpu.memory_space<vmem>>, vector<1000x128xf32>
    tpu.vector_store %arg8[%swap3A_39, %swap3A_40], %mul3A_38 {strides = array<i32>} : memref<1000x128xf32, #tpu.memory_space<vmem>>, vector<1000x128xf32>,
    %get3A_42 = arith.constant 0 : index
    %get3A_43 = arith.constant 0 : index
    %get3A_44 = vector.load %arg4[%get3A_42, %get3A_43] : memref<128x128xf32, #tpu.memory_space<vmem>>, vector<128x128xf32>
    %dot_general3A_45 = arith.constant dense<0.000000e+00> : vector<1000x128xf32>
    %dot_general3A_46 = tpu.matmul %get3A_1, %get3A_44, %dot_general3A_45 {dimension_numbers = #tpu.dot_dimension_numbers<[1], [0], [0], [1], [0, 0, 1, 1], [], []>, transpose_lhs_hint = false} : vector<1000x128xf32>, vector<128x128xf32>, vector<1000x128xf32> -> vector<1000x128xf32>
    %mul3A_47 = vector.broadcast %div3A_26 : vector<1000x1xf32> to vector<1000x128xf32>
    %mul3A_48 = arith.mulf %dot_general3A_46, %mul3A_47 : vector<1000x128xf32>
    %swap3A_49 = arith.constant 0 : index
    %swap3A_50 = arith.constant 0 : index
    %swap3A_51 = vector.load %arg9[%swap3A_49, %swap3A_50] : memref<1000x128xf32, #tpu.memory_space<vmem>>, vector<1000x128xf32>
    tpu.vector_store %arg9[%swap3A_49, %swap3A_50], %mul3A_48 {strides = array<i32>} : memref<1000x128xf32, #tpu.memory_space<vmem>>, vector<1000x128xf32>,
    return
  }
  func.func @transform_0(%arg0: i32) -> (i32, i32) {
    %c0_i32 = arith.constant 0 : i32
    %c0_i32_0 = arith.constant 0 : i32
    return %arg0, %c0_i32 : i32, i32
  }
  func.func @transform_1(%arg0: i32) -> (i32, i32) {
    %c0_i32 = arith.constant 0 : i32
    %c0_i32_0 = arith.constant 0 : i32
    %c0_i32_1 = arith.constant 0 : i32
    return %c0_i32, %c0_i32_0 : i32, i32
  }
  func.func @transform_2(%arg0: i32) -> (i32, i32) {
    %c0_i32 = arith.constant 0 : i32
    %c0_i32_0 = arith.constant 0 : i32
    %c0_i32_1 = arith.constant 0 : i32
    return %c0_i32, %c0_i32_0 : i32, i32
  }
  func.func @transform_3(%arg0: i32) -> (i32, i32) {
    %c0_i32 = arith.constant 0 : i32
    %c0_i32_0 = arith.constant 0 : i32
    %c0_i32_1 = arith.constant 0 : i32
    return %c0_i32, %c0_i32_0 : i32, i32
  }
  func.func @transform_4(%arg0: i32) -> (i32, i32) {
    %c0_i32 = arith.constant 0 : i32
    %c0_i32_0 = arith.constant 0 : i32
    return %arg0, %c0_i32 : i32, i32
  }
  func.func @transform_5(%arg0: i32) -> (i32, i32) {
    %c0_i32 = arith.constant 0 : i32
    %c0_i32_0 = arith.constant 0 : i32
    return %arg0, %c0_i32 : i32, i32
  }
  func.func @transform_6(%arg0: i32) -> (i32, i32) {
    %c0_i32 = arith.constant 0 : i32
    %c0_i32_0 = arith.constant 0 : i32
    return %arg0, %c0_i32 : i32, i32
  }
  func.func @transform_7(%arg0: i32) -> (i32, i32) {
    %c0_i32 = arith.constant 0 : i32
    %c0_i32_0 = arith.constant 0 : i32
    return %arg0, %c0_i32 : i32, i32
  }
  func.func @transform_8(%arg0: i32) -> (i32, i32) {
    %c0_i32 = arith.constant 0 : i32
    %c0_i32_0 = arith.constant 0 : i32
    return %arg0, %c0_i32 : i32, i32
  }
}

module attributes {stable_mosaic.version = 14 : i64} {
  func.func @_tc2_body(%arg0: i32, %arg1: memref<1000x128xf32, #tpu.memory_space<vmem>>, %arg2: memref<1000x128xf32, #tpu.memory_space<vmem>>, %arg3: memref<1000x128xf32, #tpu.memory_space<vmem>>, %arg4: memref<1x50xf32, #tpu.memory_space<vmem>>, %arg5: memref<1x50xf32, #tpu.memory_space<vmem>>, %arg6: memref<50x48xf32, #tpu.memory_space<vmem>>, %arg7: memref<50x128xf32, #tpu.memory_space<vmem>>, %arg8: memref<1000x1xf32, #tpu.memory_space<vmem>>, %arg9: memref<1000x1xf32, #tpu.memory_space<vmem>>, %arg10: memref<1000x48xf32, #tpu.memory_space<vmem>>, %arg11: memref<1000x128xf32, #tpu.memory_space<vmem>>) attributes {dimension_semantics = [#tpu.dimension_semantics<arbitrary>], iteration_bounds = array<i64: 10>, scalar_prefetch = 0 : i64, scratch_operands = 0 : i64, tpu.core_type = #tpu.core_type<tc>, window_params = [{transform_indices = @transform_0, window_bounds = array<i64: 1000, 128>}, {transform_indices = @transform_1, window_bounds = array<i64: 1000, 128>}, {transform_indices = @transform_2, window_bounds = array<i64: 1000, 128>}, {pipeline_mode = #tpu.pipeline_mode<synchronous>, transform_indices = @transform_3, window_bounds = array<i64: 1, 50>}, {pipeline_mode = #tpu.pipeline_mode<synchronous>, transform_indices = @transform_4, window_bounds = array<i64: 1, 50>}, {pipeline_mode = #tpu.pipeline_mode<synchronous>, transform_indices = @transform_5, window_bounds = array<i64: 50, 48>}, {pipeline_mode = #tpu.pipeline_mode<synchronous>, transform_indices = @transform_6, window_bounds = array<i64: 50, 128>}, {transform_indices = @transform_7, window_bounds = array<i64: 1000, 1>}, {transform_indices = @transform_8, window_bounds = array<i64: 1000, 1>}, {transform_indices = @transform_9, window_bounds = array<i64: 1000, 48>}, {transform_indices = @transform_10, window_bounds = array<i64: 1000, 128>}]} {
    %get3A = arith.constant 0 : index
    %get3A_0 = arith.constant 0 : index
    %get3A_1 = vector.load %arg1[%get3A, %get3A_0] : memref<1000x128xf32, #tpu.memory_space<vmem>>, vector<1000x128xf32>
    %get3A_2 = arith.constant 0 : index
    %get3A_3 = arith.constant 0 : index
    %get3A_4 = vector.load %arg2[%get3A_2, %get3A_3] : memref<1000x128xf32, #tpu.memory_space<vmem>>, vector<1000x128xf32>
    %add3A = arith.addf %get3A_1, %get3A_4 : vector<1000x128xf32>
    %get3A_5 = arith.constant 0 : index
    %get3A_6 = arith.constant 0 : index
    %get3A_7 = vector.load %arg3[%get3A_5, %get3A_6] : memref<1000x128xf32, #tpu.memory_space<vmem>>, vector<1000x128xf32>
    %add3A_8 = arith.addf %add3A, %get3A_7 : vector<1000x128xf32>
    %slice3A = vector.extract_strided_slice %add3A_8 {offsets = [0, 0], sizes = [1000, 50], strides = [1, 1]} : vector<1000x128xf32> to vector<1000x50xf32>
    %get3A_9 = arith.constant 0 : index
    %get3A_10 = arith.constant 0 : index
    %get3A_11 = vector.load %arg4[%get3A_9, %get3A_10] : memref<1x50xf32, #tpu.memory_space<vmem>>, vector<1x50xf32>
    %add3A_12 = vector.broadcast %get3A_11 : vector<1x50xf32> to vector<1000x50xf32>
    %add3A_13 = arith.addf %slice3A, %add3A_12 : vector<1000x50xf32>
    %logistic3A = arith.negf %add3A_13 : vector<1000x50xf32>
    %logistic3A_14 = math.exp %logistic3A : vector<1000x50xf32>
    %logistic3A_15 = arith.constant 1.000000e+00 : f32
    %logistic3A_16 = vector.broadcast %logistic3A_15 : f32 to vector<1000x50xf32>
    %logistic3A_17 = arith.addf %logistic3A_16, %logistic3A_14 : vector<1000x50xf32>
    %logistic3A_18 = arith.divf %logistic3A_16, %logistic3A_17 : vector<1000x50xf32>
    %slice3A_19 = vector.extract_strided_slice %add3A_8 {offsets = [0, 50], sizes = [1000, 50], strides = [1, 1]} : vector<1000x128xf32> to vector<1000x50xf32>
    %get3A_20 = arith.constant 0 : index
    %get3A_21 = arith.constant 0 : index
    %get3A_22 = vector.load %arg5[%get3A_20, %get3A_21] : memref<1x50xf32, #tpu.memory_space<vmem>>, vector<1x50xf32>
    %add3A_23 = vector.broadcast %get3A_22 : vector<1x50xf32> to vector<1000x50xf32>
    %add3A_24 = arith.addf %slice3A_19, %add3A_23 : vector<1000x50xf32>
    %tanh3A = math.tanh %add3A_24 : vector<1000x50xf32>
    %sub3A = arith.constant 1.000000e+00 : f32
    %sub3A_25 = vector.broadcast %sub3A : f32 to vector<1000x50xf32>
    %sub3A_26 = arith.subf %sub3A_25, %logistic3A_18 : vector<1000x50xf32>
    %mul3A = arith.mulf %sub3A_26, %tanh3A : vector<1000x50xf32>
    %max3A = arith.constant 0.000000e+00 : f32
    %max3A_27 = vector.broadcast %max3A : f32 to vector<1000x50xf32>
    %max3A_28 = arith.maximumf %mul3A, %max3A_27 : vector<1000x50xf32>
    %get3A_29 = arith.constant 0 : index
    %get3A_30 = arith.constant 0 : index
    %get3A_31 = vector.load %arg8[%get3A_29, %get3A_30] : memref<1000x1xf32, #tpu.memory_space<vmem>>, vector<1000x1xf32>
    %eq3A = arith.constant 0.000000e+00 : f32
    %eq3A_32 = vector.broadcast %eq3A : f32 to vector<1000x1xf32>
    %eq3A_33 = arith.cmpf oeq, %get3A_31, %eq3A_32 : vector<1000x1xf32>
    %get3A_34 = arith.constant 0 : index
    %get3A_35 = arith.constant 0 : index
    %get3A_36 = vector.load %arg8[%get3A_34, %get3A_35] : memref<1000x1xf32, #tpu.memory_space<vmem>>, vector<1000x1xf32>
    %jit3A = arith.constant 1.000000e+00 : f32
    %broadcast_in_dim3A = vector.broadcast %jit3A : f32 to vector<1000x1xf32>
    %select_n3A = arith.select %eq3A_33, %broadcast_in_dim3A, %get3A_36 : vector<1000x1xi1>, vector<1000x1xf32>
    %div3A = arith.constant 1.000000e+00 : f32
    %div3A_37 = vector.broadcast %div3A : f32 to vector<1000x1xf32>
    %div3A_38 = arith.divf %div3A_37, %select_n3A : vector<1000x1xf32>
    %get3A_39 = arith.constant 0 : index
    %get3A_40 = arith.constant 0 : index
    %get3A_41 = vector.load %arg9[%get3A_39, %get3A_40] : memref<1000x1xf32, #tpu.memory_space<vmem>>, vector<1000x1xf32>
    %eq3A_42 = arith.constant 0.000000e+00 : f32
    %eq3A_43 = vector.broadcast %eq3A_42 : f32 to vector<1000x1xf32>
    %eq3A_44 = arith.cmpf oeq, %get3A_41, %eq3A_43 : vector<1000x1xf32>
    %get3A_45 = arith.constant 0 : index
    %get3A_46 = arith.constant 0 : index
    %get3A_47 = vector.load %arg9[%get3A_45, %get3A_46] : memref<1000x1xf32, #tpu.memory_space<vmem>>, vector<1000x1xf32>
    %jit3A_48 = arith.constant 1.000000e+00 : f32
    %broadcast_in_dim3A_49 = vector.broadcast %jit3A_48 : f32 to vector<1000x1xf32>
    %select_n3A_50 = arith.select %eq3A_44, %broadcast_in_dim3A_49, %get3A_47 : vector<1000x1xi1>, vector<1000x1xf32>
    %div3A_51 = arith.constant 1.000000e+00 : f32
    %div3A_52 = vector.broadcast %div3A_51 : f32 to vector<1000x1xf32>
    %div3A_53 = arith.divf %div3A_52, %select_n3A_50 : vector<1000x1xf32>
    %get3A_54 = arith.constant 0 : index
    %get3A_55 = arith.constant 0 : index
    %get3A_56 = vector.load %arg7[%get3A_54, %get3A_55] : memref<50x128xf32, #tpu.memory_space<vmem>>, vector<50x128xf32>
    %dot_general3A = arith.constant dense<0.000000e+00> : vector<1000x128xf32>
    %dot_general3A_57 = tpu.matmul %max3A_28, %get3A_56, %dot_general3A {dimension_numbers = #tpu.dot_dimension_numbers<[1], [0], [0], [1], [0, 0, 1, 1], [], []>, transpose_lhs_hint = false} : vector<1000x50xf32>, vector<50x128xf32>, vector<1000x128xf32> -> vector<1000x128xf32>
    %broadcast_in_dim3A_58 = vector.shape_cast %div3A_38 : vector<1000x1xf32> to vector<1000x1xf32>
    %broadcast_in_dim3A_59 = vector.broadcast %broadcast_in_dim3A_58 : vector<1000x1xf32> to vector<1000x64xf32>
    %broadcast_in_dim3A_60 = vector.shape_cast %div3A_53 : vector<1000x1xf32> to vector<1000x1xf32>
    %broadcast_in_dim3A_61 = vector.broadcast %broadcast_in_dim3A_60 : vector<1000x1xf32> to vector<1000x64xf32>
    %concatenate3A = tpu.concatenate %broadcast_in_dim3A_59, %broadcast_in_dim3A_61 in 1 : vector<1000x64xf32>, vector<1000x64xf32> -> vector<1000x128xf32>
    %mul3A_62 = arith.mulf %dot_general3A_57, %concatenate3A : vector<1000x128xf32>
    %swap3A = arith.constant 0 : index
    %swap3A_63 = arith.constant 0 : index
    %swap3A_64 = vector.load %arg11[%swap3A, %swap3A_63] : memref<1000x128xf32, #tpu.memory_space<vmem>>, vector<1000x128xf32>
    tpu.vector_store %arg11[%swap3A, %swap3A_63], %mul3A_62 {strides = array<i32>} : memref<1000x128xf32, #tpu.memory_space<vmem>>, vector<1000x128xf32>,
    %get3A_65 = arith.constant 0 : index
    %get3A_66 = arith.constant 0 : index
    %get3A_67 = vector.load %arg6[%get3A_65, %get3A_66] : memref<50x48xf32, #tpu.memory_space<vmem>>, vector<50x48xf32>
    %dot_general3A_68 = arith.constant dense<0.000000e+00> : vector<1000x48xf32>
    %dot_general3A_69 = tpu.matmul %max3A_28, %get3A_67, %dot_general3A_68 {dimension_numbers = #tpu.dot_dimension_numbers<[1], [0], [0], [1], [0, 0, 1, 1], [], []>, transpose_lhs_hint = false} : vector<1000x50xf32>, vector<50x48xf32>, vector<1000x48xf32> -> vector<1000x48xf32>
    %swap3A_70 = arith.constant 0 : index
    %swap3A_71 = arith.constant 0 : index
    %swap3A_72 = vector.load %arg10[%swap3A_70, %swap3A_71] : memref<1000x48xf32, #tpu.memory_space<vmem>>, vector<1000x48xf32>
    tpu.vector_store %arg10[%swap3A_70, %swap3A_71], %dot_general3A_69 {strides = array<i32>} : memref<1000x48xf32, #tpu.memory_space<vmem>>, vector<1000x48xf32>,
    return
  }
  func.func @transform_0(%arg0: i32) -> (i32, i32) {
    %c0_i32 = arith.constant 0 : i32
    %c0_i32_0 = arith.constant 0 : i32
    return %arg0, %c0_i32 : i32, i32
  }
  func.func @transform_1(%arg0: i32) -> (i32, i32) {
    %c0_i32 = arith.constant 0 : i32
    %c0_i32_0 = arith.constant 0 : i32
    return %arg0, %c0_i32 : i32, i32
  }
  func.func @transform_2(%arg0: i32) -> (i32, i32) {
    %c0_i32 = arith.constant 0 : i32
    %c0_i32_0 = arith.constant 0 : i32
    return %arg0, %c0_i32 : i32, i32
  }
  func.func @transform_3(%arg0: i32) -> (i32, i32) {
    %c0_i32 = arith.constant 0 : i32
    %c0_i32_0 = arith.constant 0 : i32
    %c0_i32_1 = arith.constant 0 : i32
    return %c0_i32, %c0_i32_0 : i32, i32
  }
  func.func @transform_4(%arg0: i32) -> (i32, i32) {
    %c0_i32 = arith.constant 0 : i32
    %c0_i32_0 = arith.constant 0 : i32
    %c0_i32_1 = arith.constant 0 : i32
    return %c0_i32, %c0_i32_0 : i32, i32
  }
  func.func @transform_5(%arg0: i32) -> (i32, i32) {
    %c0_i32 = arith.constant 0 : i32
    %c0_i32_0 = arith.constant 0 : i32
    %c0_i32_1 = arith.constant 0 : i32
    return %c0_i32, %c0_i32_0 : i32, i32
  }
  func.func @transform_6(%arg0: i32) -> (i32, i32) {
    %c0_i32 = arith.constant 0 : i32
    %c0_i32_0 = arith.constant 0 : i32
    %c0_i32_1 = arith.constant 0 : i32
    return %c0_i32, %c0_i32_0 : i32, i32
  }
  func.func @transform_7(%arg0: i32) -> (i32, i32) {
    %c0_i32 = arith.constant 0 : i32
    %c0_i32_0 = arith.constant 0 : i32
    return %arg0, %c0_i32 : i32, i32
  }
  func.func @transform_8(%arg0: i32) -> (i32, i32) {
    %c0_i32 = arith.constant 0 : i32
    %c0_i32_0 = arith.constant 0 : i32
    return %arg0, %c0_i32 : i32, i32
  }
  func.func @transform_9(%arg0: i32) -> (i32, i32) {
    %c0_i32 = arith.constant 0 : i32
    %c0_i32_0 = arith.constant 0 : i32
    return %arg0, %c0_i32 : i32, i32
  }
  func.func @transform_10(%arg0: i32) -> (i32, i32) {
    %c0_i32 = arith.constant 0 : i32
    %c0_i32_0 = arith.constant 0 : i32
    return %arg0, %c0_i32 : i32, i32
  }
}

module attributes {stable_mosaic.version = 14 : i64} {
  func.func @_tc3_body(%arg0: i32, %arg1: memref<1000x48xf32, #tpu.memory_space<vmem>>, %arg2: memref<1000x128xf32, #tpu.memory_space<vmem>>, %arg3: memref<1000x128xf32, #tpu.memory_space<vmem>>, %arg4: memref<1x20xf32, #tpu.memory_space<vmem>>, %arg5: memref<1x20xf32, #tpu.memory_space<vmem>>, %arg6: memref<20x1xf32, #tpu.memory_space<vmem>>, %arg7: memref<1x1xf32, #tpu.memory_space<vmem>>, %arg8: memref<1000x1xf32, #tpu.memory_space<vmem>>) attributes {dimension_semantics = [#tpu.dimension_semantics<arbitrary>], iteration_bounds = array<i64: 10>, scalar_prefetch = 0 : i64, scratch_operands = 0 : i64, tpu.core_type = #tpu.core_type<tc>, window_params = [{transform_indices = @transform_0, window_bounds = array<i64: 1000, 48>}, {transform_indices = @transform_1, window_bounds = array<i64: 1000, 128>}, {transform_indices = @transform_2, window_bounds = array<i64: 1000, 128>}, {pipeline_mode = #tpu.pipeline_mode<synchronous>, transform_indices = @transform_3, window_bounds = array<i64: 1, 20>}, {pipeline_mode = #tpu.pipeline_mode<synchronous>, transform_indices = @transform_4, window_bounds = array<i64: 1, 20>}, {pipeline_mode = #tpu.pipeline_mode<synchronous>, transform_indices = @transform_5, window_bounds = array<i64: 20, 1>}, {pipeline_mode = #tpu.pipeline_mode<synchronous>, transform_indices = @transform_6, window_bounds = array<i64: 1, 1>}, {transform_indices = @transform_7, window_bounds = array<i64: 1000, 1>}]} {
    %get3A = arith.constant 0 : index
    %get3A_0 = arith.constant 0 : index
    %get3A_1 = vector.load %arg1[%get3A, %get3A_0] : memref<1000x48xf32, #tpu.memory_space<vmem>>, vector<1000x20xf32>
    %get3A_2 = arith.constant 0 : index
    %get3A_3 = arith.constant 0 : index
    %get3A_4 = vector.load %arg2[%get3A_2, %get3A_3] : memref<1000x128xf32, #tpu.memory_space<vmem>>, vector<1000x20xf32>
    %add3A = arith.addf %get3A_1, %get3A_4 : vector<1000x20xf32>
    %get3A_5 = arith.constant 0 : index
    %get3A_6 = arith.constant 64 : index
    %get3A_7 = vector.load %arg3[%get3A_5, %get3A_6] : memref<1000x128xf32, #tpu.memory_space<vmem>>, vector<1000x20xf32>
    %add3A_8 = arith.addf %add3A, %get3A_7 : vector<1000x20xf32>
    %get3A_9 = arith.constant 0 : index
    %get3A_10 = arith.constant 0 : index
    %get3A_11 = vector.load %arg4[%get3A_9, %get3A_10] : memref<1x20xf32, #tpu.memory_space<vmem>>, vector<1x20xf32>
    %add3A_12 = vector.broadcast %get3A_11 : vector<1x20xf32> to vector<1000x20xf32>
    %add3A_13 = arith.addf %add3A_8, %add3A_12 : vector<1000x20xf32>
    %get3A_14 = arith.constant 0 : index
    %get3A_15 = arith.constant 20 : index
    %get3A_16 = vector.load %arg1[%get3A_14, %get3A_15] : memref<1000x48xf32, #tpu.memory_space<vmem>>, vector<1000x20xf32>
    %get3A_17 = arith.constant 0 : index
    %get3A_18 = arith.constant 20 : index
    %get3A_19 = vector.load %arg2[%get3A_17, %get3A_18] : memref<1000x128xf32, #tpu.memory_space<vmem>>, vector<1000x20xf32>
    %add3A_20 = arith.addf %get3A_16, %get3A_19 : vector<1000x20xf32>
    %get3A_21 = arith.constant 0 : index
    %get3A_22 = arith.constant 84 : index
    %get3A_23 = vector.load %arg3[%get3A_21, %get3A_22] : memref<1000x128xf32, #tpu.memory_space<vmem>>, vector<1000x20xf32>
    %add3A_24 = arith.addf %add3A_20, %get3A_23 : vector<1000x20xf32>
    %get3A_25 = arith.constant 0 : index
    %get3A_26 = arith.constant 0 : index
    %get3A_27 = vector.load %arg5[%get3A_25, %get3A_26] : memref<1x20xf32, #tpu.memory_space<vmem>>, vector<1x20xf32>
    %add3A_28 = vector.broadcast %get3A_27 : vector<1x20xf32> to vector<1000x20xf32>
    %add3A_29 = arith.addf %add3A_24, %add3A_28 : vector<1000x20xf32>
    %logistic3A = arith.negf %add3A_13 : vector<1000x20xf32>
    %logistic3A_30 = math.exp %logistic3A : vector<1000x20xf32>
    %logistic3A_31 = arith.constant 1.000000e+00 : f32
    %logistic3A_32 = vector.broadcast %logistic3A_31 : f32 to vector<1000x20xf32>
    %logistic3A_33 = arith.addf %logistic3A_32, %logistic3A_30 : vector<1000x20xf32>
    %logistic3A_34 = arith.divf %logistic3A_32, %logistic3A_33 : vector<1000x20xf32>
    %tanh3A = math.tanh %add3A_29 : vector<1000x20xf32>
    %sub3A = arith.constant 1.000000e+00 : f32
    %sub3A_35 = vector.broadcast %sub3A : f32 to vector<1000x20xf32>
    %sub3A_36 = arith.subf %sub3A_35, %logistic3A_34 : vector<1000x20xf32>
    %mul3A = arith.mulf %sub3A_36, %tanh3A : vector<1000x20xf32>
    %max3A = arith.constant 0.000000e+00 : f32
    %max3A_37 = vector.broadcast %max3A : f32 to vector<1000x20xf32>
    %max3A_38 = arith.maximumf %mul3A, %max3A_37 : vector<1000x20xf32>
    %get3A_39 = arith.constant 0 : index
    %get3A_40 = arith.constant 0 : index
    %get3A_41 = vector.load %arg6[%get3A_39, %get3A_40] : memref<20x1xf32, #tpu.memory_space<vmem>>, vector<20x1xf32>
    %dot_general3A = arith.constant dense<0.000000e+00> : vector<1000x1xf32>
    %dot_general3A_42 = tpu.matmul %max3A_38, %get3A_41, %dot_general3A {dimension_numbers = #tpu.dot_dimension_numbers<[1], [0], [0], [1], [0, 0, 1, 1], [], []>, transpose_lhs_hint = false} : vector<1000x20xf32>, vector<20x1xf32>, vector<1000x1xf32> -> vector<1000x1xf32>
    %get3A_43 = arith.constant 0 : index
    %get3A_44 = arith.constant 0 : index
    %get3A_45 = vector.load %arg7[%get3A_43, %get3A_44] : memref<1x1xf32, #tpu.memory_space<vmem>>, vector<1x1xf32>
    %add3A_46 = vector.broadcast %get3A_45 : vector<1x1xf32> to vector<1000x1xf32>
    %add3A_47 = arith.addf %dot_general3A_42, %add3A_46 : vector<1000x1xf32>
    %swap3A = arith.constant 0 : index
    %swap3A_48 = arith.constant 0 : index
    %swap3A_49 = vector.load %arg8[%swap3A, %swap3A_48] : memref<1000x1xf32, #tpu.memory_space<vmem>>, vector<1000x1xf32>
    tpu.vector_store %arg8[%swap3A, %swap3A_48], %add3A_47 {strides = array<i32>} : memref<1000x1xf32, #tpu.memory_space<vmem>>, vector<1000x1xf32>,
    return
  }
  func.func @transform_0(%arg0: i32) -> (i32, i32) {
    %c0_i32 = arith.constant 0 : i32
    %c0_i32_0 = arith.constant 0 : i32
    return %arg0, %c0_i32 : i32, i32
  }
  func.func @transform_1(%arg0: i32) -> (i32, i32) {
    %c0_i32 = arith.constant 0 : i32
    %c0_i32_0 = arith.constant 0 : i32
    return %arg0, %c0_i32 : i32, i32
  }
  func.func @transform_2(%arg0: i32) -> (i32, i32) {
    %c0_i32 = arith.constant 0 : i32
    %c0_i32_0 = arith.constant 0 : i32
    return %arg0, %c0_i32 : i32, i32
  }
  func.func @transform_3(%arg0: i32) -> (i32, i32) {
    %c0_i32 = arith.constant 0 : i32
    %c0_i32_0 = arith.constant 0 : i32
    %c0_i32_1 = arith.constant 0 : i32
    return %c0_i32, %c0_i32_0 : i32, i32
  }
  func.func @transform_4(%arg0: i32) -> (i32, i32) {
    %c0_i32 = arith.constant 0 : i32
    %c0_i32_0 = arith.constant 0 : i32
    %c0_i32_1 = arith.constant 0 : i32
    return %c0_i32, %c0_i32_0 : i32, i32
  }
  func.func @transform_5(%arg0: i32) -> (i32, i32) {
    %c0_i32 = arith.constant 0 : i32
    %c0_i32_0 = arith.constant 0 : i32
    %c0_i32_1 = arith.constant 0 : i32
    return %c0_i32, %c0_i32_0 : i32, i32
  }
  func.func @transform_6(%arg0: i32) -> (i32, i32) {
    %c0_i32 = arith.constant 0 : i32
    %c0_i32_0 = arith.constant 0 : i32
    %c0_i32_1 = arith.constant 0 : i32
    return %c0_i32, %c0_i32_0 : i32, i32
  }
  func.func @transform_7(%arg0: i32) -> (i32, i32) {
    %c0_i32 = arith.constant 0 : i32
    %c0_i32_0 = arith.constant 0 : i32
    return %arg0, %c0_i32 : i32, i32
  }
}

</mosaic_0001>

<sc_bundles>
// kernel: kernel.11.cloned.1.call-start
scs
__scs_entry_jumppad:
0x0: {  	(pc) =	sbr.rel $0x88, $3  }
0x1: {  	(tag) =	ssettag $0x0;
	lr =	simm.s32 $0x1  }
0x2: {  	[smem:$0x3F94] =	sst lr;
	_ =	strace $0xD0000000  }
0x3: {  	_ = 	snop  }
0x4: {  	_ = 	snop  }
0x5: {  	_ = 	snop  }
0x6: {  	_ = 	snop  }
0x7: {  	_ = 	snop  }
__scs_overlays_trampoline_lowered:
0x8: {  	[smem:$0x3FA3] =	sst s0  }
0x9: {  	[smem:$0x3FA4] =	sst s1  }
0xa: {  	[smem:$0x3FA5] =	sst s2  }
0xb: {  	[smem:$0x3FA6] =	sst s3  }
0xc: {  	[smem:$0x3FA7] =	sst s4  }
0xd: {  	[smem:$0x3FA8] =	sst s5  }
0xe: {  	[smem:$0x3FA9] =	sst s6  }
0xf: {  	[smem:$0x3FAA] =	sst s7  }
0x10: {  	[smem:$0x3FAB] =	sst s8  }
0x11: {  	[smem:$0x3FAC] =	sst s9;
	s0 =	simm.s32 @!p0 $0x0  }
0x12: {  	s1 =	sld [smem:$0x3F92];
	s0 =	simm.s32 @p0 $0x1  }
0x13: {  	[smem:$0x3FAD] =	sst s0;
	s0 =	simm.s32 @!p1 $0x0  }
0x14: {  	s2 =	sld [smem:$0x3F91];
	s0 =	simm.s32 @p1 $0x1  }
0x15: {  	[smem:$0x3FAE] =	sst s0;
	s0 =	simm.s32 @!p2 $0x0  }
0x16: {  	s3 =	sld [smem:$0x3FDB];
	s0 =	simm.s32 @p2 $0x1  }
0x17: {  	s4 =	simm.s32 $0x1BF5;
	[smem:$0x3FB0] =	sst s0  }
0x18: {  	s0 =	sld [smem:$0x3F93];
	_ =	swait.ge [sflag:s4], $0x0  }
0x19: {  	s7 =	sld [smem:$0x3F94]  }
0x1a: {  	s8 =	sadd.s32 $0xFFFFE003, lr  }
0x1b: {  	s9 =	sadd.s32 $0xFFFFFEF7, lr;
	s5 =	simm.s32 $0xFFFFFFFF;
	p2 =	slt.u32 s8, $0xFFFFF086  }
0x1c: {  	p1 =	slt.u32 s9, $0xF7A;
	s5 =	simm.s32 @!p2 $0x0  }
0x1d: {  	s5 =	simm.s32 @p1 $0x1;
	p0 =	seq.s32 s7, s2  }
0x1e: {  	s7 =	smul.u32 @!p0 $0xF7A, s2;
	p2 =	seq.s32 @!p0 s5, $0x0  }
0x1f: {  	s9 =	smul.u32 $0xF7A, s1;
	s8 =	simm.s32 @!p0 $0x1BF5;
	p2 =	por !p2, p0  }
0x20: {  	[sflag:s8] =	ssyncset.s32 @!p0 $0xFFFFF086;
	s6 =	sadd.s32 @!p0 s3, s7;
	s7 =	simm.s32 @!p0 $0x108  }
0x21: {  	s3 =	sadd.s32 s3, s9;
	s6 =	sadd.s32 @!p0 $0x88, s6;
	s7 =	simm.s32 @p2 $0x1082  }
0x22: {  	[simem:s7], [sflag:s8] =	dma.local @!p0 [hbm:s6], $0xF7A  }
0x23: {  	s9 =	sor.u32 $0xD0000000, s2;
	s6 =	simm.s32 $0x108;
	_ =	swait.ge @!p0 [sflag:s8], $0x0  }
0x24: {  	s3 =	sadd.s32 $0x88, s3;
	s6 =	simm.s32 @!p1 $0x1082;
	[sflag:s4] =	ssyncset.s32 $0xFFFFF086  }
0x25: {  	[simem:s6], [sflag:s4] =	dma.local [hbm:s3], $0xF7A  }
0x26: {  	[smem:$0x3F94] =	sst s1;
	(tag) =	ssettag s2;
	_ =	strace s9  }
0x27: {  	s1 =	sld [smem:$0x3FA4]  }
0x28: {  	s2 =	sld [smem:$0x3FA5]  }
0x29: {  	s4 =	sld [smem:$0x3FA7]  }
0x2a: {  	p0 =	seq.s32 s5, $0x0;
	s5 =	sld [smem:$0x3FA8]  }
0x2b: {  	s6 =	sld [smem:$0x3FA9]  }
0x2c: {  	s7 =	sld [smem:$0x3FAA]  }
0x2d: {  	s3 =	simm.s32 $0x108;
	s8 =	sld [smem:$0x3FAB]  }
0x2e: {  	s3 =	simm.s32 @!p0 $0x1082;
	s9 =	sld [smem:$0x3FAC]  }
0x2f: {  	lr =	sadd.s32 s0, s3;
	s0 =	sld [smem:$0x3FA3]  }
0x30: {  	s3 =	sld [smem:$0x3FA6]  }
0x31: {  	[smem:$0x3FAF] =	sst s10  }
0x32: {  	s10 =	sld [smem:$0x3FAD];
	_ =	sdelay $0x3  }
0x33: {  	p0 =	seq.s32 s10, $0x1;
	s10 =	sld [smem:$0x3FAF];
	_ =	sdelay $0x3  }
0x34: {  	[smem:$0x3FAF] =	sst s10  }
0x35: {  	s10 =	sld [smem:$0x3FAE];
	_ =	sdelay $0x3  }
0x36: {  	p1 =	seq.s32 s10, $0x1;
	s10 =	sld [smem:$0x3FAF];
	_ =	sdelay $0x3  }
0x37: {  	[smem:$0x3FAF] =	sst s10  }
0x38: {  	s10 =	sld [smem:$0x3FB0]  }
0x39: {  	_ = 	snop;
	(pc) =	sbr.ind lr, $3  }
0x3a: {  	_ = 	snop  }
0x3b: {  	_ = 	snop  }
0x3c: {  	p2 =	seq.s32 s10, $0x1;
	s10 =	sld [smem:$0x3FAF]  }
0x3d: {  	_ =	shalt  }
0x3e: {  	_ =	shalt  }
0x3f: {  	_ =	shalt  }
0x40: {  	_ =	shalt  }
0x41: {  	_ =	shalt  }
0x42: {  	_ =	shalt  }
0x43: {  	_ =	shalt  }
0x44: {  	_ =	shalt  }
0x45: {  	_ =	shalt  }
0x46: {  	_ =	shalt  }
0x47: {  	_ =	shalt  }
0x48: {  	_ =	shalt  }
0x49: {  	_ =	shalt  }
0x4a: {  	_ =	shalt  }
0x4b: {  	_ =	shalt  }
0x4c: {  	_ =	shalt  }
0x4d: {  	_ =	shalt  }
0x4e: {  	_ =	shalt  }
0x4f: {  	_ =	shalt  }
0x50: {  	_ =	shalt  }
0x51: {  	_ =	shalt  }
0x52: {  	_ =	shalt  }
0x53: {  	_ =	shalt  }
0x54: {  	_ =	shalt  }
0x55: {  	_ =	shalt  }
0x56: {  	_ =	shalt  }
0x57: {  	_ =	shalt  }
0x58: {  	_ =	shalt  }
0x59: {  	_ =	shalt  }
0x5a: {  	_ =	shalt  }
0x5b: {  	_ =	shalt  }
0x5c: {  	_ =	shalt  }
0x5d: {  	_ =	shalt  }
0x5e: {  	_ =	shalt  }
0x5f: {  	_ =	shalt  }
0x60: {  	_ =	shalt  }
0x61: {  	_ =	shalt  }
0x62: {  	_ =	shalt  }
0x63: {  	_ =	shalt  }
0x64: {  	_ =	shalt  }
0x65: {  	_ =	shalt  }
0x66: {  	_ =	shalt  }
0x67: {  	_ =	shalt  }
0x68: {  	_ =	shalt  }
0x69: {  	_ =	shalt  }
0x6a: {  	_ =	shalt  }
0x6b: {  	_ =	shalt  }
0x6c: {  	_ =	shalt  }
0x6d: {  	_ =	shalt  }
0x6e: {  	_ =	shalt  }
0x6f: {  	_ =	shalt  }
0x70: {  	_ =	shalt  }
0x71: {  	_ =	shalt  }
0x72: {  	_ =	shalt  }
0x73: {  	_ =	shalt  }
0x74: {  	_ =	shalt  }
0x75: {  	_ =	shalt  }
0x76: {  	_ =	shalt  }
0x77: {  	_ =	shalt  }
0x78: {  	_ =	shalt  }
0x79: {  	_ =	shalt  }
0x7a: {  	_ =	shalt  }
0x7b: {  	_ =	shalt  }
0x7c: {  	_ =	shalt  }
0x7d: {  	_ =	shalt  }
0x7e: {  	_ =	shalt  }
0x7f: {  	_ =	shalt  }
0x80: {  	_ =	shalt  }
0x81: {  	_ =	shalt  }
0x82: {  	_ =	shalt  }
0x83: {  	_ =	shalt  }
0x84: {  	_ =	shalt  }
0x85: {  	_ =	shalt  }
0x86: {  	_ =	shalt  }
0x87: {  	_ =	shalt  }
.Lfunc_end0:
.L_simem_size_0:
called_computation.1_lowered:
.L_overlay_start_0:
0x88: {  	s2 =	sld [smem:$0x3FD9]  }
0x89: {  	s3 =	sld [smem:$0x3FFE];
	_ =	sdelay $0x1  }
0x8a: {  	s1 =	srdreg.scid  }
0x8b: {  	s0 =	sand.u32 $0x1, s1  }
0x8c: {  	s17 =	sshll.u32 s0, $0xA;
	s2 =	sadd.s32 s3, s2  }
0x8d: {  	s2 =	sadd.s32 s2, s17  }
0x8e: {  	[smem:$0x3FBB] =	sst s2  }
0x8f: {  	_ = 	snop  }
0x90: {  	s2 =	sld [smem:$0x3FC7];
	(tm) =	ssettm $0x1  }
0x91: {  	s18 =	sld [smem:$0x3FFB];
	_ =	sdelay $0x3  }
0x92: {  	_ =	strace s18  }
0x93: {  	s3 =	sld [smem:$0x3FFC];
	_ =	sdelay $0x3  }
0x94: {  	_ =	strace s3  }
0x95: {  	s3 =	sld [smem:$0x3FFD];
	_ =	sdelay $0x3  }
0x96: {  	_ =	strace s3  }
0x97: {  	_ =	strace $0x8FFFFFFF  }
0x98: {  	s19 =	sld [smem:$0x3FDB];
	_ =	sdelay $0x1  }
0x99: {  	s4 =	simm.s32 $_scs_section_size  }
0x9a: {  	s5 =	simm.s32 $_size__tile_overlayer_lowered;
	s6 =	simm.s32 $_tile_overlayer_lowered  }
0x9b: {  	s22 =	simm.s32 $0x1BFF;
	s21 =	sshll.u32 s6, $0x1;
	s3 =	sadd.s32 s4, s19  }
0x9c: {  	s7 =	simm.s32 $0x0;
	s20 =	sshll.u32 s5, $0x1;
	s5 =	sadd.s32 s21, s3  }
0x9d: {  	[timem:s7], [sflag:s22] =	dma.local [hbm:s5], s20  }
0x9e: {  	_ =	swait.ge [sflag:s22], s20  }
0x9f: {  	s4 =	ssub.s32 $0x0, s20;
	[sflag:s22] =	ssyncset.done $0x0  }
0xa0: {  	[sflag:s22] =	ssyncadd.s32 s4;
	_ =	sdelay $0x1  }
0xa1: {  	s23 =	simm.s32 $0x1B8B  }
0xa2: {  	_ =	swait.ge [sflag:s23], $0x1  }
0xa3: {  	[sflag:s23] =	ssyncset.done $0x0  }
0xa4: {  	s25 =	simm.s32 $0x1B8E;
	s24 =	sld [smem:$0x3FFE];
	[sflag:s23] =	ssyncadd.s32 $0xFFFFFFFF  }
0xa5: {  	s26 =	simm.s32 $execute0_lowered;
	[smem:$0x3FD2] =	sst s25  }
0xa6: {  	s5 =	sshll.u32 s26, $0x1;
	_ =	strace $0x80000049;
	[dreg:$0x1] =	wrdreg $0xFFFFFFFF  }
0xa7: {  	s28 =	simm.s32 $_size_execute0_lowered;
	s3 =	sadd.s32 s3, s5;
	[dreg:$0x0] =	wrdreg $0x0  }
0xa8: {  	s5 =	sshll.u32 s28, $0x1;
	[dreg:$0x2] =	wrdreg s3  }
0xa9: {  	[dreg:$0x3] =	wrdreg s5  }
0xaa: {  	[dreg:$0x4] =	wrdreg $0xC0  }
0xab: {  	_ =	task [dreg:s7], $0x5FFFF  }
0xac: {  	[dreg:$0x1] =	wrdreg $0xFFFFFFFF  }
0xad: {  	[dreg:$0x0] =	wrdreg $0x60  }
0xae: {  	[dreg:$0x2] =	wrdreg s24  }
0xaf: {  	[dreg:$0x3] =	wrdreg s2  }
0xb0: {  	[dreg:$0x4] =	wrdreg $0xA9800  }
0xb1: {  	[dreg:$0x5] =	wrdreg $0x9  }
0xb2: {  	_ =	task.clear_ibuf [dreg:s7], $0x6FFFF;
	_ =	strace $0x90000049  }
0xb3: {  	s29 =	simm.s32 $0x9;
	_ =	strace $0x8000004B  }
0xb4: {  	_ =	swait.ge [sflag:s29], $0x1  }
0xb5: {  	[sflag:s29] =	ssyncadd.s32 $0xFFFFFFFF  }
0xb6: {  	_ =	strace $0x9000004B  }
0xb7: {  	_ =	sfence  }
0xb8: {  	s30 =	sld [smem:$0x0];
	_ =	sdelay $0x2  }
0xb9: {  	s31 =	sshll.u32 s1, $0xD;
	s1 =	sshrl.u32 s1, $0x2  }
0xba: {  	s3 =	sand.u32 $0x4000, s31;
	s1 =	sadd.s32 s1, s30  }
0xbb: {  	s0 =	sor.u32 s3, s0;
	s1 =	sshll.u32 s1, $0x11  }
0xbc: {  	s0 =	sor.u32 s1, s0  }
0xbd: {  	s0 =	sadd.s32 $0x8F2B, s0  }
0xbe: {  	[sflag:s0] =	ssyncadd.remote.s32 $0x1  }
0xbf: {  	_ =	sfence.sel $0xFFFF  }
0xc0: {  	[dreg:$0x0] =	wrdreg $0xFFFFFFFF;
	(pc) =	sbr.abs _section_cstart, $3  }
0xc1: {  	[dreg:$0x1] =	wrdreg $0xFFFFFFFF  }
0xc2: {  	_ =	task.clear_ibuf [dreg:s7], $0x2FFFF;
	_ =	strace $0x9FFFFFFF  }
0xc3: {  	(tm) =	ssettm $0x7FFFFFFF  }
tec
execute0_lowered:
.L_overlay_start_1:
0x0: {  	(tag) =	ssettag $0x1  }
0x1: {  	s0 =	rddreg [dreg:$0x0]  }
0x2: {  	s1 =	rddreg [dreg:$0x1]  }
0x3: {  	s2 =	rddreg [dreg:$0x2];
	s3 =	simm.s32 $0x0;
	s4 =	srdreg.scid  }
0x4: {  	s14 =	stileid.u32;
	s28 =	simm.s32 $0x2980;
	s29 =	simm.s32 $0x2  }
0x5: {  	s30 =	simm.s32 $0x80;
	s31 =	simm.s32 $0x100;
	[smem:$0x7FF] =	sst s3  }
0x6: {  	s5 =	sadd.s32 $0xE800, s0;
	s6 =	sadd.s32 $0x4A00, s0;
	s7 =	sadd.s32 $0x67600, s0  }
0x7: {  	s4 =	sand.u32 $0x1, s4;
	s8 =	sadd.s32 $0x8E800, s0;
	s10 =	smul.u32 $0x50000, s14  }
0x8: {  	s11 =	sadd.s32 $0xB5A00, s0;
	s0 =	sadd.s32 $0xDDA00, s0;
	s17 =	smul.u32 $0x280, s14  }
0x9: {  	s12 =	smul.u32 $0x4E20, s14;
	_ =	strace $0x8000004A;
	[dreg:$0x4] =	wrdreg s11  }
0xa: {  	s9 =	ssub.s32 $0x2, s4;
	[dreg:$0x5] =	wrdreg s0;
	p0 =	sne.s32 s4, $0x0  }
0xb: {  	p1 =	seq.s32 s4, $0x0;
	s4 =	simm.s32 $0x180;
	s15 =	sshrl.u32 s9, $0x1  }
0xc: {  	s16 =	sshrl.u32 s10, $0x2;
	s20 =	sadd.s32 $0x80, s17;
	s13 =	sadd.s32 $0x100, s17  }
0xd: {  	s24 =	sadd.s32 $0x180, s17;
	s10 =	sadd.s32 $0x200, s17;
	s0 =	ssub.s32 s9, s15  }
0xe: {  	s11 =	sadd.s32 s16, s2;
	s21 =	sshll.u32 s20, $0x7;
	s22 =	sshll.u32 s13, $0x7  }
0xf: {  	s25 =	sshll.u32 s24, $0x7;
	s26 =	sshll.u32 s10, $0x7;
	s0 =	smax.u32 s0, $0x1  }
0x10: {  	s18 =	sadd.s32 $0x4000, s11;
	s19 =	sadd.s32 $0x8000, s11;
	[dreg:$0x6] =	wrdreg s0  }
0x11: {  	s9 =	sadd.s32 $0xC000, s11;
	s15 =	sadd.s32 $0x10000, s11;
	[dreg:$0x7] =	wrdreg s18  }
0x12: {  	s23 =	sadd.s32 s22, s2;
	s22 =	sadd.s32 s25, s2;
	[dreg:$0x8] =	wrdreg s19  }
0x13: {  	s25 =	sshll.u32 s10, $0x4;
	s10 =	simm.s32 $0x6980;
	[dreg:$0x9] =	wrdreg s9  }
.Ltmp0:
0x14: {  	[dreg:$0xa] =	wrdreg s15;
	s9 =	sadd.s32 s21, s2;
	(pc) =	sbr.rel .LBB2_1-.Ltmp0, $4  }
0x15: {  	s0 =	sshll.u32 s20, $0x4;
	[dreg:$0xd] =	wrdreg s23;
	s21 =	sshll.u32 s13, $0x4  }
0x16: {  	s23 =	sshll.u32 s24, $0x4;
	s24 =	sadd.s32 s26, s2;
	s26 =	smul.u32 $0x2800, s14  }
0x17: {  	s13 =	simm.s32 $0x3;
	s14 =	simm.s32 $0x0;
	[dreg:$0xb] =	wrdreg s9  }
0x18: {  	v0 =	vimm.f32 $0.0e+00;
	[dreg:$0xc] =	wrdreg s0;
	s0 =	simm.s32 $0x50;
	s9 =	simm.s32 $0x1  }
.LBB2_12:
0x19: {  	[bflag:$0x0] =	sbarrier.arrive $0xFFFF  }
0x1a: {  	[tilespmem:s10], [sflag:$0x3] =	stream.linear.gather [spmem:s11], $0x4000, $0x38;
	[tilespmem:$0x1E980] =	vst v63  }
0x1b: {  	_ =	swait.ge [sflag:s13], $0x4000  }
0x1c: {  	s16 =	simm.s32 $0x3;
	[sflag:s13] =	ssyncset.done $0x0  }
0x1d: {  	s17 =	sadd.s32 s15, s26;
	s16 =	simm.s32 @!p1 $0x2;
	[sflag:s13] =	ssyncadd.s32 $0xFFFFC000  }
0x1e: {  	[hbm4b:s17+s3] =	stream.linear.scatter [tilespmem:s10], [sflag:s16], $0x4000, $0x38;
	[tilespmem:$0x1E980] =	vst v63  }
0x1f: {  	_ =	swait.ge [sflag:s16], $0x4000  }
0x20: {  	[sflag:s16] =	ssyncset.done $0x0  }
0x21: {  	s20 =	rddreg [dreg:$0xb];
	[sflag:s16] =	ssyncadd.s32 $0xFFFFC000  }
0x22: {  	[tilespmem:s10], [sflag:$0x3] =	stream.linear.gather [spmem:s20], $0x4000, $0x38;
	[tilespmem:$0x1E980] =	vst v63  }
0x23: {  	_ =	swait.ge [sflag:s13], $0x4000  }
0x24: {  	[sflag:s13] =	ssyncset.done $0x0;
	s18 =	rddreg [dreg:$0xc]  }
0x25: {  	s17 =	sadd.s32 s15, s18;
	[sflag:s13] =	ssyncadd.s32 $0xFFFFC000  }
0x26: {  	[hbm4b:s17+s3] =	stream.linear.scatter [tilespmem:s10], [sflag:s16], $0x4000, $0x38;
	[tilespmem:$0x1E980] =	vst v63  }
0x27: {  	_ =	swait.ge [sflag:s16], $0x4000  }
0x28: {  	[sflag:s16] =	ssyncset.done $0x0  }
0x29: {  	s19 =	rddreg [dreg:$0xd];
	[sflag:s16] =	ssyncadd.s32 $0xFFFFC000  }
0x2a: {  	[tilespmem:s10], [sflag:$0x3] =	stream.linear.gather [spmem:s19], $0x4000, $0x38;
	[tilespmem:$0x1E980] =	vst v63  }
0x2b: {  	_ =	swait.ge [sflag:s13], $0x4000  }
0x2c: {  	[sflag:s13] =	ssyncset.done $0x0  }
0x2d: {  	s20 =	sadd.s32 s15, s21;
	[sflag:s13] =	ssyncadd.s32 $0xFFFFC000  }
0x2e: {  	[hbm4b:s20+s3] =	stream.linear.scatter [tilespmem:s10], [sflag:s16], $0x4000, $0x38;
	[tilespmem:$0x1E980] =	vst v63  }
0x2f: {  	_ =	swait.ge [sflag:s16], $0x4000  }
0x30: {  	[sflag:s16] =	ssyncset.done $0x0  }
0x31: {  	[sflag:s16] =	ssyncadd.s32 $0xFFFFC000  }
0x32: {  	[tilespmem:s10], [sflag:$0x3] =	stream.linear.gather [spmem:s22], $0x4000, $0x38;
	[tilespmem:$0x1E980] =	vst v63  }
0x33: {  	_ =	swait.ge [sflag:s13], $0x4000  }
0x34: {  	[sflag:s13] =	ssyncset.done $0x0  }
0x35: {  	s18 =	sadd.s32 s15, s23;
	[sflag:s13] =	ssyncadd.s32 $0xFFFFC000  }
0x36: {  	[hbm4b:s18+s3] =	stream.linear.scatter [tilespmem:s10], [sflag:s16], $0x4000, $0x38;
	[tilespmem:$0x1E980] =	vst v63  }
0x37: {  	_ =	swait.ge [sflag:s16], $0x4000  }
0x38: {  	[sflag:s16] =	ssyncset.done $0x0  }
0x39: {  	[sflag:s16] =	ssyncadd.s32 $0xFFFFC000  }
0x3a: {  	[tilespmem:s10], [sflag:$0x3] =	stream.linear.gather [spmem:s24], $0x4000, $0x38;
	[tilespmem:$0x1E980] =	vst v63  }
0x3b: {  	_ =	swait.ge [sflag:s13], $0x4000  }
0x3c: {  	[sflag:s13] =	ssyncset.done $0x0  }
0x3d: {  	s19 =	sadd.s32 s15, s25;
	[sflag:s13] =	ssyncadd.s32 $0xFFFFC000  }
0x3e: {  	[hbm4b:s19+s3] =	stream.linear.scatter [tilespmem:s10], [sflag:s16], $0x4000, $0x38;
	[tilespmem:$0x1E980] =	vst v63  }
0x3f: {  	_ =	swait.ge [sflag:s16], $0x4000  }
0x40: {  	s14 =	sadd.s32 $0x1, s14;
	s20 =	rddreg [dreg:$0x6]  }
0x41: {  	p2 =	sne.s32 s14, s20  }
.Ltmp1:
0x42: {  	_ = 	snop;
	(pc) =	sbr.rel @!p2 .LBB2_13-.Ltmp1, $3  }
0x43: {  	_ =	sdelay $0x1  }
0x44: {  	[sflag:s16] =	ssyncset.done $0x0  }
0x45: {  	[sflag:s16] =	ssyncadd.s32 $0xFFFFC000  }
.LBB2_1:
0x46: {  	s15 =	sand.u32 $0xFE00, s3  }
0x47: {  	s16 =	sand.u32 $0x70, s3;
	s17 =	sshrl.u32 s15, $0x2  }
0x48: {  	s15 =	simm.s32 $0x40;
	s17 =	sor.u32 s16, s17;
	s16 =	simm.s32 $0x0  }
.LBB2_2:
0x49: {  	p2 =	sne.s32 s15, $0xFFC0  }
0x4a: {  	[tilespmem:s17+$0x2980] =	vst v0;
	s16 =	sadd.s32 $0x10, s16;
	s17 =	smov.u32 s15;
	s15 =	sadd.s32 $0x40, s15  }
.Ltmp2:
0x4b: {  	(pc) =	sbr.rel @p2 .LBB2_2-.Ltmp2, $4  }
0x4c: {  	_ = 	snop  }
0x4d: {  	s17 =	sand.u32 $0xFE00, s17  }
0x4e: {  	s18 =	sand.u32 $0x70, s16;
	s17 =	sshrl.u32 s17, $0x2  }
0x4f: {  	s17 =	sor.u32 s18, s17  }
0x50: {  	[tilespmem:s17+$0x2980] =	vst v0  }
0x51: {  	[spmem:s11] =	stream.linear.scatter [tilespmem:s28], [sflag:$0x2], $0x4000, $0x38;
	[tilespmem:$0x1E980] =	vst v63  }
0x52: {  	_ =	swait.ge [sflag:s29], $0x4000  }
0x53: {  	[sflag:s29] =	ssyncset.done $0x0  }
0x54: {  	s15 =	rddreg [dreg:$0x7];
	[sflag:s29] =	ssyncadd.s32 $0xFFFFC000  }
0x55: {  	[spmem:s15] =	stream.linear.scatter [tilespmem:s28], [sflag:$0x2], $0x4000, $0x38;
	[tilespmem:$0x1E980] =	vst v63  }
0x56: {  	_ =	swait.ge [sflag:s29], $0x4000  }
0x57: {  	[sflag:s29] =	ssyncset.done $0x0  }
0x58: {  	s18 =	rddreg [dreg:$0x8];
	[sflag:s29] =	ssyncadd.s32 $0xFFFFC000  }
0x59: {  	[spmem:s18] =	stream.linear.scatter [tilespmem:s28], [sflag:$0x2], $0x4000, $0x38;
	[tilespmem:$0x1E980] =	vst v63  }
0x5a: {  	_ =	swait.ge [sflag:s29], $0x4000  }
0x5b: {  	[sflag:s29] =	ssyncset.done $0x0  }
0x5c: {  	s19 =	rddreg [dreg:$0x9];
	[sflag:s29] =	ssyncadd.s32 $0xFFFFC000  }
0x5d: {  	[spmem:s19] =	stream.linear.scatter [tilespmem:s28], [sflag:$0x2], $0x4000, $0x38;
	[tilespmem:$0x1E980] =	vst v63  }
0x5e: {  	_ =	swait.ge [sflag:s29], $0x4000  }
0x5f: {  	[sflag:s29] =	ssyncset.done $0x0  }
0x60: {  	s20 =	rddreg [dreg:$0xa];
	[sflag:s29] =	ssyncadd.s32 $0xFFFFC000  }
0x61: {  	[spmem:s20] =	stream.linear.scatter [tilespmem:s28], [sflag:$0x2], $0x4000, $0x38;
	[tilespmem:$0x1E980] =	vst v63  }
.Ltmp3:
0x62: {  	_ =	swait.ge [sflag:s29], $0x4000;
	(pc) =	sbr.rel @p0 .LBB2_8-.Ltmp3, $4  }
0x63: {  	[sflag:s29] =	ssyncset.done $0x0  }
0x64: {  	[sflag:s29] =	ssyncadd.s32 $0xFFFFC000  }
0x65: {  	[bflag:$0x0] =	sbarrier.arrive $0xFFFF  }
0x66: {  	s16 =	simm.s32 $0x0;
	s17 =	simm.s32 $0x0;
	s15 =	simm.s32 $0x0  }
.LBB2_4:
0x67: {  	s17 =	smul.u32 $0x50, s16;
	_ =	sdelay $0x1  }
0x68: {  	s17 =	sadd.s32 s12, s17  }
0x69: {  	s17 =	sshrl.u32 s17, $0x3  }
0x6a: {  	s18 =	sadd.s32 s5, s17  }
0x6b: {  	[tilespmem:s15], [sflag:$0x2] =	stream.linear.gather [hbm4b:s18+s15], $0x50, $0x38;
	[tilespmem:$0x1E980] =	vst v63  }
0x6c: {  	_ =	swait.ge [sflag:s29], $0x50  }
0x6d: {  	[sflag:s29] =	ssyncset.done $0x0  }
0x6e: {  	s20 =	sadd.s32 s6, s17;
	[sflag:s29] =	ssyncadd.s32 $0xFFFFFFB0  }
0x6f: {  	[tilespmem:s30], [sflag:$0x2] =	stream.linear.gather [hbm4b:s20+s15], $0x50, $0x38;
	[tilespmem:$0x1E980] =	vst v63  }
0x70: {  	_ =	swait.ge [sflag:s29], $0x50  }
0x71: {  	[sflag:s29] =	ssyncset.done $0x0  }
0x72: {  	s17 =	sadd.s32 s1, s17;
	[sflag:s29] =	ssyncadd.s32 $0xFFFFFFB0  }
0x73: {  	[tilespmem:s31], [sflag:$0x2] =	stream.linear.gather [hbm4b:s17+s15], $0x50, $0x38;
	[tilespmem:$0x1E980] =	vst v63  }
0x74: {  	_ =	swait.ge [sflag:s29], $0x50  }
0x75: {  	[sflag:s29] =	ssyncset.done $0x0  }
0x76: {  	[sflag:s29] =	ssyncadd.s32 $0xFFFFFFB0  }
0x77: {  	[tilespmem:s4], [sflag:$0x1] =	stream.indirect.gather [hbm4b:s7+s0], $0x80, s15, s0, $0xb8;
	[tilespmem:$0x1E980] =	vst v63  }
0x78: {  	v1 =	vmov s15;
	_ =	swait.ge [sflag:s9], $0x2800  }
0x79: {  	[sflag:s9] =	ssyncset.done $0x0  }
0x7a: {  	s17 =	simm.s32 $0x1B0;
	[sflag:s9] =	ssyncadd.s32 $0xFFFFD800  }
0x7b: {  	v3 =	vld [tilespmem:s17+$0xFFFFFFF0]  }
0x7c: {  	v5 =	vld [tilespmem:s17+$0xFFFFFFD0]  }
0x7d: {  	v1 =	vld.idx.msk [tilespmem:v1+s31+$0x0], $0xffff  }
0x7e: {  	v6 =	vld [tilespmem:s17+$0x30]  }
0x7f: {  	v7 =	vld [tilespmem:s17+$0x20]  }
0x80: {  	v2 =	vld [tilespmem:s17+$0x0]  }
0x81: {  	v4 =	vld [tilespmem:s17+$0xFFFFFFE0]  }
0x82: {  	v8 =	vmul.f32 v5, v1;
	v5 =	vld [tilespmem:s17+$0x10]  }
0x83: {  	v6 =	vmul.f32 v6, v1  }
0x84: {  	s19 =	simm.s32 $0x1B0;
	s18 =	simm.s32 $0x1;
	v3 =	vmul.f32 v3, v1;
	v7 =	vmul.f32 v7, v1  }
.LBB2_5:
0x85: {  	p2 =	sne.s32 s18, $0x4F  }
0x86: {  	[tilespmem:s17+$0xFFFFFFD0] =	vst v8;
	v4 =	vmul.f32 v4, v1;
	v2 =	vmul.f32 v2, v1;
	s19 =	sadd.s32 $0x80, s19;
	s20 =	smov.u32 s18;
	s18 =	sadd.s32 $0x1, s18  }
0x87: {  	v1 =	vmul.f32 v5, v1;
	[tilespmem:s17+$0x30] =	vst v6  }
0x88: {  	v5 =	vmov s20;
	[tilespmem:s17+$0x20] =	vst v7  }
0x89: {  	[tilespmem:s17+$0x0] =	vst v2  }
0x8a: {  	v7 =	vld [tilespmem:s19+$0xFFFFFFF0];
	[tilespmem:s17+$0x10] =	vst v1  }
0x8b: {  	v6 =	vld [tilespmem:s19+$0xFFFFFFD0];
	[tilespmem:s17+$0xFFFFFFF0] =	vst v3  }
0x8c: {  	v2 =	vld [tilespmem:s19+$0x0];
	[tilespmem:s17+$0xFFFFFFE0] =	vst v4;
	s17 =	smov.u32 s19  }
0x8d: {  	v1 =	vld.idx.msk [tilespmem:v5+s31+$0x0], $0xffff  }
0x8e: {  	v3 =	vld [tilespmem:s19+$0x30]  }
0x8f: {  	v9 =	vld [tilespmem:s19+$0x20]  }
.Ltmp4:
0x90: {  	v4 =	vld [tilespmem:s19+$0xFFFFFFE0];
	(pc) =	sbr.rel @p2 .LBB2_5-.Ltmp4, $3  }
0x91: {  	v5 =	vld [tilespmem:s19+$0x10];
	_ =	sdelay $0x1  }
0x92: {  	v8 =	vmul.f32 v6, v1;
	v6 =	vmul.f32 v3, v1  }
0x93: {  	v3 =	vmul.f32 v7, v1;
	v7 =	vmul.f32 v9, v1  }
0x94: {  	[tilespmem:s17+$0xFFFFFFD0] =	vst v8  }
0x95: {  	[tilespmem:s17+$0x30] =	vst v6  }
0x96: {  	v2 =	vmul.f32 v2, v1;
	[tilespmem:s17+$0x20] =	vst v7  }
0x97: {  	v5 =	vmul.f32 v5, v1;
	[tilespmem:s17+$0xFFFFFFF0] =	vst v3  }
0x98: {  	s16 =	sadd.s32 $0x1, s16;
	v1 =	vmul.f32 v4, v1;
	[tilespmem:s17+$0x0] =	vst v2  }
0x99: {  	p2 =	seq.s32 s16, $0xFA;
	[tilespmem:s17+$0x10] =	vst v5  }
.Ltmp5:
0x9a: {  	[tilespmem:s17+$0xFFFFFFE0] =	vst v1;
	(pc) =	sbr.rel @!p2 .LBB2_4-.Ltmp5, $4  }
0x9b: {  	[spmem:s2] =	stream.indirect.scatter.add.f32 [tilespmem:s4], [sflag:$0x2], $0x80, s30, s0, $0xb8;
	[tilespmem:$0x1E980] =	vst v63  }
0x9c: {  	_ =	swait.ge [sflag:s29], $0x2800  }
0x9d: {  	[sflag:s29] =	ssyncset.done $0x0  }
0x9e: {  	[sflag:s29] =	ssyncadd.s32 $0xFFFFD800  }
.Ltmp6:
0x9f: {  	(pc) =	sbr.rel .LBB2_12-.Ltmp6, $2  }
0xa0: {  	_ =	sdelay $0x2  }
0xa1: {  	s15 =	rddreg [dreg:$0x4]  }
.LBB2_8:
0xa2: {  	s16 =	smul.u32 $0x50, s17;
	_ =	sdelay $0x1  }
0xa3: {  	s16 =	sadd.s32 s12, s16  }
0xa4: {  	s16 =	sshrl.u32 s16, $0x3  }
0xa5: {  	s18 =	sadd.s32 s6, s16  }
0xa6: {  	[tilespmem:s15], [sflag:$0x2] =	stream.linear.gather [hbm4b:s18+s15], $0x50, $0x38;
	[tilespmem:$0x1E980] =	vst v63  }
0xa7: {  	_ =	swait.ge [sflag:s29], $0x50  }
0xa8: {  	[sflag:s29] =	ssyncset.done $0x0  }
0xa9: {  	s20 =	sadd.s32 s5, s16;
	[sflag:s29] =	ssyncadd.s32 $0xFFFFFFB0  }
0xaa: {  	[tilespmem:s30], [sflag:$0x2] =	stream.linear.gather [hbm4b:s20+s15], $0x50, $0x38;
	[tilespmem:$0x1E980] =	vst v63  }
0xab: {  	_ =	swait.ge [sflag:s29], $0x50  }
0xac: {  	[sflag:s29] =	ssyncset.done $0x0  }
0xad: {  	s16 =	sadd.s32 s1, s16;
	[sflag:s29] =	ssyncadd.s32 $0xFFFFFFB0  }
0xae: {  	[tilespmem:s31], [sflag:$0x2] =	stream.linear.gather [hbm4b:s16+s15], $0x50, $0x38;
	[tilespmem:$0x1E980] =	vst v63  }
0xaf: {  	_ =	swait.ge [sflag:s29], $0x50  }
0xb0: {  	[sflag:s29] =	ssyncset.done $0x0  }
0xb1: {  	[sflag:s29] =	ssyncadd.s32 $0xFFFFFFB0  }
0xb2: {  	[tilespmem:s4], [sflag:$0x1] =	stream.indirect.gather [hbm4b:s8+s0], $0x80, s15, s0, $0xb8;
	[tilespmem:$0x1E980] =	vst v63  }
0xb3: {  	v1 =	vmov s15;
	_ =	swait.ge [sflag:s9], $0x2800  }
0xb4: {  	[sflag:s9] =	ssyncset.done $0x0  }
0xb5: {  	s16 =	simm.s32 $0x1B0;
	[sflag:s9] =	ssyncadd.s32 $0xFFFFD800  }
0xb6: {  	v3 =	vld [tilespmem:s16+$0xFFFFFFF0]  }
0xb7: {  	v5 =	vld [tilespmem:s16+$0xFFFFFFD0]  }
0xb8: {  	v1 =	vld.idx.msk [tilespmem:v1+s31+$0x0], $0xffff  }
0xb9: {  	v6 =	vld [tilespmem:s16+$0x30]  }
0xba: {  	v7 =	vld [tilespmem:s16+$0x20]  }
0xbb: {  	v2 =	vld [tilespmem:s16+$0x0]  }
0xbc: {  	v4 =	vld [tilespmem:s16+$0xFFFFFFE0]  }
0xbd: {  	v8 =	vmul.f32 v5, v1;
	v5 =	vld [tilespmem:s16+$0x10]  }
0xbe: {  	v6 =	vmul.f32 v6, v1  }
0xbf: {  	s19 =	simm.s32 $0x1B0;
	s18 =	simm.s32 $0x1;
	v3 =	vmul.f32 v3, v1;
	v7 =	vmul.f32 v7, v1  }
.LBB2_9:
0xc0: {  	p2 =	sne.s32 s18, $0x4F  }
0xc1: {  	[tilespmem:s16+$0xFFFFFFD0] =	vst v8;
	v4 =	vmul.f32 v4, v1;
	v2 =	vmul.f32 v2, v1;
	s19 =	sadd.s32 $0x80, s19;
	s20 =	smov.u32 s18;
	s18 =	sadd.s32 $0x1, s18  }
0xc2: {  	v1 =	vmul.f32 v5, v1;
	[tilespmem:s16+$0x30] =	vst v6  }
0xc3: {  	v5 =	vmov s20;
	[tilespmem:s16+$0x20] =	vst v7  }
0xc4: {  	[tilespmem:s16+$0x0] =	vst v2  }
0xc5: {  	v7 =	vld [tilespmem:s19+$0xFFFFFFF0];
	[tilespmem:s16+$0x10] =	vst v1  }
0xc6: {  	v6 =	vld [tilespmem:s19+$0xFFFFFFD0];
	[tilespmem:s16+$0xFFFFFFF0] =	vst v3  }
0xc7: {  	v2 =	vld [tilespmem:s19+$0x0];
	[tilespmem:s16+$0xFFFFFFE0] =	vst v4;
	s16 =	smov.u32 s19  }
0xc8: {  	v1 =	vld.idx.msk [tilespmem:v5+s31+$0x0], $0xffff  }
0xc9: {  	v3 =	vld [tilespmem:s19+$0x30]  }
0xca: {  	v9 =	vld [tilespmem:s19+$0x20]  }
.Ltmp7:
0xcb: {  	v4 =	vld [tilespmem:s19+$0xFFFFFFE0];
	(pc) =	sbr.rel @p2 .LBB2_9-.Ltmp7, $3  }
0xcc: {  	v5 =	vld [tilespmem:s19+$0x10];
	_ =	sdelay $0x1  }
0xcd: {  	v8 =	vmul.f32 v6, v1;
	v6 =	vmul.f32 v3, v1  }
0xce: {  	v3 =	vmul.f32 v7, v1;
	v7 =	vmul.f32 v9, v1  }
0xcf: {  	[tilespmem:s16+$0xFFFFFFD0] =	vst v8  }
0xd0: {  	[tilespmem:s16+$0x30] =	vst v6  }
0xd1: {  	v2 =	vmul.f32 v2, v1;
	[tilespmem:s16+$0x20] =	vst v7  }
0xd2: {  	v5 =	vmul.f32 v5, v1;
	[tilespmem:s16+$0xFFFFFFF0] =	vst v3  }
0xd3: {  	s17 =	sadd.s32 $0x1, s17;
	v1 =	vmul.f32 v4, v1;
	[tilespmem:s16+$0x0] =	vst v2  }
0xd4: {  	p2 =	sne.s32 s17, $0xFA;
	[tilespmem:s16+$0x10] =	vst v5  }
.Ltmp8:
0xd5: {  	[tilespmem:s16+$0xFFFFFFE0] =	vst v1;
	(pc) =	sbr.rel @p2 .LBB2_8-.Ltmp8, $4  }
0xd6: {  	[spmem:s2] =	stream.indirect.scatter.add.f32 [tilespmem:s4], [sflag:$0x2], $0x80, s30, s0, $0xb8;
	[tilespmem:$0x1E980] =	vst v63  }
0xd7: {  	_ =	swait.ge [sflag:s29], $0x2800  }
0xd8: {  	[sflag:s29] =	ssyncset.done $0x0  }
0xd9: {  	[sflag:s29] =	ssyncadd.s32 $0xFFFFD800  }
.Ltmp9:
0xda: {  	(pc) =	sbr.rel .LBB2_12-.Ltmp9, $2  }
0xdb: {  	_ =	sdelay $0x2  }
0xdc: {  	s15 =	rddreg [dreg:$0x5]  }
.LBB2_13:
0xdd: {  	_ =	sfence.sel $0x180000  }
0xde: {  	[bflag:$0x0] =	sbarrier.arrive $0xFFFF  }
0xdf: {  	_ =	strace $0x9000004A  }
0xe0: {  	s0 =	stileid.u32;
	[bflag:$0x2] =	sbarrier.arrive $0xFFFF  }
0xe1: {  	p0 =	sne.s32 s0, $0x0;
	s0 =	rddreg [dreg:$0x3]  }
0xe2: {  	s0 =	sadd.s32 @!p0 $0x100000, s0  }
0xe3: {  	[sflag:s0] =	ssyncadd.tile.s32 @!p0 $0x1;
	_ =	shalt  }
.Lfunc_end2:
_tile_overlayer_lowered:
.L_overlay_start_2:
0xe4: {  	(tag) =	ssettag $0x2  }
0xe5: {  	s0 =	rddreg [dreg:$0x0];
	s2 =	stileid.u32  }
0xe6: {  	s1 =	rddreg [dreg:$0x1];
	p0 =	sne.s32 s2, $0x0  }
0xe7: {  	s3 =	rddreg [dreg:$0x2];
	[bflag:$0x3] =	sbarrier.arrive $0xFFFF;
	s2 =	simm.s32 @!p0 $0x1C02  }
0xe8: {  	[timem:s3], [sflag:s2] =	dma.local @!p0 [hbm:s0], s1  }
0xe9: {  	s0 =	simm.s32 @!p0 $0x2  }
0xea: {  	_ =	swait.ge @!p0 [sflag:s0], s1  }
0xeb: {  	s1 =	ssub.s32 @!p0 $0x0, s1;
	[sflag:s0] =	ssyncset.done @!p0 $0x0  }
0xec: {  	[sflag:s0] =	ssyncadd.s32 @!p0 s1  }
0xed: {  	[bflag:$0x3] =	sbarrier.arrive $0xFFFF  }
0xee: {  	_ =	shalt  }

// kernel: kernel.14.cloned.1.call-start
scs
__scs_entry_jumppad:
0x0: {  	(pc) =	sbr.rel $0x88, $3  }
0x1: {  	(tag) =	ssettag $0x0;
	lr =	simm.s32 $0x1  }
0x2: {  	[smem:$0x3F94] =	sst lr;
	_ =	strace $0xD0000000  }
0x3: {  	_ = 	snop  }
0x4: {  	_ = 	snop  }
0x5: {  	_ = 	snop  }
0x6: {  	_ = 	snop  }
0x7: {  	_ = 	snop  }
__scs_overlays_trampoline_lowered:
0x8: {  	[smem:$0x3FA3] =	sst s0  }
0x9: {  	[smem:$0x3FA4] =	sst s1  }
0xa: {  	[smem:$0x3FA5] =	sst s2  }
0xb: {  	[smem:$0x3FA6] =	sst s3  }
0xc: {  	[smem:$0x3FA7] =	sst s4  }
0xd: {  	[smem:$0x3FA8] =	sst s5  }
0xe: {  	[smem:$0x3FA9] =	sst s6  }
0xf: {  	[smem:$0x3FAA] =	sst s7  }
0x10: {  	[smem:$0x3FAB] =	sst s8  }
0x11: {  	[smem:$0x3FAC] =	sst s9;
	s0 =	simm.s32 @!p0 $0x0  }
0x12: {  	s1 =	sld [smem:$0x3F92];
	s0 =	simm.s32 @p0 $0x1  }
0x13: {  	[smem:$0x3FAD] =	sst s0;
	s0 =	simm.s32 @!p1 $0x0  }
0x14: {  	s2 =	sld [smem:$0x3F91];
	s0 =	simm.s32 @p1 $0x1  }
0x15: {  	[smem:$0x3FAE] =	sst s0;
	s0 =	simm.s32 @!p2 $0x0  }
0x16: {  	s3 =	sld [smem:$0x3FDB];
	s0 =	simm.s32 @p2 $0x1  }
0x17: {  	s4 =	simm.s32 $0x1BF5;
	[smem:$0x3FB0] =	sst s0  }
0x18: {  	s0 =	sld [smem:$0x3F93];
	_ =	swait.ge [sflag:s4], $0x0  }
0x19: {  	s7 =	sld [smem:$0x3F94]  }
0x1a: {  	s8 =	sadd.s32 $0xFFFFE003, lr  }
0x1b: {  	s9 =	sadd.s32 $0xFFFFFEF7, lr;
	s5 =	simm.s32 $0xFFFFFFFF;
	p2 =	slt.u32 s8, $0xFFFFF086  }
0x1c: {  	p1 =	slt.u32 s9, $0xF7A;
	s5 =	simm.s32 @!p2 $0x0  }
0x1d: {  	s5 =	simm.s32 @p1 $0x1;
	p0 =	seq.s32 s7, s2  }
0x1e: {  	s7 =	smul.u32 @!p0 $0xF7A, s2;
	p2 =	seq.s32 @!p0 s5, $0x0  }
0x1f: {  	s9 =	smul.u32 $0xF7A, s1;
	s8 =	simm.s32 @!p0 $0x1BF5;
	p2 =	por !p2, p0  }
0x20: {  	[sflag:s8] =	ssyncset.s32 @!p0 $0xFFFFF086;
	s6 =	sadd.s32 @!p0 s3, s7;
	s7 =	simm.s32 @!p0 $0x108  }
0x21: {  	s3 =	sadd.s32 s3, s9;
	s6 =	sadd.s32 @!p0 $0x88, s6;
	s7 =	simm.s32 @p2 $0x1082  }
0x22: {  	[simem:s7], [sflag:s8] =	dma.local @!p0 [hbm:s6], $0xF7A  }
0x23: {  	s9 =	sor.u32 $0xD0000000, s2;
	s6 =	simm.s32 $0x108;
	_ =	swait.ge @!p0 [sflag:s8], $0x0  }
0x24: {  	s3 =	sadd.s32 $0x88, s3;
	s6 =	simm.s32 @!p1 $0x1082;
	[sflag:s4] =	ssyncset.s32 $0xFFFFF086  }
0x25: {  	[simem:s6], [sflag:s4] =	dma.local [hbm:s3], $0xF7A  }
0x26: {  	[smem:$0x3F94] =	sst s1;
	(tag) =	ssettag s2;
	_ =	strace s9  }
0x27: {  	s1 =	sld [smem:$0x3FA4]  }
0x28: {  	s2 =	sld [smem:$0x3FA5]  }
0x29: {  	s4 =	sld [smem:$0x3FA7]  }
0x2a: {  	p0 =	seq.s32 s5, $0x0;
	s5 =	sld [smem:$0x3FA8]  }
0x2b: {  	s6 =	sld [smem:$0x3FA9]  }
0x2c: {  	s7 =	sld [smem:$0x3FAA]  }
0x2d: {  	s3 =	simm.s32 $0x108;
	s8 =	sld [smem:$0x3FAB]  }
0x2e: {  	s3 =	simm.s32 @!p0 $0x1082;
	s9 =	sld [smem:$0x3FAC]  }
0x2f: {  	lr =	sadd.s32 s0, s3;
	s0 =	sld [smem:$0x3FA3]  }
0x30: {  	s3 =	sld [smem:$0x3FA6]  }
0x31: {  	[smem:$0x3FAF] =	sst s10  }
0x32: {  	s10 =	sld [smem:$0x3FAD];
	_ =	sdelay $0x3  }
0x33: {  	p0 =	seq.s32 s10, $0x1;
	s10 =	sld [smem:$0x3FAF];
	_ =	sdelay $0x3  }
0x34: {  	[smem:$0x3FAF] =	sst s10  }
0x35: {  	s10 =	sld [smem:$0x3FAE];
	_ =	sdelay $0x3  }
0x36: {  	p1 =	seq.s32 s10, $0x1;
	s10 =	sld [smem:$0x3FAF];
	_ =	sdelay $0x3  }
0x37: {  	[smem:$0x3FAF] =	sst s10  }
0x38: {  	s10 =	sld [smem:$0x3FB0]  }
0x39: {  	_ = 	snop;
	(pc) =	sbr.ind lr, $3  }
0x3a: {  	_ = 	snop  }
0x3b: {  	_ = 	snop  }
0x3c: {  	p2 =	seq.s32 s10, $0x1;
	s10 =	sld [smem:$0x3FAF]  }
0x3d: {  	_ =	shalt  }
0x3e: {  	_ =	shalt  }
0x3f: {  	_ =	shalt  }
0x40: {  	_ =	shalt  }
0x41: {  	_ =	shalt  }
0x42: {  	_ =	shalt  }
0x43: {  	_ =	shalt  }
0x44: {  	_ =	shalt  }
0x45: {  	_ =	shalt  }
0x46: {  	_ =	shalt  }
0x47: {  	_ =	shalt  }
0x48: {  	_ =	shalt  }
0x49: {  	_ =	shalt  }
0x4a: {  	_ =	shalt  }
0x4b: {  	_ =	shalt  }
0x4c: {  	_ =	shalt  }
0x4d: {  	_ =	shalt  }
0x4e: {  	_ =	shalt  }
0x4f: {  	_ =	shalt  }
0x50: {  	_ =	shalt  }
0x51: {  	_ =	shalt  }
0x52: {  	_ =	shalt  }
0x53: {  	_ =	shalt  }
0x54: {  	_ =	shalt  }
0x55: {  	_ =	shalt  }
0x56: {  	_ =	shalt  }
0x57: {  	_ =	shalt  }
0x58: {  	_ =	shalt  }
0x59: {  	_ =	shalt  }
0x5a: {  	_ =	shalt  }
0x5b: {  	_ =	shalt  }
0x5c: {  	_ =	shalt  }
0x5d: {  	_ =	shalt  }
0x5e: {  	_ =	shalt  }
0x5f: {  	_ =	shalt  }
0x60: {  	_ =	shalt  }
0x61: {  	_ =	shalt  }
0x62: {  	_ =	shalt  }
0x63: {  	_ =	shalt  }
0x64: {  	_ =	shalt  }
0x65: {  	_ =	shalt  }
0x66: {  	_ =	shalt  }
0x67: {  	_ =	shalt  }
0x68: {  	_ =	shalt  }
0x69: {  	_ =	shalt  }
0x6a: {  	_ =	shalt  }
0x6b: {  	_ =	shalt  }
0x6c: {  	_ =	shalt  }
0x6d: {  	_ =	shalt  }
0x6e: {  	_ =	shalt  }
0x6f: {  	_ =	shalt  }
0x70: {  	_ =	shalt  }
0x71: {  	_ =	shalt  }
0x72: {  	_ =	shalt  }
0x73: {  	_ =	shalt  }
0x74: {  	_ =	shalt  }
0x75: {  	_ =	shalt  }
0x76: {  	_ =	shalt  }
0x77: {  	_ =	shalt  }
0x78: {  	_ =	shalt  }
0x79: {  	_ =	shalt  }
0x7a: {  	_ =	shalt  }
0x7b: {  	_ =	shalt  }
0x7c: {  	_ =	shalt  }
0x7d: {  	_ =	shalt  }
0x7e: {  	_ =	shalt  }
0x7f: {  	_ =	shalt  }
0x80: {  	_ =	shalt  }
0x81: {  	_ =	shalt  }
0x82: {  	_ =	shalt  }
0x83: {  	_ =	shalt  }
0x84: {  	_ =	shalt  }
0x85: {  	_ =	shalt  }
0x86: {  	_ =	shalt  }
0x87: {  	_ =	shalt  }
.Lfunc_end0:
.L_simem_size_0:
called_computation.2_lowered:
.L_overlay_start_0:
0x88: {  	s2 =	sld [smem:$0x3FD9]  }
0x89: {  	s3 =	sld [smem:$0x3FFE];
	_ =	sdelay $0x1  }
0x8a: {  	s1 =	srdreg.scid  }
0x8b: {  	s0 =	sand.u32 $0x1, s1  }
0x8c: {  	s17 =	sshll.u32 s0, $0xA;
	s2 =	sadd.s32 s3, s2  }
0x8d: {  	s2 =	sadd.s32 s2, s17  }
0x8e: {  	[smem:$0x3FBB] =	sst s2  }
0x8f: {  	_ = 	snop  }
0x90: {  	s2 =	sld [smem:$0x3FC7];
	(tm) =	ssettm $0x1  }
0x91: {  	s18 =	sld [smem:$0x3FFB];
	_ =	sdelay $0x3  }
0x92: {  	_ =	strace s18  }
0x93: {  	s3 =	sld [smem:$0x3FFC];
	_ =	sdelay $0x3  }
0x94: {  	_ =	strace s3  }
0x95: {  	s3 =	sld [smem:$0x3FFD];
	_ =	sdelay $0x3  }
0x96: {  	_ =	strace s3  }
0x97: {  	_ =	strace $0x8FFFFFFF  }
0x98: {  	s19 =	sld [smem:$0x3FDB];
	_ =	sdelay $0x1  }
0x99: {  	s4 =	simm.s32 $_scs_section_size  }
0x9a: {  	s5 =	simm.s32 $_size__tile_overlayer_lowered;
	s6 =	simm.s32 $_tile_overlayer_lowered  }
0x9b: {  	s22 =	simm.s32 $0x1BFF;
	s21 =	sshll.u32 s6, $0x1;
	s3 =	sadd.s32 s4, s19  }
0x9c: {  	s7 =	simm.s32 $0x0;
	s20 =	sshll.u32 s5, $0x1;
	s5 =	sadd.s32 s21, s3  }
0x9d: {  	[timem:s7], [sflag:s22] =	dma.local [hbm:s5], s20  }
0x9e: {  	_ =	swait.ge [sflag:s22], s20  }
0x9f: {  	s4 =	ssub.s32 $0x0, s20;
	[sflag:s22] =	ssyncset.done $0x0  }
0xa0: {  	[sflag:s22] =	ssyncadd.s32 s4;
	_ =	sdelay $0x1  }
0xa1: {  	s23 =	simm.s32 $0x1B8B  }
0xa2: {  	_ =	swait.ge [sflag:s23], $0x1  }
0xa3: {  	[sflag:s23] =	ssyncset.done $0x0  }
0xa4: {  	s25 =	simm.s32 $0x1B8E;
	s24 =	sld [smem:$0x3FFE];
	[sflag:s23] =	ssyncadd.s32 $0xFFFFFFFF  }
0xa5: {  	s26 =	simm.s32 $execute0_lowered;
	[smem:$0x3FD2] =	sst s25  }
0xa6: {  	s5 =	sshll.u32 s26, $0x1;
	_ =	strace $0x8000004C;
	[dreg:$0x1] =	wrdreg $0xFFFFFFFF  }
0xa7: {  	s28 =	simm.s32 $_size_execute0_lowered;
	s3 =	sadd.s32 s3, s5;
	[dreg:$0x0] =	wrdreg $0x0  }
0xa8: {  	s5 =	sshll.u32 s28, $0x1;
	[dreg:$0x2] =	wrdreg s3  }
0xa9: {  	[dreg:$0x3] =	wrdreg s5  }
0xaa: {  	[dreg:$0x4] =	wrdreg $0xC0  }
0xab: {  	_ =	task [dreg:s7], $0x5FFFF  }
0xac: {  	[dreg:$0x1] =	wrdreg $0xFFFFFFFF  }
0xad: {  	[dreg:$0x0] =	wrdreg $0x60  }
0xae: {  	[dreg:$0x2] =	wrdreg s24  }
0xaf: {  	[dreg:$0x3] =	wrdreg s2  }
0xb0: {  	[dreg:$0x4] =	wrdreg $0xA9800  }
0xb1: {  	[dreg:$0x5] =	wrdreg $0x9  }
0xb2: {  	_ =	task.clear_ibuf [dreg:s7], $0x6FFFF;
	_ =	strace $0x9000004C  }
0xb3: {  	s29 =	simm.s32 $0x9;
	_ =	strace $0x8000004E  }
0xb4: {  	_ =	swait.ge [sflag:s29], $0x1  }
0xb5: {  	[sflag:s29] =	ssyncadd.s32 $0xFFFFFFFF  }
0xb6: {  	_ =	strace $0x9000004E  }
0xb7: {  	_ =	sfence  }
0xb8: {  	s30 =	sld [smem:$0x0];
	_ =	sdelay $0x2  }
0xb9: {  	s31 =	sshll.u32 s1, $0xD;
	s1 =	sshrl.u32 s1, $0x2  }
0xba: {  	s3 =	sand.u32 $0x4000, s31;
	s1 =	sadd.s32 s1, s30  }
0xbb: {  	s0 =	sor.u32 s3, s0;
	s1 =	sshll.u32 s1, $0x11  }
0xbc: {  	s0 =	sor.u32 s1, s0  }
0xbd: {  	s0 =	sadd.s32 $0x8F2B, s0  }
0xbe: {  	[sflag:s0] =	ssyncadd.remote.s32 $0x1  }
0xbf: {  	_ =	sfence.sel $0xFFFF  }
0xc0: {  	[dreg:$0x0] =	wrdreg $0xFFFFFFFF;
	(pc) =	sbr.abs _section_cstart, $3  }
0xc1: {  	[dreg:$0x1] =	wrdreg $0xFFFFFFFF  }
0xc2: {  	_ =	task.clear_ibuf [dreg:s7], $0x2FFFF;
	_ =	strace $0x9FFFFFFF  }
0xc3: {  	(tm) =	ssettm $0x7FFFFFFF  }
tec
execute0_lowered:
.L_overlay_start_1:
0x0: {  	(tag) =	ssettag $0x1  }
0x1: {  	s0 =	rddreg [dreg:$0x0]  }
0x2: {  	s1 =	rddreg [dreg:$0x1]  }
0x3: {  	s2 =	rddreg [dreg:$0x2];
	s3 =	simm.s32 $0x0;
	s4 =	srdreg.scid  }
0x4: {  	s12 =	stileid.u32;
	s28 =	simm.s32 $0x2;
	s29 =	simm.s32 $0x80  }
0x5: {  	s30 =	simm.s32 $0x100;
	s31 =	simm.s32 $0x50;
	[smem:$0x7FF] =	sst s3  }
0x6: {  	s5 =	sadd.s32 $0xE800, s0;
	s6 =	sadd.s32 $0x4A00, s0;
	s4 =	sand.u32 $0x1, s4  }
0x7: {  	s7 =	sadd.s32 $0x18600, s0;
	s9 =	smul.u32 $0x50000, s12;
	s10 =	sadd.s32 $0x3F800, s0  }
0x8: {  	s0 =	sadd.s32 $0x67800, s0;
	_ =	strace $0x8000004D;
	[dreg:$0x4] =	wrdreg s10  }
0x9: {  	s14 =	smul.u32 $0x280, s12;
	s8 =	ssub.s32 $0x2, s4;
	[dreg:$0x5] =	wrdreg s0  }
0xa: {  	p0 =	sne.s32 s4, $0x0;
	p1 =	seq.s32 s4, $0x0;
	s4 =	simm.s32 $0x1  }
0xb: {  	s11 =	sshrl.u32 s8, $0x1;
	s13 =	sshrl.u32 s9, $0x2;
	s17 =	sadd.s32 $0x80, s14  }
0xc: {  	s21 =	sadd.s32 $0x100, s14;
	s23 =	sadd.s32 $0x180, s14;
	s25 =	sadd.s32 $0x200, s14  }
0xd: {  	s9 =	simm.s32 $0x3;
	s0 =	ssub.s32 s8, s11;
	s11 =	smul.u32 $0x4E20, s12  }
0xe: {  	s10 =	sadd.s32 s13, s2;
	s20 =	sshll.u32 s17, $0x7;
	s12 =	smul.u32 $0x2800, s12  }
0xf: {  	s22 =	sshll.u32 s21, $0x7;
	s21 =	sshll.u32 s21, $0x4;
	s24 =	sshll.u32 s23, $0x7  }
0x10: {  	s23 =	sshll.u32 s23, $0x4;
	s26 =	sshll.u32 s25, $0x7;
	s0 =	smax.u32 s0, $0x1  }
0x11: {  	s25 =	sshll.u32 s25, $0x4;
	s15 =	sadd.s32 $0x4000, s10;
	[dreg:$0x6] =	wrdreg s0  }
0x12: {  	s16 =	sadd.s32 $0x8000, s10;
	s8 =	sadd.s32 $0xC000, s10;
	[dreg:$0x7] =	wrdreg s15  }
.Ltmp0:
0x13: {  	s19 =	sadd.s32 $0x10000, s10;
	[dreg:$0x8] =	wrdreg s16;
	(pc) =	sbr.rel .LBB2_1-.Ltmp0, $4  }
0x14: {  	s18 =	sadd.s32 s20, s2;
	s20 =	sadd.s32 s22, s2;
	[dreg:$0x9] =	wrdreg s8  }
0x15: {  	s22 =	sadd.s32 s24, s2;
	s24 =	sadd.s32 s26, s2;
	[dreg:$0xa] =	wrdreg s19  }
0x16: {  	s26 =	simm.s32 $0x2980;
	[dreg:$0xb] =	wrdreg s12;
	s19 =	sshll.u32 s17, $0x4  }
0x17: {  	v0 =	vimm.f32 $0.0e+00;
	s0 =	simm.s32 $0x180;
	s8 =	simm.s32 $0x6980;
	s12 =	simm.s32 $0x0  }
.LBB2_12:
0x18: {  	[bflag:$0x0] =	sbarrier.arrive $0xFFFF  }
0x19: {  	[tilespmem:s8], [sflag:$0x3] =	stream.linear.gather [spmem:s10], $0x4000, $0x38;
	[tilespmem:$0x1E980] =	vst v63  }
0x1a: {  	_ =	swait.ge [sflag:s9], $0x4000  }
0x1b: {  	s14 =	simm.s32 $0x3;
	[sflag:s9] =	ssyncset.done $0x0;
	s15 =	rddreg [dreg:$0xb]  }
0x1c: {  	s14 =	simm.s32 @!p1 $0x2;
	s15 =	sadd.s32 s13, s15;
	[sflag:s9] =	ssyncadd.s32 $0xFFFFC000  }
0x1d: {  	[hbm4b:s15+s3] =	stream.linear.scatter [tilespmem:s8], [sflag:s14], $0x4000, $0x38;
	[tilespmem:$0x1E980] =	vst v63  }
0x1e: {  	_ =	swait.ge [sflag:s14], $0x4000  }
0x1f: {  	[sflag:s14] =	ssyncset.done $0x0  }
0x20: {  	[sflag:s14] =	ssyncadd.s32 $0xFFFFC000  }
0x21: {  	[tilespmem:s8], [sflag:$0x3] =	stream.linear.gather [spmem:s18], $0x4000, $0x38;
	[tilespmem:$0x1E980] =	vst v63  }
0x22: {  	_ =	swait.ge [sflag:s9], $0x4000  }
0x23: {  	[sflag:s9] =	ssyncset.done $0x0  }
0x24: {  	s17 =	sadd.s32 s13, s19;
	[sflag:s9] =	ssyncadd.s32 $0xFFFFC000  }
0x25: {  	[hbm4b:s17+s3] =	stream.linear.scatter [tilespmem:s8], [sflag:s14], $0x4000, $0x38;
	[tilespmem:$0x1E980] =	vst v63  }
0x26: {  	_ =	swait.ge [sflag:s14], $0x4000  }
0x27: {  	[sflag:s14] =	ssyncset.done $0x0  }
0x28: {  	[sflag:s14] =	ssyncadd.s32 $0xFFFFC000  }
0x29: {  	[tilespmem:s8], [sflag:$0x3] =	stream.linear.gather [spmem:s20], $0x4000, $0x38;
	[tilespmem:$0x1E980] =	vst v63  }
0x2a: {  	_ =	swait.ge [sflag:s9], $0x4000  }
0x2b: {  	[sflag:s9] =	ssyncset.done $0x0  }
0x2c: {  	s16 =	sadd.s32 s13, s21;
	[sflag:s9] =	ssyncadd.s32 $0xFFFFC000  }
0x2d: {  	[hbm4b:s16+s3] =	stream.linear.scatter [tilespmem:s8], [sflag:s14], $0x4000, $0x38;
	[tilespmem:$0x1E980] =	vst v63  }
0x2e: {  	_ =	swait.ge [sflag:s14], $0x4000  }
0x2f: {  	[sflag:s14] =	ssyncset.done $0x0  }
0x30: {  	[sflag:s14] =	ssyncadd.s32 $0xFFFFC000  }
0x31: {  	[tilespmem:s8], [sflag:$0x3] =	stream.linear.gather [spmem:s22], $0x4000, $0x38;
	[tilespmem:$0x1E980] =	vst v63  }
0x32: {  	_ =	swait.ge [sflag:s9], $0x4000  }
0x33: {  	[sflag:s9] =	ssyncset.done $0x0  }
0x34: {  	s17 =	sadd.s32 s13, s23;
	[sflag:s9] =	ssyncadd.s32 $0xFFFFC000  }
0x35: {  	[hbm4b:s17+s3] =	stream.linear.scatter [tilespmem:s8], [sflag:s14], $0x4000, $0x38;
	[tilespmem:$0x1E980] =	vst v63  }
0x36: {  	_ =	swait.ge [sflag:s14], $0x4000  }
0x37: {  	[sflag:s14] =	ssyncset.done $0x0  }
0x38: {  	[sflag:s14] =	ssyncadd.s32 $0xFFFFC000  }
0x39: {  	[tilespmem:s8], [sflag:$0x3] =	stream.linear.gather [spmem:s24], $0x4000, $0x38;
	[tilespmem:$0x1E980] =	vst v63  }
0x3a: {  	_ =	swait.ge [sflag:s9], $0x4000  }
0x3b: {  	[sflag:s9] =	ssyncset.done $0x0  }
0x3c: {  	s16 =	sadd.s32 s13, s25;
	[sflag:s9] =	ssyncadd.s32 $0xFFFFC000  }
0x3d: {  	[hbm4b:s16+s3] =	stream.linear.scatter [tilespmem:s8], [sflag:s14], $0x4000, $0x38;
	[tilespmem:$0x1E980] =	vst v63  }
0x3e: {  	_ =	swait.ge [sflag:s14], $0x4000  }
0x3f: {  	s12 =	sadd.s32 $0x1, s12;
	s17 =	rddreg [dreg:$0x6]  }
0x40: {  	p2 =	sne.s32 s12, s17  }
.Ltmp1:
0x41: {  	_ = 	snop;
	(pc) =	sbr.rel @!p2 .LBB2_13-.Ltmp1, $3  }
0x42: {  	_ =	sdelay $0x1  }
0x43: {  	[sflag:s14] =	ssyncset.done $0x0  }
0x44: {  	[sflag:s14] =	ssyncadd.s32 $0xFFFFC000  }
.LBB2_1:
0x45: {  	s13 =	sand.u32 $0xFE00, s3  }
0x46: {  	s14 =	sand.u32 $0x70, s3;
	s15 =	sshrl.u32 s13, $0x2  }
0x47: {  	s13 =	simm.s32 $0x40;
	s15 =	sor.u32 s14, s15;
	s14 =	simm.s32 $0x0  }
.LBB2_2:
0x48: {  	p2 =	sne.s32 s13, $0xFFC0  }
0x49: {  	[tilespmem:s15+$0x2980] =	vst v0;
	s14 =	sadd.s32 $0x10, s14;
	s15 =	smov.u32 s13;
	s13 =	sadd.s32 $0x40, s13  }
.Ltmp2:
0x4a: {  	(pc) =	sbr.rel @p2 .LBB2_2-.Ltmp2, $4  }
0x4b: {  	_ = 	snop  }
0x4c: {  	s15 =	sand.u32 $0xFE00, s15  }
0x4d: {  	s16 =	sand.u32 $0x70, s14;
	s15 =	sshrl.u32 s15, $0x2  }
0x4e: {  	s15 =	sor.u32 s16, s15  }
0x4f: {  	[tilespmem:s15+$0x2980] =	vst v0  }
0x50: {  	[spmem:s10] =	stream.linear.scatter [tilespmem:s26], [sflag:$0x2], $0x4000, $0x38;
	[tilespmem:$0x1E980] =	vst v63  }
0x51: {  	_ =	swait.ge [sflag:s28], $0x4000  }
0x52: {  	[sflag:s28] =	ssyncset.done $0x0  }
0x53: {  	s13 =	rddreg [dreg:$0x7];
	[sflag:s28] =	ssyncadd.s32 $0xFFFFC000  }
0x54: {  	[spmem:s13] =	stream.linear.scatter [tilespmem:s26], [sflag:$0x2], $0x4000, $0x38;
	[tilespmem:$0x1E980] =	vst v63  }
0x55: {  	_ =	swait.ge [sflag:s28], $0x4000  }
0x56: {  	[sflag:s28] =	ssyncset.done $0x0  }
0x57: {  	s15 =	rddreg [dreg:$0x8];
	[sflag:s28] =	ssyncadd.s32 $0xFFFFC000  }
0x58: {  	[spmem:s15] =	stream.linear.scatter [tilespmem:s26], [sflag:$0x2], $0x4000, $0x38;
	[tilespmem:$0x1E980] =	vst v63  }
0x59: {  	_ =	swait.ge [sflag:s28], $0x4000  }
0x5a: {  	[sflag:s28] =	ssyncset.done $0x0  }
0x5b: {  	s16 =	rddreg [dreg:$0x9];
	[sflag:s28] =	ssyncadd.s32 $0xFFFFC000  }
0x5c: {  	[spmem:s16] =	stream.linear.scatter [tilespmem:s26], [sflag:$0x2], $0x4000, $0x38;
	[tilespmem:$0x1E980] =	vst v63  }
0x5d: {  	_ =	swait.ge [sflag:s28], $0x4000  }
0x5e: {  	[sflag:s28] =	ssyncset.done $0x0  }
0x5f: {  	s17 =	rddreg [dreg:$0xa];
	[sflag:s28] =	ssyncadd.s32 $0xFFFFC000  }
0x60: {  	[spmem:s17] =	stream.linear.scatter [tilespmem:s26], [sflag:$0x2], $0x4000, $0x38;
	[tilespmem:$0x1E980] =	vst v63  }
.Ltmp3:
0x61: {  	_ =	swait.ge [sflag:s28], $0x4000;
	(pc) =	sbr.rel @p0 .LBB2_8-.Ltmp3, $4  }
0x62: {  	[sflag:s28] =	ssyncset.done $0x0  }
0x63: {  	[sflag:s28] =	ssyncadd.s32 $0xFFFFC000  }
0x64: {  	[bflag:$0x0] =	sbarrier.arrive $0xFFFF  }
0x65: {  	s14 =	simm.s32 $0x0;
	s13 =	simm.s32 $0x0;
	s15 =	simm.s32 $0x0  }
.LBB2_4:
0x66: {  	s15 =	smul.u32 $0x50, s14;
	_ =	sdelay $0x1  }
0x67: {  	s15 =	sadd.s32 s11, s15  }
0x68: {  	s15 =	sshrl.u32 s15, $0x3  }
0x69: {  	s16 =	sadd.s32 s5, s15  }
0x6a: {  	[tilespmem:s13], [sflag:$0x2] =	stream.linear.gather [hbm4b:s16+s13], $0x50, $0x38;
	[tilespmem:$0x1E980] =	vst v63  }
0x6b: {  	_ =	swait.ge [sflag:s28], $0x50  }
0x6c: {  	[sflag:s28] =	ssyncset.done $0x0  }
0x6d: {  	s17 =	sadd.s32 s6, s15;
	[sflag:s28] =	ssyncadd.s32 $0xFFFFFFB0  }
0x6e: {  	[tilespmem:s29], [sflag:$0x2] =	stream.linear.gather [hbm4b:s17+s13], $0x50, $0x38;
	[tilespmem:$0x1E980] =	vst v63  }
0x6f: {  	_ =	swait.ge [sflag:s28], $0x50  }
0x70: {  	[sflag:s28] =	ssyncset.done $0x0  }
0x71: {  	s15 =	sadd.s32 s1, s15;
	[sflag:s28] =	ssyncadd.s32 $0xFFFFFFB0  }
0x72: {  	[tilespmem:s30], [sflag:$0x2] =	stream.linear.gather [hbm4b:s15+s13], $0x50, $0x38;
	[tilespmem:$0x1E980] =	vst v63  }
0x73: {  	_ =	swait.ge [sflag:s28], $0x50  }
0x74: {  	[sflag:s28] =	ssyncset.done $0x0  }
0x75: {  	[sflag:s28] =	ssyncadd.s32 $0xFFFFFFB0  }
0x76: {  	v1 =	vmov s13;
	[tilespmem:s0], [sflag:$0x1] =	stream.indirect.gather [hbm4b:s7+s31], $0x80, s13, s31, $0xb8;
	[tilespmem:$0x1E980] =	vst v63  }
0x77: {  	_ =	swait.ge [sflag:s4], $0x2800  }
0x78: {  	[sflag:s4] =	ssyncset.done $0x0  }
0x79: {  	s15 =	simm.s32 $0x1A0;
	[sflag:s4] =	ssyncadd.s32 $0xFFFFD800  }
0x7a: {  	v4 =	vld [tilespmem:s15+$0xFFFFFFF0]  }
0x7b: {  	v2 =	vld.idx.msk [tilespmem:v1+s30+$0x0], $0xffff  }
0x7c: {  	v5 =	vld [tilespmem:s15+$0xFFFFFFE0]  }
0x7d: {  	v3 =	vld [tilespmem:s15+$0x0];
	_ =	sdelay $0x2  }
0x7e: {  	s17 =	simm.s32 $0x1  }
0x7f: {  	s16 =	simm.s32 $0x1A0;
	v1 =	vmov s17;
	s17 =	simm.s32 $0x2;
	v5 =	vmul.f32 v5, v2;
	v4 =	vmul.f32 v4, v2  }
.LBB2_5:
0x80: {  	p2 =	sne.s32 s17, $0x4F;
	v2 =	vmul.f32 v3, v2  }
0x81: {  	[tilespmem:s15+$0xFFFFFFE0] =	vst v5  }
0x82: {  	s15 =	sadd.s32 $0x80, s15;
	[tilespmem:s16+$0xFFFFFFF0] =	vst v4  }
0x83: {  	v4 =	vld [tilespmem:s15+$0xFFFFFFF0];
	[tilespmem:s16+$0x0] =	vst v2;
	s16 =	smov.u32 s15  }
0x84: {  	v2 =	vld.idx.msk [tilespmem:v1+s30+$0x0], $0xffff  }
0x85: {  	v5 =	vld [tilespmem:s15+$0xFFFFFFE0]  }
.Ltmp4:
0x86: {  	v3 =	vld [tilespmem:s15+$0x0];
	(pc) =	sbr.rel @p2 .LBB2_5-.Ltmp4, $2  }
0x87: {  	_ =	sdelay $0x2  }
0x88: {  	v1 =	vmov s17;
	s17 =	sadd.s32 $0x1, s17;
	v4 =	vmul.f32 v4, v2;
	v5 =	vmul.f32 v5, v2  }
0x89: {  	_ = 	snop  }
0x8a: {  	v2 =	vmul.f32 v3, v2;
	[tilespmem:s15+$0xFFFFFFE0] =	vst v5  }
0x8b: {  	s17 =	sadd.s32 $0x80, s15;
	[tilespmem:s16+$0xFFFFFFF0] =	vst v4  }
0x8c: {  	v3 =	vld [tilespmem:s17+$0xFFFFFFF0];
	[tilespmem:s16+$0x0] =	vst v2  }
0x8d: {  	v1 =	vld.idx.msk [tilespmem:v1+s30+$0x0], $0xffff  }
0x8e: {  	v2 =	vld [tilespmem:s17+$0xFFFFFFE0];
	_ =	sdelay $0x1  }
0x8f: {  	v4 =	vld [tilespmem:s17+$0x0];
	_ =	sdelay $0x2  }
0x90: {  	v2 =	vmul.f32 v2, v1  }
0x91: {  	v3 =	vmul.f32 v3, v1  }
0x92: {  	s14 =	sadd.s32 $0x1, s14;
	v1 =	vmul.f32 v4, v1;
	[tilespmem:s17+$0xFFFFFFE0] =	vst v2  }
0x93: {  	p2 =	seq.s32 s14, $0xFA;
	[tilespmem:s17+$0xFFFFFFF0] =	vst v3  }
.Ltmp5:
0x94: {  	[tilespmem:s17+$0x0] =	vst v1;
	(pc) =	sbr.rel @!p2 .LBB2_4-.Ltmp5, $4  }
0x95: {  	[spmem:s2] =	stream.indirect.scatter.add.f32 [tilespmem:s0], [sflag:$0x2], $0x80, s29, s31, $0xb8;
	[tilespmem:$0x1E980] =	vst v63  }
0x96: {  	_ =	swait.ge [sflag:s28], $0x2800  }
0x97: {  	[sflag:s28] =	ssyncset.done $0x0  }
0x98: {  	[sflag:s28] =	ssyncadd.s32 $0xFFFFD800  }
.Ltmp6:
0x99: {  	(pc) =	sbr.rel .LBB2_12-.Ltmp6, $2  }
0x9a: {  	_ =	sdelay $0x2  }
0x9b: {  	s13 =	rddreg [dreg:$0x4]  }
.LBB2_8:
0x9c: {  	s14 =	smul.u32 $0x50, s15;
	_ =	sdelay $0x1  }
0x9d: {  	s14 =	sadd.s32 s11, s14  }
0x9e: {  	s14 =	sshrl.u32 s14, $0x3  }
0x9f: {  	s16 =	sadd.s32 s6, s14  }
0xa0: {  	[tilespmem:s13], [sflag:$0x2] =	stream.linear.gather [hbm4b:s16+s13], $0x50, $0x38;
	[tilespmem:$0x1E980] =	vst v63  }
0xa1: {  	_ =	swait.ge [sflag:s28], $0x50  }
0xa2: {  	[sflag:s28] =	ssyncset.done $0x0  }
0xa3: {  	s17 =	sadd.s32 s5, s14;
	[sflag:s28] =	ssyncadd.s32 $0xFFFFFFB0  }
0xa4: {  	[tilespmem:s29], [sflag:$0x2] =	stream.linear.gather [hbm4b:s17+s13], $0x50, $0x38;
	[tilespmem:$0x1E980] =	vst v63  }
0xa5: {  	_ =	swait.ge [sflag:s28], $0x50  }
0xa6: {  	[sflag:s28] =	ssyncset.done $0x0  }
0xa7: {  	s14 =	sadd.s32 s1, s14;
	[sflag:s28] =	ssyncadd.s32 $0xFFFFFFB0  }
0xa8: {  	[tilespmem:s30], [sflag:$0x2] =	stream.linear.gather [hbm4b:s14+s13], $0x50, $0x38;
	[tilespmem:$0x1E980] =	vst v63  }
0xa9: {  	_ =	swait.ge [sflag:s28], $0x50  }
0xaa: {  	[sflag:s28] =	ssyncset.done $0x0  }
0xab: {  	[sflag:s28] =	ssyncadd.s32 $0xFFFFFFB0  }
0xac: {  	v1 =	vmov s13;
	[tilespmem:s0], [sflag:$0x1] =	stream.indirect.gather [hbm4b:s7+s31], $0x80, s13, s31, $0xb8;
	[tilespmem:$0x1E980] =	vst v63  }
0xad: {  	_ =	swait.ge [sflag:s4], $0x2800  }
0xae: {  	[sflag:s4] =	ssyncset.done $0x0  }
0xaf: {  	s14 =	simm.s32 $0x1E0;
	[sflag:s4] =	ssyncadd.s32 $0xFFFFD800  }
0xb0: {  	v4 =	vld [tilespmem:s14+$0xFFFFFFF0]  }
0xb1: {  	v2 =	vld.idx.msk [tilespmem:v1+s30+$0x0], $0xffff  }
0xb2: {  	v5 =	vld [tilespmem:s14+$0xFFFFFFE0]  }
0xb3: {  	v3 =	vld [tilespmem:s14+$0x0];
	_ =	sdelay $0x2  }
0xb4: {  	s17 =	simm.s32 $0x1  }
0xb5: {  	s16 =	simm.s32 $0x1E0;
	v1 =	vmov s17;
	s17 =	simm.s32 $0x2;
	v5 =	vmul.f32 v5, v2;
	v4 =	vmul.f32 v4, v2  }
.LBB2_9:
0xb6: {  	p2 =	sne.s32 s17, $0x4F;
	v2 =	vmul.f32 v3, v2  }
0xb7: {  	[tilespmem:s14+$0xFFFFFFE0] =	vst v5  }
0xb8: {  	s14 =	sadd.s32 $0x80, s14;
	[tilespmem:s16+$0xFFFFFFF0] =	vst v4  }
0xb9: {  	v4 =	vld [tilespmem:s14+$0xFFFFFFF0];
	[tilespmem:s16+$0x0] =	vst v2;
	s16 =	smov.u32 s14  }
0xba: {  	v2 =	vld.idx.msk [tilespmem:v1+s30+$0x0], $0xffff  }
0xbb: {  	v5 =	vld [tilespmem:s14+$0xFFFFFFE0]  }
.Ltmp7:
0xbc: {  	v3 =	vld [tilespmem:s14+$0x0];
	(pc) =	sbr.rel @p2 .LBB2_9-.Ltmp7, $2  }
0xbd: {  	_ =	sdelay $0x2  }
0xbe: {  	v1 =	vmov s17;
	s17 =	sadd.s32 $0x1, s17;
	v4 =	vmul.f32 v4, v2;
	v5 =	vmul.f32 v5, v2  }
0xbf: {  	_ = 	snop  }
0xc0: {  	v2 =	vmul.f32 v3, v2;
	[tilespmem:s14+$0xFFFFFFE0] =	vst v5  }
0xc1: {  	s17 =	sadd.s32 $0x80, s14;
	[tilespmem:s16+$0xFFFFFFF0] =	vst v4  }
0xc2: {  	v3 =	vld [tilespmem:s17+$0xFFFFFFF0];
	[tilespmem:s16+$0x0] =	vst v2  }
0xc3: {  	v1 =	vld.idx.msk [tilespmem:v1+s30+$0x0], $0xffff  }
0xc4: {  	v2 =	vld [tilespmem:s17+$0xFFFFFFE0];
	_ =	sdelay $0x1  }
0xc5: {  	v4 =	vld [tilespmem:s17+$0x0];
	_ =	sdelay $0x2  }
0xc6: {  	v2 =	vmul.f32 v2, v1  }
0xc7: {  	v3 =	vmul.f32 v3, v1  }
0xc8: {  	s15 =	sadd.s32 $0x1, s15;
	v1 =	vmul.f32 v4, v1;
	[tilespmem:s17+$0xFFFFFFE0] =	vst v2  }
0xc9: {  	p2 =	sne.s32 s15, $0xFA;
	[tilespmem:s17+$0xFFFFFFF0] =	vst v3  }
.Ltmp8:
0xca: {  	[tilespmem:s17+$0x0] =	vst v1;
	(pc) =	sbr.rel @p2 .LBB2_8-.Ltmp8, $4  }
0xcb: {  	[spmem:s2] =	stream.indirect.scatter.add.f32 [tilespmem:s0], [sflag:$0x2], $0x80, s29, s31, $0xb8;
	[tilespmem:$0x1E980] =	vst v63  }
0xcc: {  	_ =	swait.ge [sflag:s28], $0x2800  }
0xcd: {  	[sflag:s28] =	ssyncset.done $0x0  }
0xce: {  	[sflag:s28] =	ssyncadd.s32 $0xFFFFD800  }
.Ltmp9:
0xcf: {  	(pc) =	sbr.rel .LBB2_12-.Ltmp9, $2  }
0xd0: {  	_ =	sdelay $0x2  }
0xd1: {  	s13 =	rddreg [dreg:$0x5]  }
.LBB2_13:
0xd2: {  	_ =	sfence.sel $0x180000  }
0xd3: {  	[bflag:$0x0] =	sbarrier.arrive $0xFFFF  }
0xd4: {  	_ =	strace $0x9000004D  }
0xd5: {  	s0 =	stileid.u32;
	[bflag:$0x2] =	sbarrier.arrive $0xFFFF  }
0xd6: {  	p0 =	sne.s32 s0, $0x0;
	s0 =	rddreg [dreg:$0x3]  }
0xd7: {  	s0 =	sadd.s32 @!p0 $0x100000, s0  }
0xd8: {  	[sflag:s0] =	ssyncadd.tile.s32 @!p0 $0x1;
	_ =	shalt  }
.Lfunc_end2:
_tile_overlayer_lowered:
.L_overlay_start_2:
0xd9: {  	(tag) =	ssettag $0x2  }
0xda: {  	s0 =	rddreg [dreg:$0x0];
	s2 =	stileid.u32  }
0xdb: {  	s1 =	rddreg [dreg:$0x1];
	p0 =	sne.s32 s2, $0x0  }
0xdc: {  	s3 =	rddreg [dreg:$0x2];
	[bflag:$0x3] =	sbarrier.arrive $0xFFFF;
	s2 =	simm.s32 @!p0 $0x1C02  }
0xdd: {  	[timem:s3], [sflag:s2] =	dma.local @!p0 [hbm:s0], s1  }
0xde: {  	s0 =	simm.s32 @!p0 $0x2  }
0xdf: {  	_ =	swait.ge @!p0 [sflag:s0], s1  }
0xe0: {  	s1 =	ssub.s32 @!p0 $0x0, s1;
	[sflag:s0] =	ssyncset.done @!p0 $0x0  }
0xe1: {  	[sflag:s0] =	ssyncadd.s32 @!p0 s1  }
0xe2: {  	[bflag:$0x3] =	sbarrier.arrive $0xFFFF  }
0xe3: {  	_ =	shalt  }

// kernel: kernel.8.cloned.1.call-start
scs
__scs_entry_jumppad:
0x0: {  	(pc) =	sbr.rel $0x88, $3  }
0x1: {  	(tag) =	ssettag $0x0;
	lr =	simm.s32 $0x1  }
0x2: {  	[smem:$0x3F94] =	sst lr;
	_ =	strace $0xD0000000  }
0x3: {  	_ = 	snop  }
0x4: {  	_ = 	snop  }
0x5: {  	_ = 	snop  }
0x6: {  	_ = 	snop  }
0x7: {  	_ = 	snop  }
__scs_overlays_trampoline_lowered:
0x8: {  	[smem:$0x3FA3] =	sst s0  }
0x9: {  	[smem:$0x3FA4] =	sst s1  }
0xa: {  	[smem:$0x3FA5] =	sst s2  }
0xb: {  	[smem:$0x3FA6] =	sst s3  }
0xc: {  	[smem:$0x3FA7] =	sst s4  }
0xd: {  	[smem:$0x3FA8] =	sst s5  }
0xe: {  	[smem:$0x3FA9] =	sst s6  }
0xf: {  	[smem:$0x3FAA] =	sst s7  }
0x10: {  	[smem:$0x3FAB] =	sst s8  }
0x11: {  	[smem:$0x3FAC] =	sst s9;
	s0 =	simm.s32 @!p0 $0x0  }
0x12: {  	s1 =	sld [smem:$0x3F92];
	s0 =	simm.s32 @p0 $0x1  }
0x13: {  	[smem:$0x3FAD] =	sst s0;
	s0 =	simm.s32 @!p1 $0x0  }
0x14: {  	s2 =	sld [smem:$0x3F91];
	s0 =	simm.s32 @p1 $0x1  }
0x15: {  	[smem:$0x3FAE] =	sst s0;
	s0 =	simm.s32 @!p2 $0x0  }
0x16: {  	s3 =	sld [smem:$0x3FDB];
	s0 =	simm.s32 @p2 $0x1  }
0x17: {  	s4 =	simm.s32 $0x1BF5;
	[smem:$0x3FB0] =	sst s0  }
0x18: {  	s0 =	sld [smem:$0x3F93];
	_ =	swait.ge [sflag:s4], $0x0  }
0x19: {  	s7 =	sld [smem:$0x3F94]  }
0x1a: {  	s8 =	sadd.s32 $0xFFFFE003, lr  }
0x1b: {  	s9 =	sadd.s32 $0xFFFFFEF7, lr;
	s5 =	simm.s32 $0xFFFFFFFF;
	p2 =	slt.u32 s8, $0xFFFFF086  }
0x1c: {  	p1 =	slt.u32 s9, $0xF7A;
	s5 =	simm.s32 @!p2 $0x0  }
0x1d: {  	s5 =	simm.s32 @p1 $0x1;
	p0 =	seq.s32 s7, s2  }
0x1e: {  	s7 =	smul.u32 @!p0 $0xF7A, s2;
	p2 =	seq.s32 @!p0 s5, $0x0  }
0x1f: {  	s9 =	smul.u32 $0xF7A, s1;
	s8 =	simm.s32 @!p0 $0x1BF5;
	p2 =	por !p2, p0  }
0x20: {  	[sflag:s8] =	ssyncset.s32 @!p0 $0xFFFFF086;
	s6 =	sadd.s32 @!p0 s3, s7;
	s7 =	simm.s32 @!p0 $0x108  }
0x21: {  	s3 =	sadd.s32 s3, s9;
	s6 =	sadd.s32 @!p0 $0x88, s6;
	s7 =	simm.s32 @p2 $0x1082  }
0x22: {  	[simem:s7], [sflag:s8] =	dma.local @!p0 [hbm:s6], $0xF7A  }
0x23: {  	s9 =	sor.u32 $0xD0000000, s2;
	s6 =	simm.s32 $0x108;
	_ =	swait.ge @!p0 [sflag:s8], $0x0  }
0x24: {  	s3 =	sadd.s32 $0x88, s3;
	s6 =	simm.s32 @!p1 $0x1082;
	[sflag:s4] =	ssyncset.s32 $0xFFFFF086  }
0x25: {  	[simem:s6], [sflag:s4] =	dma.local [hbm:s3], $0xF7A  }
0x26: {  	[smem:$0x3F94] =	sst s1;
	(tag) =	ssettag s2;
	_ =	strace s9  }
0x27: {  	s1 =	sld [smem:$0x3FA4]  }
0x28: {  	s2 =	sld [smem:$0x3FA5]  }
0x29: {  	s4 =	sld [smem:$0x3FA7]  }
0x2a: {  	p0 =	seq.s32 s5, $0x0;
	s5 =	sld [smem:$0x3FA8]  }
0x2b: {  	s6 =	sld [smem:$0x3FA9]  }
0x2c: {  	s7 =	sld [smem:$0x3FAA]  }
0x2d: {  	s3 =	simm.s32 $0x108;
	s8 =	sld [smem:$0x3FAB]  }
0x2e: {  	s3 =	simm.s32 @!p0 $0x1082;
	s9 =	sld [smem:$0x3FAC]  }
0x2f: {  	lr =	sadd.s32 s0, s3;
	s0 =	sld [smem:$0x3FA3]  }
0x30: {  	s3 =	sld [smem:$0x3FA6]  }
0x31: {  	[smem:$0x3FAF] =	sst s10  }
0x32: {  	s10 =	sld [smem:$0x3FAD];
	_ =	sdelay $0x3  }
0x33: {  	p0 =	seq.s32 s10, $0x1;
	s10 =	sld [smem:$0x3FAF];
	_ =	sdelay $0x3  }
0x34: {  	[smem:$0x3FAF] =	sst s10  }
0x35: {  	s10 =	sld [smem:$0x3FAE];
	_ =	sdelay $0x3  }
0x36: {  	p1 =	seq.s32 s10, $0x1;
	s10 =	sld [smem:$0x3FAF];
	_ =	sdelay $0x3  }
0x37: {  	[smem:$0x3FAF] =	sst s10  }
0x38: {  	s10 =	sld [smem:$0x3FB0]  }
0x39: {  	_ = 	snop;
	(pc) =	sbr.ind lr, $3  }
0x3a: {  	_ = 	snop  }
0x3b: {  	_ = 	snop  }
0x3c: {  	p2 =	seq.s32 s10, $0x1;
	s10 =	sld [smem:$0x3FAF]  }
0x3d: {  	_ =	shalt  }
0x3e: {  	_ =	shalt  }
0x3f: {  	_ =	shalt  }
0x40: {  	_ =	shalt  }
0x41: {  	_ =	shalt  }
0x42: {  	_ =	shalt  }
0x43: {  	_ =	shalt  }
0x44: {  	_ =	shalt  }
0x45: {  	_ =	shalt  }
0x46: {  	_ =	shalt  }
0x47: {  	_ =	shalt  }
0x48: {  	_ =	shalt  }
0x49: {  	_ =	shalt  }
0x4a: {  	_ =	shalt  }
0x4b: {  	_ =	shalt  }
0x4c: {  	_ =	shalt  }
0x4d: {  	_ =	shalt  }
0x4e: {  	_ =	shalt  }
0x4f: {  	_ =	shalt  }
0x50: {  	_ =	shalt  }
0x51: {  	_ =	shalt  }
0x52: {  	_ =	shalt  }
0x53: {  	_ =	shalt  }
0x54: {  	_ =	shalt  }
0x55: {  	_ =	shalt  }
0x56: {  	_ =	shalt  }
0x57: {  	_ =	shalt  }
0x58: {  	_ =	shalt  }
0x59: {  	_ =	shalt  }
0x5a: {  	_ =	shalt  }
0x5b: {  	_ =	shalt  }
0x5c: {  	_ =	shalt  }
0x5d: {  	_ =	shalt  }
0x5e: {  	_ =	shalt  }
0x5f: {  	_ =	shalt  }
0x60: {  	_ =	shalt  }
0x61: {  	_ =	shalt  }
0x62: {  	_ =	shalt  }
0x63: {  	_ =	shalt  }
0x64: {  	_ =	shalt  }
0x65: {  	_ =	shalt  }
0x66: {  	_ =	shalt  }
0x67: {  	_ =	shalt  }
0x68: {  	_ =	shalt  }
0x69: {  	_ =	shalt  }
0x6a: {  	_ =	shalt  }
0x6b: {  	_ =	shalt  }
0x6c: {  	_ =	shalt  }
0x6d: {  	_ =	shalt  }
0x6e: {  	_ =	shalt  }
0x6f: {  	_ =	shalt  }
0x70: {  	_ =	shalt  }
0x71: {  	_ =	shalt  }
0x72: {  	_ =	shalt  }
0x73: {  	_ =	shalt  }
0x74: {  	_ =	shalt  }
0x75: {  	_ =	shalt  }
0x76: {  	_ =	shalt  }
0x77: {  	_ =	shalt  }
0x78: {  	_ =	shalt  }
0x79: {  	_ =	shalt  }
0x7a: {  	_ =	shalt  }
0x7b: {  	_ =	shalt  }
0x7c: {  	_ =	shalt  }
0x7d: {  	_ =	shalt  }
0x7e: {  	_ =	shalt  }
0x7f: {  	_ =	shalt  }
0x80: {  	_ =	shalt  }
0x81: {  	_ =	shalt  }
0x82: {  	_ =	shalt  }
0x83: {  	_ =	shalt  }
0x84: {  	_ =	shalt  }
0x85: {  	_ =	shalt  }
0x86: {  	_ =	shalt  }
0x87: {  	_ =	shalt  }
.Lfunc_end0:
.L_simem_size_0:
called_computation_lowered:
.L_overlay_start_0:
0x88: {  	s2 =	sld [smem:$0x3FD9]  }
0x89: {  	s3 =	sld [smem:$0x3FFE];
	_ =	sdelay $0x1  }
0x8a: {  	s1 =	srdreg.scid  }
0x8b: {  	s0 =	sand.u32 $0x1, s1  }
0x8c: {  	s17 =	sshll.u32 s0, $0xA;
	s2 =	sadd.s32 s3, s2  }
0x8d: {  	s2 =	sadd.s32 s2, s17  }
0x8e: {  	[smem:$0x3FBB] =	sst s2  }
0x8f: {  	_ = 	snop  }
0x90: {  	s2 =	sld [smem:$0x3FC7];
	(tm) =	ssettm $0x1  }
0x91: {  	s18 =	sld [smem:$0x3FFB];
	_ =	sdelay $0x3  }
0x92: {  	_ =	strace s18  }
0x93: {  	s3 =	sld [smem:$0x3FFC];
	_ =	sdelay $0x3  }
0x94: {  	_ =	strace s3  }
0x95: {  	s3 =	sld [smem:$0x3FFD];
	_ =	sdelay $0x3  }
0x96: {  	_ =	strace s3  }
0x97: {  	_ =	strace $0x8FFFFFFF  }
0x98: {  	s19 =	sld [smem:$0x3FDB];
	_ =	sdelay $0x1  }
0x99: {  	s4 =	simm.s32 $_scs_section_size  }
0x9a: {  	s5 =	simm.s32 $_size__tile_overlayer_lowered;
	s6 =	simm.s32 $_tile_overlayer_lowered  }
0x9b: {  	s22 =	simm.s32 $0x1BFF;
	s21 =	sshll.u32 s6, $0x1;
	s3 =	sadd.s32 s4, s19  }
0x9c: {  	s7 =	simm.s32 $0x0;
	s20 =	sshll.u32 s5, $0x1;
	s5 =	sadd.s32 s21, s3  }
0x9d: {  	[timem:s7], [sflag:s22] =	dma.local [hbm:s5], s20  }
0x9e: {  	_ =	swait.ge [sflag:s22], s20  }
0x9f: {  	s4 =	ssub.s32 $0x0, s20;
	[sflag:s22] =	ssyncset.done $0x0  }
0xa0: {  	[sflag:s22] =	ssyncadd.s32 s4;
	_ =	sdelay $0x1  }
0xa1: {  	s23 =	simm.s32 $0x1B8B  }
0xa2: {  	_ =	swait.ge [sflag:s23], $0x1  }
0xa3: {  	[sflag:s23] =	ssyncset.done $0x0  }
0xa4: {  	s25 =	simm.s32 $0x1B8E;
	s24 =	sld [smem:$0x3FFE];
	[sflag:s23] =	ssyncadd.s32 $0xFFFFFFFF  }
0xa5: {  	s26 =	simm.s32 $execute0_lowered;
	[smem:$0x3FD2] =	sst s25  }
0xa6: {  	s5 =	sshll.u32 s26, $0x1;
	_ =	strace $0x80000046;
	[dreg:$0x1] =	wrdreg $0xFFFFFFFF  }
0xa7: {  	s28 =	simm.s32 $_size_execute0_lowered;
	s3 =	sadd.s32 s3, s5;
	[dreg:$0x0] =	wrdreg $0x0  }
0xa8: {  	s5 =	sshll.u32 s28, $0x1;
	[dreg:$0x2] =	wrdreg s3  }
0xa9: {  	[dreg:$0x3] =	wrdreg s5  }
0xaa: {  	[dreg:$0x4] =	wrdreg $0xC0  }
0xab: {  	_ =	task [dreg:s7], $0x5FFFF  }
0xac: {  	[dreg:$0x1] =	wrdreg $0xFFFFFFFF  }
0xad: {  	[dreg:$0x0] =	wrdreg $0x60  }
0xae: {  	[dreg:$0x2] =	wrdreg s24  }
0xaf: {  	[dreg:$0x3] =	wrdreg s2  }
0xb0: {  	[dreg:$0x4] =	wrdreg $0x3D000  }
0xb1: {  	[dreg:$0x5] =	wrdreg $0x9  }
0xb2: {  	_ =	task.clear_ibuf [dreg:s7], $0x6FFFF;
	_ =	strace $0x90000046  }
0xb3: {  	s29 =	simm.s32 $0x9;
	_ =	strace $0x80000048  }
0xb4: {  	_ =	swait.ge [sflag:s29], $0x1  }
0xb5: {  	[sflag:s29] =	ssyncadd.s32 $0xFFFFFFFF  }
0xb6: {  	_ =	strace $0x90000048  }
0xb7: {  	_ =	sfence  }
0xb8: {  	s30 =	sld [smem:$0x0];
	_ =	sdelay $0x2  }
0xb9: {  	s31 =	sshll.u32 s1, $0xD;
	s1 =	sshrl.u32 s1, $0x2  }
0xba: {  	s3 =	sand.u32 $0x4000, s31;
	s1 =	sadd.s32 s1, s30  }
0xbb: {  	s0 =	sor.u32 s3, s0;
	s1 =	sshll.u32 s1, $0x11  }
0xbc: {  	s0 =	sor.u32 s1, s0  }
0xbd: {  	s0 =	sadd.s32 $0x8F2B, s0  }
0xbe: {  	[sflag:s0] =	ssyncadd.remote.s32 $0x1  }
0xbf: {  	_ =	sfence.sel $0xFFFF  }
0xc0: {  	[dreg:$0x0] =	wrdreg $0xFFFFFFFF;
	(pc) =	sbr.abs _section_cstart, $3  }
0xc1: {  	[dreg:$0x1] =	wrdreg $0xFFFFFFFF  }
0xc2: {  	_ =	task.clear_ibuf [dreg:s7], $0x2FFFF;
	_ =	strace $0x9FFFFFFF  }
0xc3: {  	(tm) =	ssettm $0x7FFFFFFF  }
tec
execute0_lowered:
.L_overlay_start_1:
0x0: {  	(tag) =	ssettag $0x1  }
0x1: {  	s8 =	rddreg [dreg:$0x0]  }
0x2: {  	s1 =	rddreg [dreg:$0x1]  }
0x3: {  	s9 =	rddreg [dreg:$0x2]  }
0x4: {  	s0 =	rddreg [dreg:$0x3];
	s2 =	simm.s32 $0x0;
	s3 =	srdreg.scid  }
0x5: {  	s14 =	simm.s32 $0x18600;
	s16 =	simm.s32 $0x3800;
	s17 =	simm.s32 $0x3A80  }
0x6: {  	s18 =	simm.s32 $0x0;
	[smem:$0x7FF] =	sst s2;
	s11 =	sand.u32 $0x1, s3  }
0x7: {  	s4 =	sadd.s32 $0xE800, s8;
	s3 =	stileid.u32;
	s5 =	sadd.s32 $0x4A00, s8  }
0x8: {  	_ =	strace $0x80000047;
	s6 =	ssub.s32 $0x2, s11;
	s13 =	smul.u32 $0x5000, s3  }
0x9: {  	s10 =	sshrl.u32 s3, $0x3;
	s29 =	sshll.u32 s3, $0x7;
	s15 =	smul.u32 $0x50, s3  }
0xa: {  	p0 =	seq.s32 s11, $0x0;
	s7 =	sshrl.u32 s6, $0x1;
	s10 =	smul.u32 $0x50000, s10  }
0xb: {  	s14 =	simm.s32 @!p0 $0x18C00;
	p0 =	sne.s32 s11, $0x0;
	s11 =	simm.s32 $0x1  }
0xc: {  	s12 =	ssub.s32 s6, s7;
	s6 =	smul.u32 $0x4E20, s3;
	s7 =	sand.u32 $0x380, s29  }
0xd: {  	s30 =	sshrl.u32 s13, $0x2;
	s31 =	sadd.s32 s14, s8;
	s13 =	simm.s32 $0x1000  }
0xe: {  	s14 =	simm.s32 $0x80;
	s10 =	sshrl.u32 s10, $0x2;
	s8 =	sadd.s32 s30, s9  }
0xf: {  	s10 =	sadd.s32 s10, s9;
	s9 =	smax.u32 s12, $0x1;
	s12 =	simm.s32 $0x800  }
0x10: {  	v0 =	vimm.f32 $0.0e+00;
	s7 =	sadd.s32 s7, s10;
	s10 =	sadd.s32 s31, s15;
	s15 =	simm.s32 $0x400  }
.LBB2_1:
0x11: {  	s19 =	simm.s32 $0x40;
	s20 =	simm.s32 $0x0  }
.LBB2_2:
0x12: {  	p1 =	sne.s32 s19, $0x9FC0;
	[tilespmem:s20+$0x1000] =	vst v0;
	s20 =	smov.u32 s19;
	s19 =	sadd.s32 $0x40, s19  }
.Ltmp0:
0x13: {  	(pc) =	sbr.rel @p1 .LBB2_2-.Ltmp0, $2  }
0x14: {  	_ =	sdelay $0x2  }
0x15: {  	s20 =	sshra.s32 s20, $0x2  }
.Ltmp1:
0x16: {  	(pc) =	sbr.rel @p0 .LBB2_7-.Ltmp1, $2  }
0x17: {  	_ =	sdelay $0x2  }
0x18: {  	[tilespmem:s20+$0x1000] =	vst v0;
	s19 =	simm.s32 $0x0;
	s20 =	simm.s32 $0x0;
	s21 =	simm.s32 $0x0  }
.LBB2_4:
0x19: {  	s21 =	smul.u32 $0x7D0, s20;
	_ =	sdelay $0x1  }
0x1a: {  	s21 =	sadd.s32 s6, s21  }
0x1b: {  	s21 =	sshrl.u32 s21, $0x3  }
0x1c: {  	s22 =	sadd.s32 s4, s21  }
0x1d: {  	[tilespmem:s19], [sflag:$0x1] =	stream.linear.gather [hbm4b:s22+s19], $0x7D0, $0x38;
	[tilespmem:$0x6500] =	vst v63  }
0x1e: {  	_ =	swait.ge [sflag:s11], $0x7D0  }
0x1f: {  	[sflag:s11] =	ssyncset.done $0x0  }
0x20: {  	s21 =	sadd.s32 s1, s21;
	[sflag:s11] =	ssyncadd.s32 $0xFFFFF830  }
0x21: {  	[tilespmem:s12], [sflag:$0x1] =	stream.linear.gather [hbm4b:s21+s19], $0x7D0, $0x38;
	[tilespmem:$0x6500] =	vst v63  }
0x22: {  	_ =	swait.ge [sflag:s11], $0x7D0  }
0x23: {  	[sflag:s11] =	ssyncset.done $0x0  }
0x24: {  	s22 =	simm.s32 $0x0;
	s21 =	simm.s32 $0x40;
	[sflag:s11] =	ssyncadd.s32 $0xFFFFF830  }
.LBB2_5:
0x25: {  	p1 =	sne.s32 s21, $0x1F00;
	v1 =	vld [tilespmem:s22+$0x0];
	_ =	sdelay $0x2  }
0x26: {  	v2 =	vld [tilespmem:s22+$0x800]  }
.Ltmp2:
0x27: {  	(pc) =	sbr.rel @p1 .LBB2_5-.Ltmp2, $2  }
0x28: {  	_ =	sdelay $0x2  }
0x29: {  	s22 =	sshra.s32 s21, $0x2;
	s21 =	sadd.s32 $0x40, s21;
	[tilespmem:v1+s13+$0x0] =	vst.idx.add.f32.msk $0xffff, v2  }
0x2a: {  	v1 =	vld [tilespmem:s22+$0x0];
	_ =	sdelay $0x1  }
0x2b: {  	s20 =	sadd.s32 $0x1, s20  }
0x2c: {  	v2 =	vld [tilespmem:s22+$0x800];
	p1 =	seq.s32 s20, $0xA  }
.Ltmp3:
0x2d: {  	_ = 	snop;
	(pc) =	sbr.rel @!p1 .LBB2_4-.Ltmp3, $4  }
.Ltmp4:
0x2e: {  	_ = 	snop;
	(pc) =	sbr.rel @p1 .LBB2_10-.Ltmp4, $4  }
0x2f: {  	_ = 	snop  }
0x30: {  	_ = 	snop  }
0x31: {  	[tilespmem:v1+s13+$0x0] =	vst.idx.add.f32.msk $0xffff, v2  }
0x32: {  	_ = 	snop  }
.LBB2_7:
0x33: {  	s20 =	smul.u32 $0x7D0, s21;
	_ =	sdelay $0x1  }
0x34: {  	s20 =	sadd.s32 s6, s20  }
0x35: {  	s20 =	sshrl.u32 s20, $0x3  }
0x36: {  	s22 =	sadd.s32 s5, s20  }
0x37: {  	[tilespmem:s19], [sflag:$0x1] =	stream.linear.gather [hbm4b:s22+s19], $0x7D0, $0x38;
	[tilespmem:$0x6500] =	vst v63  }
0x38: {  	_ =	swait.ge [sflag:s11], $0x7D0  }
0x39: {  	[sflag:s11] =	ssyncset.done $0x0  }
0x3a: {  	s20 =	sadd.s32 s1, s20;
	[sflag:s11] =	ssyncadd.s32 $0xFFFFF830  }
0x3b: {  	[tilespmem:s12], [sflag:$0x1] =	stream.linear.gather [hbm4b:s20+s19], $0x7D0, $0x38;
	[tilespmem:$0x6500] =	vst v63  }
0x3c: {  	_ =	swait.ge [sflag:s11], $0x7D0  }
0x3d: {  	[sflag:s11] =	ssyncset.done $0x0  }
0x3e: {  	s22 =	simm.s32 $0x0;
	s20 =	simm.s32 $0x40;
	[sflag:s11] =	ssyncadd.s32 $0xFFFFF830  }
.LBB2_8:
0x3f: {  	p1 =	sne.s32 s20, $0x1F00;
	v1 =	vld [tilespmem:s22+$0x0];
	_ =	sdelay $0x2  }
0x40: {  	v2 =	vld [tilespmem:s22+$0x800]  }
.Ltmp5:
0x41: {  	(pc) =	sbr.rel @p1 .LBB2_8-.Ltmp5, $2  }
0x42: {  	_ =	sdelay $0x2  }
0x43: {  	s22 =	sshra.s32 s20, $0x2;
	s20 =	sadd.s32 $0x40, s20;
	[tilespmem:v1+s13+$0x0] =	vst.idx.add.f32.msk $0xffff, v2  }
0x44: {  	v1 =	vld [tilespmem:s22+$0x0];
	_ =	sdelay $0x1  }
0x45: {  	s21 =	sadd.s32 $0x1, s21  }
0x46: {  	v2 =	vld [tilespmem:s22+$0x800];
	p1 =	sne.s32 s21, $0xA  }
.Ltmp6:
0x47: {  	_ = 	snop;
	(pc) =	sbr.rel @p1 .LBB2_7-.Ltmp6, $2  }
0x48: {  	_ =	sdelay $0x2  }
0x49: {  	[tilespmem:v1+s13+$0x0] =	vst.idx.add.f32.msk $0xffff, v2  }
.LBB2_10:
0x4a: {  	[spmem:s7] =	stream.strided.scatter [tilespmem:s13], [sflag:$0x1], $0x2800, s15, s14, $0x38;
	[tilespmem:$0x6500] =	vst v63  }
0x4b: {  	_ =	swait.ge [sflag:s11], $0x2800  }
0x4c: {  	[sflag:s11] =	ssyncset.done $0x0  }
0x4d: {  	[sflag:s11] =	ssyncadd.s32 $0xFFFFD800  }
0x4e: {  	[bflag:$0x0] =	sbarrier.arrive $0xFFFF  }
0x4f: {  	[tilespmem:$0x3A80] =	vst v0  }
0x50: {  	[tilespmem:$0x3A90] =	vst v0  }
0x51: {  	[tilespmem:$0x3AA0] =	vst v0  }
0x52: {  	[tilespmem:$0x3AB0] =	vst v0  }
0x53: {  	[tilespmem:$0x3AC0] =	vst v0  }
0x54: {  	[tilespmem:$0x3AD0] =	vst v0  }
0x55: {  	[tilespmem:$0x3AE0] =	vst v0  }
0x56: {  	[tilespmem:$0x3AF0] =	vst v0  }
0x57: {  	[tilespmem:$0x3B00] =	vst v0  }
0x58: {  	[tilespmem:$0x3B10] =	vst v0  }
0x59: {  	[tilespmem:$0x3B20] =	vst v0  }
0x5a: {  	[tilespmem:$0x3B30] =	vst v0  }
0x5b: {  	[tilespmem:$0x3B40] =	vst v0  }
0x5c: {  	[tilespmem:$0x3B50] =	vst v0  }
0x5d: {  	[tilespmem:$0x3B60] =	vst v0  }
0x5e: {  	[tilespmem:$0x3B70] =	vst v0  }
0x5f: {  	[tilespmem:$0x3B80] =	vst v0  }
0x60: {  	[tilespmem:$0x3B90] =	vst v0  }
0x61: {  	[tilespmem:$0x3BA0] =	vst v0  }
0x62: {  	[tilespmem:$0x3BB0] =	vst v0  }
0x63: {  	[tilespmem:$0x3BC0] =	vst v0  }
0x64: {  	[tilespmem:$0x3BD0] =	vst v0  }
0x65: {  	[tilespmem:$0x3BE0] =	vst v0  }
0x66: {  	[tilespmem:$0x3BF0] =	vst v0  }
0x67: {  	[tilespmem:$0x3C00] =	vst v0  }
0x68: {  	[tilespmem:$0x3C10] =	vst v0  }
0x69: {  	[tilespmem:$0x3C20] =	vst v0  }
0x6a: {  	[tilespmem:$0x3C30] =	vst v0  }
0x6b: {  	[tilespmem:$0x3C40] =	vst v0  }
0x6c: {  	[tilespmem:$0x3C50] =	vst v0  }
0x6d: {  	[tilespmem:$0x3C60] =	vst v0  }
0x6e: {  	[tilespmem:$0x3C70] =	vst v0  }
0x6f: {  	[tilespmem:$0x3C80] =	vst v0  }
0x70: {  	[tilespmem:$0x3C90] =	vst v0  }
0x71: {  	[tilespmem:$0x3CA0] =	vst v0  }
0x72: {  	[tilespmem:$0x3CB0] =	vst v0  }
0x73: {  	[tilespmem:$0x3CC0] =	vst v0  }
0x74: {  	[tilespmem:$0x3CD0] =	vst v0  }
0x75: {  	[tilespmem:$0x3CE0] =	vst v0  }
0x76: {  	s19 =	simm.s32 $0x0;
	[tilespmem:$0x3CF0] =	vst v0  }
.LBB2_11:
0x77: {  	s20 =	sshrl.u32 s19, $0x3  }
0x78: {  	s20 =	smul.u32 $0x50000, s20;
	_ =	sdelay $0x1  }
0x79: {  	s21 =	sshll.u32 s19, $0x7;
	s20 =	sshra.s32 s20, $0x2  }
0x7a: {  	s21 =	sand.u32 $0x380, s21;
	s20 =	sadd.s32 s20, s8  }
0x7b: {  	s20 =	sadd.s32 s21, s20  }
0x7c: {  	[tilespmem:s16], [sflag:$0x1] =	stream.strided.gather [spmem:s20], $0x280, s15, s14, $0x38;
	[tilespmem:$0x6500] =	vst v63  }
0x7d: {  	_ =	swait.ge [sflag:s11], $0x280  }
0x7e: {  	[sflag:s11] =	ssyncset.done $0x0  }
0x7f: {  	s20 =	simm.s32 $0x0;
	[sflag:s11] =	ssyncadd.s32 $0xFFFFFD80  }
0x80: {  	s21 =	simm.s32 $0x40;
	v1 =	vld [tilespmem:s20+$0x3800]  }
.LBB2_12:
0x81: {  	p1 =	sne.s32 s21, $0x9C0;
	v2 =	vld [tilespmem:s20+$0x3A80];
	_ =	sdelay $0x2  }
.Ltmp7:
0x82: {  	(pc) =	sbr.rel @p1 .LBB2_12-.Ltmp7, $4  }
0x83: {  	_ = 	snop  }
0x84: {  	v2 =	vadd.f32 v1, v2  }
0x85: {  	s22 =	sshra.s32 s21, $0x2  }
0x86: {  	s21 =	sadd.s32 $0x40, s21;
	v1 =	vld [tilespmem:s22+$0x3800];
	[tilespmem:s20+$0x3A80] =	vst v2;
	s20 =	smov.u32 s22  }
0x87: {  	v2 =	vld [tilespmem:s20+$0x3A80]  }
0x88: {  	s19 =	sadd.s32 $0x1, s19  }
0x89: {  	p1 =	sne.s32 s19, $0x10  }
.Ltmp8:
0x8a: {  	_ = 	snop;
	(pc) =	sbr.rel @p1 .LBB2_11-.Ltmp8, $3  }
0x8b: {  	_ = 	snop  }
0x8c: {  	v1 =	vadd.f32 v1, v2;
	_ =	sdelay $0x1  }
0x8d: {  	[tilespmem:s20+$0x3A80] =	vst v1  }
0x8e: {  	s18 =	sadd.s32 $0x1, s18  }
0x8f: {  	p1 =	sne.s32 s18, s9  }
.Ltmp9:
0x90: {  	_ = 	snop;
	(pc) =	sbr.rel @p1 .LBB2_1-.Ltmp9, $4  }
0x91: {  	[hbm4b:s10+s2] =	stream.linear.scatter [tilespmem:s17], [sflag:$0x1], $0x280, $0x38;
	[tilespmem:$0x6500] =	vst v63  }
0x92: {  	_ =	swait.ge [sflag:s11], $0x280  }
0x93: {  	[sflag:s11] =	ssyncset.done $0x0  }
0x94: {  	[sflag:s11] =	ssyncadd.s32 $0xFFFFFD80  }
0x95: {  	_ =	sfence.sel $0x180000  }
0x96: {  	[bflag:$0x0] =	sbarrier.arrive $0xFFFF  }
0x97: {  	p0 =	sne.s32 s3, $0x0;
	_ =	strace $0x90000047  }
0x98: {  	s0 =	sadd.s32 @!p0 $0x100000, s0;
	[bflag:$0x2] =	sbarrier.arrive $0xFFFF  }
0x99: {  	[sflag:s0] =	ssyncadd.tile.s32 @!p0 $0x1;
	_ =	shalt  }
.Lfunc_end2:
_tile_overlayer_lowered:
.L_overlay_start_2:
0x9a: {  	(tag) =	ssettag $0x2  }
0x9b: {  	s0 =	rddreg [dreg:$0x0];
	s2 =	stileid.u32  }
0x9c: {  	s1 =	rddreg [dreg:$0x1];
	p0 =	sne.s32 s2, $0x0  }
0x9d: {  	s3 =	rddreg [dreg:$0x2];
	[bflag:$0x3] =	sbarrier.arrive $0xFFFF;
	s2 =	simm.s32 @!p0 $0x1C01  }
0x9e: {  	[timem:s3], [sflag:s2] =	dma.local @!p0 [hbm:s0], s1  }
0x9f: {  	s0 =	simm.s32 @!p0 $0x1  }
0xa0: {  	_ =	swait.ge @!p0 [sflag:s0], s1  }
0xa1: {  	s1 =	ssub.s32 @!p0 $0x0, s1;
	[sflag:s0] =	ssyncset.done @!p0 $0x0  }
0xa2: {  	[sflag:s0] =	ssyncadd.s32 @!p0 s1  }
0xa3: {  	[bflag:$0x3] =	sbarrier.arrive $0xFFFF  }
0xa4: {  	_ =	shalt  }

</sc_bundles>
